<compile_context>
chip_gen: v7x
topology: tpu7x:2x2x1
jax: 0.10.2.dev20260603
libtpu: 0.0.44.dev20260713+nightly
codegen_flags: <defaults>
</compile_context>

<pallas_src>
import functools

import jax
import jax.numpy as jnp
from jax import lax
from jax.experimental import pallas as pl
from jax.experimental.pallas import tpu as pltpu
from jax.experimental.pallas import tpu_sc as plsc

_N = 10000
_E = 160000
_F = 256
_H = 256
_OUT = 128
_HH = 128
_BN = 2000
_GRID = _N // _BN
_NS = 16
_CH = 128
_EPC = ((_E // _NS + _CH - 1) // _CH) * _CH
_EPAD = _EPC * _NS
_NCH = _EPC // _CH
_ROWS_PT = 624
_ACC_ROWS = _N + 8
_EPS = 1e-5


def _mm(a, b):
    return jnp.dot(a, b, preferred_element_type=jnp.float32,
                   precision=jax.lax.Precision.HIGHEST)


def _sc_agg_body(x2, srcp, dstp, out, srcv, dstv, idxv, rows, acc, sem):
    c = lax.axis_index("c")
    s = lax.axis_index("s")
    pltpu.sync_copy(x2.at[pl.ds(c * _N + s * _ROWS_PT, _ROWS_PT)],
                    acc.at[pl.ds(s * _ROWS_PT, _ROWS_PT)])

    @pl.when(s == _NS - 1)
    def _():
        tail0 = _ROWS_PT * _NS
        pltpu.sync_copy(x2.at[pl.ds(c * _N + tail0, _N - tail0)],
                        acc.at[pl.ds(tail0, _N - tail0)])

    plsc.subcore_barrier()
    base0 = s * _EPC
    off = c * _N

    def chunk(e, carry):
        base = pl.multiple_of(base0 + e * _CH, _CH)
        pltpu.sync_copy(srcp.at[pl.ds(base, _CH)], srcv)
        pltpu.sync_copy(dstp.at[pl.ds(base, _CH)], dstv)
        for j in range(_CH // 16):
            idxv[pl.ds(j * 16, 16)] = srcv[pl.ds(j * 16, 16)] + off
        pltpu.async_copy(x2.at[idxv], rows, sem).wait()
        pltpu.sync_copy(rows, acc.at[dstv], add=True)
        return carry

    lax.fori_loop(0, _NCH, chunk, 0, unroll=False)
    plsc.subcore_barrier()
    pltpu.sync_copy(acc.at[pl.ds(s * _ROWS_PT, _ROWS_PT)],
                    out.at[pl.ds(c * _N + s * _ROWS_PT, _ROWS_PT)])

    @pl.when(s == _NS - 1)
    def _():
        tail0 = _ROWS_PT * _NS
        pltpu.sync_copy(acc.at[pl.ds(tail0, _N - tail0)],
                        out.at[pl.ds(c * _N + tail0, _N - tail0)])


@functools.cache
def _sc_agg_kernel():
    return pl.kernel(
        _sc_agg_body,
        out_type=jax.ShapeDtypeStruct((2 * _N, _HH), jnp.float32),
        mesh=plsc.VectorSubcoreMesh(core_axis_name="c", subcore_axis_name="s",
                                    num_cores=2, num_subcores=_NS),
        scratch_types=[
            pltpu.VMEM((_CH,), jnp.int32),
            pltpu.VMEM((_CH,), jnp.int32),
            pltpu.VMEM((_CH,), jnp.int32),
            pltpu.VMEM((_CH, _HH), jnp.float32),
            pltpu.VMEM_SHARED((_ACC_ROWS, _HH), jnp.float32),
            pltpu.SemaphoreType.DMA,
        ],
    )


def _sc_agg(x2, srcp, dstp):
    return _sc_agg_kernel()(x2, srcp, dstp)


def _stats_body(x_ref, st_ref):
    j = pl.program_id(0)
    xb = x_ref[...]
    s = jnp.concatenate([jnp.sum(xb, 0, keepdims=True),
                         jnp.sum(xb * xb, 0, keepdims=True)], axis=0)

    @pl.when(j == 0)
    def _():
        st_ref[...] = jnp.zeros_like(st_ref)

    st_ref[...] += s


_stats = pl.pallas_call(
    _stats_body,
    grid=(_GRID,),
    in_specs=[pl.BlockSpec((_BN, _F), lambda j: (j, 0))],
    out_specs=pl.BlockSpec((2, _F), lambda j: (0, 0)),
    out_shape=jax.ShapeDtypeStruct((2, _F), jnp.float32),
    compiler_params=pltpu.CompilerParams(
        dimension_semantics=("arbitrary",)),
    name="gcn_stats",
)


def _norm_affine(st_ref, g_ref, b_ref, n_rows):
    mu = st_ref[0:1, :] / n_rows
    var = st_ref[1:2, :] / n_rows - mu * mu
    sc = lax.rsqrt(var + _EPS) * g_ref[...]
    return mu, sc, b_ref[...]


def _proj_body(x_ref, st_ref, g_ref, b_ref, wp_ref, bp_ref, out_ref):
    mu, sc, beta = _norm_affine(st_ref, g_ref, b_ref, float(_N))
    xn = (x_ref[...] - mu) * sc + beta
    z = jnp.maximum(_mm(xn, wp_ref[...]) + bp_ref[...], 0.0)
    out_ref[0] = z[:, :_HH]
    out_ref[1] = z[:, _HH:]


_proj = pl.pallas_call(
    _proj_body,
    grid=(_GRID,),
    in_specs=[
        pl.BlockSpec((_BN, _F), lambda j: (j, 0)),
        pl.BlockSpec((2, _F), lambda j: (0, 0)),
        pl.BlockSpec((1, _F), lambda j: (0, 0)),
        pl.BlockSpec((1, _F), lambda j: (0, 0)),
        pl.BlockSpec((_F, _H), lambda j: (0, 0)),
        pl.BlockSpec((1, _H), lambda j: (0, 0)),
    ],
    out_specs=pl.BlockSpec((2, _BN, _HH), lambda j: (0, j, 0)),
    out_shape=jax.ShapeDtypeStruct((2, _N, _HH), jnp.float32),
    compiler_params=pltpu.CompilerParams(
        dimension_semantics=("arbitrary",)),
    name="gcn_proj",
)


def _mlp_body(a_ref, w1_ref, b1_ref, w2_ref, b2_ref, w3_ref, b3_ref,
              h3_ref, st_ref):
    j = pl.program_id(0)
    h = jnp.maximum(_mm(a_ref[0], w1_ref[:_HH, :])
                    + _mm(a_ref[1], w1_ref[_HH:, :]) + b1_ref[...], 0.0)
    h = jnp.maximum(_mm(h, w2_ref[...]) + b2_ref[...], 0.0)
    h = _mm(h, w3_ref[...]) + b3_ref[...]
    h3_ref[...] = h
    s = jnp.concatenate([jnp.sum(h, 0, keepdims=True),
                         jnp.sum(h * h, 0, keepdims=True)], axis=0)

    @pl.when(j == 0)
    def _():
        st_ref[...] = jnp.zeros_like(st_ref)

    st_ref[...] += s


_mlp = pl.pallas_call(
    _mlp_body,
    grid=(_GRID,),
    in_specs=[
        pl.BlockSpec((2, _BN, _HH), lambda j: (0, j, 0)),
        pl.BlockSpec((_H, _H), lambda j: (0, 0)),
        pl.BlockSpec((1, _H), lambda j: (0, 0)),
        pl.BlockSpec((_H, _H), lambda j: (0, 0)),
        pl.BlockSpec((1, _H), lambda j: (0, 0)),
        pl.BlockSpec((_H, _H), lambda j: (0, 0)),
        pl.BlockSpec((1, _H), lambda j: (0, 0)),
    ],
    out_specs=[
        pl.BlockSpec((_BN, _H), lambda j: (j, 0)),
        pl.BlockSpec((2, _H), lambda j: (0, 0)),
    ],
    out_shape=[
        jax.ShapeDtypeStruct((_N, _H), jnp.float32),
        jax.ShapeDtypeStruct((2, _H), jnp.float32),
    ],
    compiler_params=pltpu.CompilerParams(
        dimension_semantics=("arbitrary",)),
    name="gcn_mlp",
)


def _norm_body(h3_ref, st_ref, g_ref, b_ref, res_ref, out_ref, *, add_res):
    mu, sc, beta = _norm_affine(st_ref, g_ref, b_ref, float(_N))
    xh = jnp.maximum((h3_ref[...] - mu) * sc + beta, 0.0)
    x0 = xh[:, :_HH]
    x1 = xh[:, _HH:]
    if add_res:
        x0 = x0 + res_ref[0]
        x1 = x1 + res_ref[1]
    out_ref[0] = x0
    out_ref[1] = x1


def _make_norm(add_res):
    return pl.pallas_call(
        functools.partial(_norm_body, add_res=add_res),
        grid=(_GRID,),
        in_specs=[
            pl.BlockSpec((_BN, _H), lambda j: (j, 0)),
            pl.BlockSpec((2, _H), lambda j: (0, 0)),
            pl.BlockSpec((1, _H), lambda j: (0, 0)),
            pl.BlockSpec((1, _H), lambda j: (0, 0)),
            pl.BlockSpec((2, _BN, _HH), lambda j: (0, j, 0)),
        ],
        out_specs=pl.BlockSpec((2, _BN, _HH), lambda j: (0, j, 0)),
        out_shape=jax.ShapeDtypeStruct((2, _N, _HH), jnp.float32),
        compiler_params=pltpu.CompilerParams(
            dimension_semantics=("arbitrary",)),
        name="gcn_norm_res" if add_res else "gcn_norm",
    )


_norm_plain = _make_norm(False)
_norm_res = _make_norm(True)


def _final_body(x_ref, wo_ref, bo_ref, emb_ref, log_ref):
    j = pl.program_id(0)
    s = jnp.concatenate([jnp.sum(x_ref[0], 0, keepdims=True),
                         jnp.sum(x_ref[1], 0, keepdims=True)], axis=1)

    @pl.when(j == 0)
    def _():
        emb_ref[...] = jnp.zeros_like(emb_ref)

    emb_ref[...] += s

    @pl.when(j == _GRID - 1)
    def _():
        pooled = emb_ref[...] / float(_N)
        emb_ref[...] = pooled
        log_ref[...] = _mm(pooled, wo_ref[...]) + bo_ref[...]

    @pl.when(j < _GRID - 1)
    def _():
        log_ref[...] = jnp.zeros_like(log_ref)


_final = pl.pallas_call(
    _final_body,
    grid=(_GRID,),
    in_specs=[
        pl.BlockSpec((2, _BN, _HH), lambda j: (0, j, 0)),
        pl.BlockSpec((_H, _OUT), lambda j: (0, 0)),
        pl.BlockSpec((1, _OUT), lambda j: (0, 0)),
    ],
    out_specs=[
        pl.BlockSpec((1, _H), lambda j: (0, 0)),
        pl.BlockSpec((1, _OUT), lambda j: (0, 0)),
    ],
    out_shape=[
        jax.ShapeDtypeStruct((1, _H), jnp.float32),
        jax.ShapeDtypeStruct((1, _OUT), jnp.float32),
    ],
    compiler_params=pltpu.CompilerParams(
        dimension_semantics=("arbitrary",)),
    name="gcn_final",
)


def kernel(x, edge_index, fn_gamma, fn_beta, Wp, bp, W1, b1, W2, b2, W3, b3,
           ng, nb, Wo, bo):
    src = edge_index[0]
    dst = edge_index[1]
    pad = _EPAD - _E
    srcp = jnp.concatenate([src, jnp.zeros((pad,), jnp.int32)])
    dstp = jnp.concatenate([dst, jnp.full((pad,), _N, jnp.int32)])

    st = _stats(x)
    xs = _proj(x, st, fn_gamma.reshape(1, _F), fn_beta.reshape(1, _F),
               Wp, bp.reshape(1, _H))
    res = xs
    L = W1.shape[0]
    num_convs = 2
    for i in range(L):
        for k in range(num_convs):
            agg = _sc_agg(xs.reshape(2 * _N, _HH), srcp, dstp)
            h3, st = _mlp(agg.reshape(2, _N, _HH),
                          W1[i], b1[i].reshape(1, _H),
                          W2[i], b2[i].reshape(1, _H),
                          W3[i], b3[i].reshape(1, _H))
            if k == num_convs - 1:
                xs = _norm_res(h3, st, ng[i].reshape(1, _H),
                               nb[i].reshape(1, _H), res)
            else:
                xs = _norm_plain(h3, st, ng[i].reshape(1, _H),
                                 nb[i].reshape(1, _H), res)
        res = xs
    emb, logits = _final(xs, Wo, bo.reshape(1, _OUT))
    return emb.reshape(_H), logits.reshape(_OUT)

# --- scband reference (transcript-rebuilt; emitter-appended) ---
"""Pipeline reference for scband-gcn-22789096472920 (READ-ONLY COPY).

The authoritative reference and input builder live on the scoring server;
editing this copy changes nothing except your own understanding.
"""

import jax, jax.numpy as jnp
import numpy as np

N = 10000
E = 160000
F = 256
H = 256
OUT = 128
L = 3
NUM_CONVS = 2


def setup_inputs(seed: int = 0) -> dict:
    key = jax.random.key(seed)
    ks = jax.random.split(key, 16)
    s = 1.0 / np.sqrt(H)
    inp = {}
    inp["x"] = jax.random.normal(ks[0], (N, F), dtype=jnp.float32)
    inp["edge_index"] = jax.random.randint(ks[1], (2, E), 0, N, dtype=jnp.int32)
    # feature_norm (BatchNorm1d over in_features)
    inp["fn_gamma"] = jnp.ones((F,), dtype=jnp.float32)
    inp["fn_beta"] = jnp.zeros((F,), dtype=jnp.float32)
    # project_node_feats: Linear(F, H)
    inp["Wp"] = jax.random.normal(ks[2], (F, H), dtype=jnp.float32) * s
    inp["bp"] = jnp.zeros((H,), dtype=jnp.float32)
    # GIN MLPs per mpnn block (num_hidden_layers=2 -> 3 linear layers), stacked over L blocks
    inp["W1"] = jax.random.normal(ks[3], (L, H, H), dtype=jnp.float32) * s
    inp["b1"] = jnp.zeros((L, H), dtype=jnp.float32)
    inp["W2"] = jax.random.normal(ks[4], (L, H, H), dtype=jnp.float32) * s
    inp["b2"] = jnp.zeros((L, H), dtype=jnp.float32)
    inp["W3"] = jax.random.normal(ks[5], (L, H, H), dtype=jnp.float32) * s
    inp["b3"] = jnp.zeros((L, H), dtype=jnp.float32)
    # per-block BatchNorm1d(H)
    inp["ng"] = jnp.ones((L, H), dtype=jnp.float32)
    inp["nb"] = jnp.zeros((L, H), dtype=jnp.float32)
    # notes_predictor: Linear(H, OUT)
    inp["Wo"] = jax.random.normal(ks[6], (H, OUT), dtype=jnp.float32) * s
    inp["bo"] = jnp.zeros((OUT,), dtype=jnp.float32)
    return inp


def _bn(h, gamma, beta):
    mu = h.mean(axis=0)
    var = h.var(axis=0)
    return (h - mu) / jnp.sqrt(var + 1e-5) * gamma + beta


def reference(x, edge_index, fn_gamma, fn_beta, Wp, bp, W1, b1, W2, b2, W3, b3, ng, nb, Wo, bo):
    src = edge_index[0]
    dst = edge_index[1]
    # feature norm + projection (dropout rate 0.0 -> identity)
    x = _bn(x, fn_gamma, fn_beta)
    x = jax.nn.relu(x @ Wp + bp)
    residual = x
    for i in range(L):
        for _ in range(NUM_CONVS):
            # GINConv: nn((1 + eps) * x + sum_{j in N(i)} x_j), eps = 0
            agg = jax.ops.segment_sum(x[src], dst, num_segments=N)
            h = x + agg
            h = jax.nn.relu(h @ W1[i] + b1[i])
            h = jax.nn.relu(h @ W2[i] + b2[i])
            h = h @ W3[i] + b3[i]
            x = jax.nn.relu(_bn(h, ng[i], nb[i]))
        x = x + residual
        residual = x
    # readout (BlendAggregator approximated as global mean pooling)
    pooled = x.mean(axis=0)
    embedding = pooled
    logits = pooled @ Wo + bo
    return (embedding, logits)

if __name__ == "__main__":
    import jax
    _d = setup_inputs()
    print(jax.jit(kernel)(*tuple(_d.values())))

</pallas_src>

<mosaic_0001>
#map = affine_map<(d0, d1) -> (0, 0)>
#map1 = affine_map<(d0, d1) -> (0)>
module attributes {stable_mosaic.version = 14 : i64} {
  func.func @_sc_agg_body(%arg0: i32, %arg1: i32, %arg2: memref<20000x128xf32, #tpu.memory_space<hbm>>, %arg3: memref<161792xi32, #tpu.memory_space<hbm>>, %arg4: memref<161792xi32, #tpu.memory_space<hbm>>, %arg5: memref<20000x128xf32, #tpu.memory_space<hbm>>, %arg6: memref<128xi32, #tpu.memory_space<vmem>>, %arg7: memref<128xi32, #tpu.memory_space<vmem>>, %arg8: memref<128xi32, #tpu.memory_space<vmem>>, %arg9: memref<128x128xf32, #tpu.memory_space<vmem>>, %arg10: memref<10008x128xf32, #tpu.memory_space<vmem_shared>>, %arg11: memref<!tpu.dma_semaphore, #tpu.memory_space<semaphore_mem>>) attributes {dimension_semantics = [#tpu.dimension_semantics<core_parallel>, #tpu.dimension_semantics<subcore_parallel>], iteration_bounds = array<i64: 2, 16>, scalar_prefetch = 0 : i64, scratch_operands = 6 : i64, tpu.core_type = #tpu.core_type<sc_vector_subcore>, window_params = [{transform_indices = #map}, {transform_indices = #map1}, {transform_indices = #map1}, {transform_indices = #map}]} {
    %mul3A = arith.constant 10000 : i32
    %mul3A_0 = arith.muli %arg0, %mul3A : i32
    %mul3A_1 = arith.constant 624 : i32
    %mul3A_2 = arith.muli %arg1, %mul3A_1 : i32
    %add3A = arith.addi %mul3A_0, %mul3A_2 : i32
    %mul3A_3 = arith.constant 624 : i32
    %mul3A_4 = arith.muli %arg1, %mul3A_3 : i32
    "tpu.region"() ({
      %run_scoped3A = tpu.sem_alloc : memref<!tpu.dma_semaphore, #tpu.memory_space<semaphore_mem>>
      %dma_start3A = arith.constant 0 : i32
      %dma_start3A_29 = tpu.memref_slice %arg10[%mul3A_4, %dma_start3A] : memref<10008x128xf32, #tpu.memory_space<vmem_shared>> -> memref<624x128xf32, #tpu.memory_space<vmem_shared>>
      %dma_start3A_30 = arith.constant 0 : i32
      %dma_start3A_31 = tpu.memref_slice %arg2[%add3A, %dma_start3A_30] : memref<20000x128xf32, #tpu.memory_space<hbm>> -> memref<624x128xf32, #tpu.memory_space<hbm>>
      tpu.enqueue_dma source(%dma_start3A_31 : memref<624x128xf32, #tpu.memory_space<hbm>>) target(%dma_start3A_29 : memref<624x128xf32, #tpu.memory_space<vmem_shared>>) target_semaphore(%run_scoped3A : memref<!tpu.dma_semaphore, #tpu.memory_space<semaphore_mem>>)
      %dma_wait3A = arith.constant 0 : i32
      %dma_wait3A_32 = tpu.memref_slice %arg10[%mul3A_4, %dma_wait3A] : memref<10008x128xf32, #tpu.memory_space<vmem_shared>> -> memref<624x128xf32, #tpu.memory_space<vmem_shared>>
      %dma_wait3A_33 = arith.constant 0 : i32
      %dma_wait3A_34 = tpu.memref_slice %arg2[%add3A, %dma_wait3A_33] : memref<20000x128xf32, #tpu.memory_space<hbm>> -> memref<624x128xf32, #tpu.memory_space<hbm>>
      tpu.wait_dma2 semaphore(%run_scoped3A : memref<!tpu.dma_semaphore, #tpu.memory_space<semaphore_mem>>) src(%dma_wait3A_34 : memref<624x128xf32, #tpu.memory_space<hbm>>) dst(%dma_wait3A_32 : memref<624x128xf32, #tpu.memory_space<vmem_shared>>)
      tpu.yield
    }) : () -> ()
    %eq3A = arith.constant 15 : i32
    %eq3A_5 = arith.cmpi eq, %arg1, %eq3A : i32
    %convert_element_type3A = arith.extui %eq3A_5 : i1 to i32
    %cond3A = arith.constant 0 : i32
    %cond3A_6 = arith.cmpi ne, %convert_element_type3A, %cond3A : i32
    scf.if %cond3A_6 {
      %mul3A_29 = arith.constant 10000 : i32
      %mul3A_30 = arith.muli %arg0, %mul3A_29 : i32
      %add3A_31 = arith.constant 9984 : i32
      %add3A_32 = arith.addi %mul3A_30, %add3A_31 : i32
      "tpu.region"() ({
        %run_scoped3A = tpu.sem_alloc : memref<!tpu.dma_semaphore, #tpu.memory_space<semaphore_mem>>
        %dma_start3A = arith.constant 9984 : i32
        %dma_start3A_33 = arith.constant 0 : i32
        %dma_start3A_34 = tpu.memref_slice %arg10[%dma_start3A, %dma_start3A_33] : memref<10008x128xf32, #tpu.memory_space<vmem_shared>> -> memref<16x128xf32, #tpu.memory_space<vmem_shared>>
        %dma_start3A_35 = arith.constant 0 : i32
        %dma_start3A_36 = tpu.memref_slice %arg2[%add3A_32, %dma_start3A_35] : memref<20000x128xf32, #tpu.memory_space<hbm>> -> memref<16x128xf32, #tpu.memory_space<hbm>>
        tpu.enqueue_dma source(%dma_start3A_36 : memref<16x128xf32, #tpu.memory_space<hbm>>) target(%dma_start3A_34 : memref<16x128xf32, #tpu.memory_space<vmem_shared>>) target_semaphore(%run_scoped3A : memref<!tpu.dma_semaphore, #tpu.memory_space<semaphore_mem>>)
        %dma_wait3A = arith.constant 9984 : i32
        %dma_wait3A_37 = arith.constant 0 : i32
        %dma_wait3A_38 = tpu.memref_slice %arg10[%dma_wait3A, %dma_wait3A_37] : memref<10008x128xf32, #tpu.memory_space<vmem_shared>> -> memref<16x128xf32, #tpu.memory_space<vmem_shared>>
        %dma_wait3A_39 = arith.constant 0 : i32
        %dma_wait3A_40 = tpu.memref_slice %arg2[%add3A_32, %dma_wait3A_39] : memref<20000x128xf32, #tpu.memory_space<hbm>> -> memref<16x128xf32, #tpu.memory_space<hbm>>
        tpu.wait_dma2 semaphore(%run_scoped3A : memref<!tpu.dma_semaphore, #tpu.memory_space<semaphore_mem>>) src(%dma_wait3A_40 : memref<16x128xf32, #tpu.memory_space<hbm>>) dst(%dma_wait3A_38 : memref<16x128xf32, #tpu.memory_space<vmem_shared>>)
        tpu.yield
      }) : () -> ()
    } else {
    }
    %barrier3A = arith.constant 0 : index
    tpu.barrier barrier_id(%barrier3A)
    %mul3A_7 = arith.constant 10112 : i32
    %mul3A_8 = arith.muli %arg1, %mul3A_7 : i32
    %mul3A_9 = arith.constant 10000 : i32
    %mul3A_10 = arith.muli %arg0, %mul3A_9 : i32
    %scan3A = arith.constant 0 : i32
    %scan3A_11 = arith.constant 0 : i32
    %scan3A_12 = arith.constant 79 : i32
    %scan3A_13 = arith.addi %scan3A_11, %scan3A_12 : i32
    %scan3A_14 = arith.constant 1 : i32
    scf.for %scan3A_29 = %scan3A_11 to %scan3A_13 step %scan3A_14  : i32 {
      %mul3A_30 = arith.constant 128 : i32
      %mul3A_31 = arith.muli %scan3A_29, %mul3A_30 : i32
      %add3A_32 = arith.addi %mul3A_8, %mul3A_31 : i32
      %multiple_of3A = tpu.assume_multiple %add3A_32, 128 : i32
      "tpu.region"() ({
        %run_scoped3A = tpu.sem_alloc : memref<!tpu.dma_semaphore, #tpu.memory_space<semaphore_mem>>
        %dma_start3A_107 = tpu.memref_slice %arg3[%multiple_of3A] : memref<161792xi32, #tpu.memory_space<hbm>> -> memref<128xi32, #tpu.memory_space<hbm>>
        %dma_start3A_108 = tpu.memref_slice %arg3[%multiple_of3A] : memref<161792xi32, #tpu.memory_space<hbm>> -> memref<128xi32, #tpu.memory_space<hbm>>
        tpu.enqueue_dma source(%dma_start3A_108 : memref<128xi32, #tpu.memory_space<hbm>>) target(%arg6 : memref<128xi32, #tpu.memory_space<vmem>>) target_semaphore(%run_scoped3A : memref<!tpu.dma_semaphore, #tpu.memory_space<semaphore_mem>>)
        %dma_wait3A_109 = tpu.memref_slice %arg3[%multiple_of3A] : memref<161792xi32, #tpu.memory_space<hbm>> -> memref<128xi32, #tpu.memory_space<hbm>>
        %dma_wait3A_110 = tpu.memref_slice %arg3[%multiple_of3A] : memref<161792xi32, #tpu.memory_space<hbm>> -> memref<128xi32, #tpu.memory_space<hbm>>
        tpu.wait_dma2 semaphore(%run_scoped3A : memref<!tpu.dma_semaphore, #tpu.memory_space<semaphore_mem>>) src(%dma_wait3A_110 : memref<128xi32, #tpu.memory_space<hbm>>) dst(%arg6 : memref<128xi32, #tpu.memory_space<vmem>>)
        tpu.yield
      }) : () -> ()
      "tpu.region"() ({
        %run_scoped3A = tpu.sem_alloc : memref<!tpu.dma_semaphore, #tpu.memory_space<semaphore_mem>>
        %dma_start3A_107 = tpu.memref_slice %arg4[%multiple_of3A] : memref<161792xi32, #tpu.memory_space<hbm>> -> memref<128xi32, #tpu.memory_space<hbm>>
        %dma_start3A_108 = tpu.memref_slice %arg4[%multiple_of3A] : memref<161792xi32, #tpu.memory_space<hbm>> -> memref<128xi32, #tpu.memory_space<hbm>>
        tpu.enqueue_dma source(%dma_start3A_108 : memref<128xi32, #tpu.memory_space<hbm>>) target(%arg7 : memref<128xi32, #tpu.memory_space<vmem>>) target_semaphore(%run_scoped3A : memref<!tpu.dma_semaphore, #tpu.memory_space<semaphore_mem>>)
        %dma_wait3A_109 = tpu.memref_slice %arg4[%multiple_of3A] : memref<161792xi32, #tpu.memory_space<hbm>> -> memref<128xi32, #tpu.memory_space<hbm>>
        %dma_wait3A_110 = tpu.memref_slice %arg4[%multiple_of3A] : memref<161792xi32, #tpu.memory_space<hbm>> -> memref<128xi32, #tpu.memory_space<hbm>>
        tpu.wait_dma2 semaphore(%run_scoped3A : memref<!tpu.dma_semaphore, #tpu.memory_space<semaphore_mem>>) src(%dma_wait3A_110 : memref<128xi32, #tpu.memory_space<hbm>>) dst(%arg7 : memref<128xi32, #tpu.memory_space<vmem>>)
        tpu.yield
      }) : () -> ()
      %get3A = arith.constant 0 : index
      %get3A_33 = tpu.vector_load %arg6[%get3A] {strides = array<i32>} : memref<128xi32, #tpu.memory_space<vmem>>, vector<16xi32>,
      %get3A_34 = vector.shape_cast %get3A_33 : vector<16xi32> to vector<16xi32>
      %add3A_35 = vector.broadcast %mul3A_10 : i32 to vector<16xi32>
      %add3A_36 = arith.addi %get3A_34, %add3A_35 : vector<16xi32>
      %swap3A = arith.constant 0 : index
      %swap3A_37 = tpu.vector_load %arg8[%swap3A] {strides = array<i32>} : memref<128xi32, #tpu.memory_space<vmem>>, vector<16xi32>,
      %swap3A_38 = vector.shape_cast %swap3A_37 : vector<16xi32> to vector<16xi32>
      %swap3A_39 = vector.shape_cast %add3A_36 : vector<16xi32> to vector<16xi32>
      tpu.vector_store %arg8[%swap3A], %swap3A_39 {strides = array<i32>} : memref<128xi32, #tpu.memory_space<vmem>>, vector<16xi32>,
      %get3A_40 = arith.constant 16 : index
      %get3A_41 = tpu.vector_load %arg6[%get3A_40] {strides = array<i32>} : memref<128xi32, #tpu.memory_space<vmem>>, vector<16xi32>,
      %get3A_42 = vector.shape_cast %get3A_41 : vector<16xi32> to vector<16xi32>
      %add3A_43 = vector.broadcast %mul3A_10 : i32 to vector<16xi32>
      %add3A_44 = arith.addi %get3A_42, %add3A_43 : vector<16xi32>
      %swap3A_45 = arith.constant 16 : index
      %swap3A_46 = tpu.vector_load %arg8[%swap3A_45] {strides = array<i32>} : memref<128xi32, #tpu.memory_space<vmem>>, vector<16xi32>,
      %swap3A_47 = vector.shape_cast %swap3A_46 : vector<16xi32> to vector<16xi32>
      %swap3A_48 = vector.shape_cast %add3A_44 : vector<16xi32> to vector<16xi32>
      tpu.vector_store %arg8[%swap3A_45], %swap3A_48 {strides = array<i32>} : memref<128xi32, #tpu.memory_space<vmem>>, vector<16xi32>,
      %get3A_49 = arith.constant 32 : index
      %get3A_50 = tpu.vector_load %arg6[%get3A_49] {strides = array<i32>} : memref<128xi32, #tpu.memory_space<vmem>>, vector<16xi32>,
      %get3A_51 = vector.shape_cast %get3A_50 : vector<16xi32> to vector<16xi32>
      %add3A_52 = vector.broadcast %mul3A_10 : i32 to vector<16xi32>
      %add3A_53 = arith.addi %get3A_51, %add3A_52 : vector<16xi32>
      %swap3A_54 = arith.constant 32 : index
      %swap3A_55 = tpu.vector_load %arg8[%swap3A_54] {strides = array<i32>} : memref<128xi32, #tpu.memory_space<vmem>>, vector<16xi32>,
      %swap3A_56 = vector.shape_cast %swap3A_55 : vector<16xi32> to vector<16xi32>
      %swap3A_57 = vector.shape_cast %add3A_53 : vector<16xi32> to vector<16xi32>
      tpu.vector_store %arg8[%swap3A_54], %swap3A_57 {strides = array<i32>} : memref<128xi32, #tpu.memory_space<vmem>>, vector<16xi32>,
      %get3A_58 = arith.constant 48 : index
      %get3A_59 = tpu.vector_load %arg6[%get3A_58] {strides = array<i32>} : memref<128xi32, #tpu.memory_space<vmem>>, vector<16xi32>,
      %get3A_60 = vector.shape_cast %get3A_59 : vector<16xi32> to vector<16xi32>
      %add3A_61 = vector.broadcast %mul3A_10 : i32 to vector<16xi32>
      %add3A_62 = arith.addi %get3A_60, %add3A_61 : vector<16xi32>
      %swap3A_63 = arith.constant 48 : index
      %swap3A_64 = tpu.vector_load %arg8[%swap3A_63] {strides = array<i32>} : memref<128xi32, #tpu.memory_space<vmem>>, vector<16xi32>,
      %swap3A_65 = vector.shape_cast %swap3A_64 : vector<16xi32> to vector<16xi32>
      %swap3A_66 = vector.shape_cast %add3A_62 : vector<16xi32> to vector<16xi32>
      tpu.vector_store %arg8[%swap3A_63], %swap3A_66 {strides = array<i32>} : memref<128xi32, #tpu.memory_space<vmem>>, vector<16xi32>,
      %get3A_67 = arith.constant 64 : index
      %get3A_68 = tpu.vector_load %arg6[%get3A_67] {strides = array<i32>} : memref<128xi32, #tpu.memory_space<vmem>>, vector<16xi32>,
      %get3A_69 = vector.shape_cast %get3A_68 : vector<16xi32> to vector<16xi32>
      %add3A_70 = vector.broadcast %mul3A_10 : i32 to vector<16xi32>
      %add3A_71 = arith.addi %get3A_69, %add3A_70 : vector<16xi32>
      %swap3A_72 = arith.constant 64 : index
      %swap3A_73 = tpu.vector_load %arg8[%swap3A_72] {strides = array<i32>} : memref<128xi32, #tpu.memory_space<vmem>>, vector<16xi32>,
      %swap3A_74 = vector.shape_cast %swap3A_73 : vector<16xi32> to vector<16xi32>
      %swap3A_75 = vector.shape_cast %add3A_71 : vector<16xi32> to vector<16xi32>
      tpu.vector_store %arg8[%swap3A_72], %swap3A_75 {strides = array<i32>} : memref<128xi32, #tpu.memory_space<vmem>>, vector<16xi32>,
      %get3A_76 = arith.constant 80 : index
      %get3A_77 = tpu.vector_load %arg6[%get3A_76] {strides = array<i32>} : memref<128xi32, #tpu.memory_space<vmem>>, vector<16xi32>,
      %get3A_78 = vector.shape_cast %get3A_77 : vector<16xi32> to vector<16xi32>
      %add3A_79 = vector.broadcast %mul3A_10 : i32 to vector<16xi32>
      %add3A_80 = arith.addi %get3A_78, %add3A_79 : vector<16xi32>
      %swap3A_81 = arith.constant 80 : index
      %swap3A_82 = tpu.vector_load %arg8[%swap3A_81] {strides = array<i32>} : memref<128xi32, #tpu.memory_space<vmem>>, vector<16xi32>,
      %swap3A_83 = vector.shape_cast %swap3A_82 : vector<16xi32> to vector<16xi32>
      %swap3A_84 = vector.shape_cast %add3A_80 : vector<16xi32> to vector<16xi32>
      tpu.vector_store %arg8[%swap3A_81], %swap3A_84 {strides = array<i32>} : memref<128xi32, #tpu.memory_space<vmem>>, vector<16xi32>,
      %get3A_85 = arith.constant 96 : index
      %get3A_86 = tpu.vector_load %arg6[%get3A_85] {strides = array<i32>} : memref<128xi32, #tpu.memory_space<vmem>>, vector<16xi32>,
      %get3A_87 = vector.shape_cast %get3A_86 : vector<16xi32> to vector<16xi32>
      %add3A_88 = vector.broadcast %mul3A_10 : i32 to vector<16xi32>
      %add3A_89 = arith.addi %get3A_87, %add3A_88 : vector<16xi32>
      %swap3A_90 = arith.constant 96 : index
      %swap3A_91 = tpu.vector_load %arg8[%swap3A_90] {strides = array<i32>} : memref<128xi32, #tpu.memory_space<vmem>>, vector<16xi32>,
      %swap3A_92 = vector.shape_cast %swap3A_91 : vector<16xi32> to vector<16xi32>
      %swap3A_93 = vector.shape_cast %add3A_89 : vector<16xi32> to vector<16xi32>
      tpu.vector_store %arg8[%swap3A_90], %swap3A_93 {strides = array<i32>} : memref<128xi32, #tpu.memory_space<vmem>>, vector<16xi32>,
      %get3A_94 = arith.constant 112 : index
      %get3A_95 = tpu.vector_load %arg6[%get3A_94] {strides = array<i32>} : memref<128xi32, #tpu.memory_space<vmem>>, vector<16xi32>,
      %get3A_96 = vector.shape_cast %get3A_95 : vector<16xi32> to vector<16xi32>
      %add3A_97 = vector.broadcast %mul3A_10 : i32 to vector<16xi32>
      %add3A_98 = arith.addi %get3A_96, %add3A_97 : vector<16xi32>
      %swap3A_99 = arith.constant 112 : index
      %swap3A_100 = tpu.vector_load %arg8[%swap3A_99] {strides = array<i32>} : memref<128xi32, #tpu.memory_space<vmem>>, vector<16xi32>,
      %swap3A_101 = vector.shape_cast %swap3A_100 : vector<16xi32> to vector<16xi32>
      %swap3A_102 = vector.shape_cast %add3A_98 : vector<16xi32> to vector<16xi32>
      tpu.vector_store %arg8[%swap3A_99], %swap3A_102 {strides = array<i32>} : memref<128xi32, #tpu.memory_space<vmem>>, vector<16xi32>,
      %dma_start3A = arith.constant 0 : i32
      %dma_start3A_103 = arith.constant 0 : i32
      %dma_start3A_104 = tpu.memref_slice %arg2[%dma_start3A, %dma_start3A_103] : memref<20000x128xf32, #tpu.memory_space<hbm>> -> memref<20000x128xf32, #tpu.memory_space<hbm>>
      tpu.enqueue_indirect_dma source(%dma_start3A_104 : memref<20000x128xf32, #tpu.memory_space<hbm>>) target(%arg9 : memref<128x128xf32, #tpu.memory_space<vmem>>) offsets(%arg8 : memref<128xi32, #tpu.memory_space<vmem>>) semaphore(%arg11 : memref<!tpu.dma_semaphore, #tpu.memory_space<semaphore_mem>>)
      %dma_wait3A = arith.constant 0 : i32
      %dma_wait3A_105 = arith.constant 0 : i32
      %dma_wait3A_106 = tpu.memref_slice %arg2[%dma_wait3A, %dma_wait3A_105] : memref<20000x128xf32, #tpu.memory_space<hbm>> -> memref<20000x128xf32, #tpu.memory_space<hbm>>
      tpu.wait_indirect_dma semaphore(%arg11 : memref<!tpu.dma_semaphore, #tpu.memory_space<semaphore_mem>>) src(%dma_wait3A_106 : memref<20000x128xf32, #tpu.memory_space<hbm>>) dst(%arg9 : memref<128x128xf32, #tpu.memory_space<vmem>>)
      "tpu.region"() ({
        %run_scoped3A = tpu.sem_alloc : memref<!tpu.dma_semaphore, #tpu.memory_space<semaphore_mem>>
        %dma_start3A_107 = arith.constant 0 : i32
        %dma_start3A_108 = arith.constant 0 : i32
        %dma_start3A_109 = tpu.memref_slice %arg10[%dma_start3A_107, %dma_start3A_108] : memref<10008x128xf32, #tpu.memory_space<vmem_shared>> -> memref<10008x128xf32, #tpu.memory_space<vmem_shared>>
        tpu.enqueue_indirect_dma source(%arg9 : memref<128x128xf32, #tpu.memory_space<vmem>>) target(%dma_start3A_109 : memref<10008x128xf32, #tpu.memory_space<vmem_shared>>) offsets(%arg7 : memref<128xi32, #tpu.memory_space<vmem>>) semaphore(%run_scoped3A : memref<!tpu.dma_semaphore, #tpu.memory_space<semaphore_mem>>) {add = true}
        %dma_wait3A_110 = arith.constant 0 : i32
        %dma_wait3A_111 = arith.constant 0 : i32
        %dma_wait3A_112 = tpu.memref_slice %arg10[%dma_wait3A_110, %dma_wait3A_111] : memref<10008x128xf32, #tpu.memory_space<vmem_shared>> -> memref<10008x128xf32, #tpu.memory_space<vmem_shared>>
        tpu.wait_indirect_dma semaphore(%run_scoped3A : memref<!tpu.dma_semaphore, #tpu.memory_space<semaphore_mem>>) src(%arg9 : memref<128x128xf32, #tpu.memory_space<vmem>>) dst(%dma_wait3A_112 : memref<10008x128xf32, #tpu.memory_space<vmem_shared>>)
        tpu.yield
      }) : () -> ()
    }
    %scan3A_15 = arith.constant 79 : i32
    %barrier3A_16 = arith.constant 0 : index
    tpu.barrier barrier_id(%barrier3A_16)
    %mul3A_17 = arith.constant 624 : i32
    %mul3A_18 = arith.muli %arg1, %mul3A_17 : i32
    %mul3A_19 = arith.constant 10000 : i32
    %mul3A_20 = arith.muli %arg0, %mul3A_19 : i32
    %mul3A_21 = arith.constant 624 : i32
    %mul3A_22 = arith.muli %arg1, %mul3A_21 : i32
    %add3A_23 = arith.addi %mul3A_20, %mul3A_22 : i32
    "tpu.region"() ({
      %run_scoped3A = tpu.sem_alloc : memref<!tpu.dma_semaphore, #tpu.memory_space<semaphore_mem>>
      %dma_start3A = arith.constant 0 : i32
      %dma_start3A_29 = tpu.memref_slice %arg5[%add3A_23, %dma_start3A] : memref<20000x128xf32, #tpu.memory_space<hbm>> -> memref<624x128xf32, #tpu.memory_space<hbm>>
      %dma_start3A_30 = arith.constant 0 : i32
      %dma_start3A_31 = tpu.memref_slice %arg10[%mul3A_18, %dma_start3A_30] : memref<10008x128xf32, #tpu.memory_space<vmem_shared>> -> memref<624x128xf32, #tpu.memory_space<vmem_shared>>
      tpu.enqueue_dma source(%dma_start3A_31 : memref<624x128xf32, #tpu.memory_space<vmem_shared>>) target(%dma_start3A_29 : memref<624x128xf32, #tpu.memory_space<hbm>>) target_semaphore(%run_scoped3A : memref<!tpu.dma_semaphore, #tpu.memory_space<semaphore_mem>>)
      %dma_wait3A = arith.constant 0 : i32
      %dma_wait3A_32 = tpu.memref_slice %arg5[%add3A_23, %dma_wait3A] : memref<20000x128xf32, #tpu.memory_space<hbm>> -> memref<624x128xf32, #tpu.memory_space<hbm>>
      %dma_wait3A_33 = arith.constant 0 : i32
      %dma_wait3A_34 = tpu.memref_slice %arg10[%mul3A_18, %dma_wait3A_33] : memref<10008x128xf32, #tpu.memory_space<vmem_shared>> -> memref<624x128xf32, #tpu.memory_space<vmem_shared>>
      tpu.wait_dma2 semaphore(%run_scoped3A : memref<!tpu.dma_semaphore, #tpu.memory_space<semaphore_mem>>) src(%dma_wait3A_34 : memref<624x128xf32, #tpu.memory_space<vmem_shared>>) dst(%dma_wait3A_32 : memref<624x128xf32, #tpu.memory_space<hbm>>)
      tpu.yield
    }) : () -> ()
    %eq3A_24 = arith.constant 15 : i32
    %eq3A_25 = arith.cmpi eq, %arg1, %eq3A_24 : i32
    %convert_element_type3A_26 = arith.extui %eq3A_25 : i1 to i32
    %cond3A_27 = arith.constant 0 : i32
    %cond3A_28 = arith.cmpi ne, %convert_element_type3A_26, %cond3A_27 : i32
    scf.if %cond3A_28 {
      %mul3A_29 = arith.constant 10000 : i32
      %mul3A_30 = arith.muli %arg0, %mul3A_29 : i32
      %add3A_31 = arith.constant 9984 : i32
      %add3A_32 = arith.addi %mul3A_30, %add3A_31 : i32
      "tpu.region"() ({
        %run_scoped3A = tpu.sem_alloc : memref<!tpu.dma_semaphore, #tpu.memory_space<semaphore_mem>>
        %dma_start3A = arith.constant 0 : i32
        %dma_start3A_33 = tpu.memref_slice %arg5[%add3A_32, %dma_start3A] : memref<20000x128xf32, #tpu.memory_space<hbm>> -> memref<16x128xf32, #tpu.memory_space<hbm>>
        %dma_start3A_34 = arith.constant 9984 : i32
        %dma_start3A_35 = arith.constant 0 : i32
        %dma_start3A_36 = tpu.memref_slice %arg10[%dma_start3A_34, %dma_start3A_35] : memref<10008x128xf32, #tpu.memory_space<vmem_shared>> -> memref<16x128xf32, #tpu.memory_space<vmem_shared>>
        tpu.enqueue_dma source(%dma_start3A_36 : memref<16x128xf32, #tpu.memory_space<vmem_shared>>) target(%dma_start3A_33 : memref<16x128xf32, #tpu.memory_space<hbm>>) target_semaphore(%run_scoped3A : memref<!tpu.dma_semaphore, #tpu.memory_space<semaphore_mem>>)
        %dma_wait3A = arith.constant 0 : i32
        %dma_wait3A_37 = tpu.memref_slice %arg5[%add3A_32, %dma_wait3A] : memref<20000x128xf32, #tpu.memory_space<hbm>> -> memref<16x128xf32, #tpu.memory_space<hbm>>
        %dma_wait3A_38 = arith.constant 9984 : i32
        %dma_wait3A_39 = arith.constant 0 : i32
        %dma_wait3A_40 = tpu.memref_slice %arg10[%dma_wait3A_38, %dma_wait3A_39] : memref<10008x128xf32, #tpu.memory_space<vmem_shared>> -> memref<16x128xf32, #tpu.memory_space<vmem_shared>>
        tpu.wait_dma2 semaphore(%run_scoped3A : memref<!tpu.dma_semaphore, #tpu.memory_space<semaphore_mem>>) src(%dma_wait3A_40 : memref<16x128xf32, #tpu.memory_space<vmem_shared>>) dst(%dma_wait3A_37 : memref<16x128xf32, #tpu.memory_space<hbm>>)
        tpu.yield
      }) : () -> ()
    } else {
    }
    return
  }
}

#map = affine_map<(d0, d1) -> (0, 0)>
#map1 = affine_map<(d0, d1) -> (0)>
module attributes {stable_mosaic.version = 14 : i64} {
  func.func @_sc_agg_body(%arg0: i32, %arg1: i32, %arg2: memref<20000x128xf32, #tpu.memory_space<hbm>>, %arg3: memref<161792xi32, #tpu.memory_space<hbm>>, %arg4: memref<161792xi32, #tpu.memory_space<hbm>>, %arg5: memref<20000x128xf32, #tpu.memory_space<hbm>>, %arg6: memref<128xi32, #tpu.memory_space<vmem>>, %arg7: memref<128xi32, #tpu.memory_space<vmem>>, %arg8: memref<128xi32, #tpu.memory_space<vmem>>, %arg9: memref<128x128xf32, #tpu.memory_space<vmem>>, %arg10: memref<10008x128xf32, #tpu.memory_space<vmem_shared>>, %arg11: memref<!tpu.dma_semaphore, #tpu.memory_space<semaphore_mem>>) attributes {dimension_semantics = [#tpu.dimension_semantics<core_parallel>, #tpu.dimension_semantics<subcore_parallel>], iteration_bounds = array<i64: 2, 16>, scalar_prefetch = 0 : i64, scratch_operands = 6 : i64, tpu.core_type = #tpu.core_type<sc_vector_subcore>, window_params = [{transform_indices = #map}, {transform_indices = #map1}, {transform_indices = #map1}, {transform_indices = #map}]} {
    %mul3A = arith.constant 10000 : i32
    %mul3A_0 = arith.muli %arg0, %mul3A : i32
    %mul3A_1 = arith.constant 624 : i32
    %mul3A_2 = arith.muli %arg1, %mul3A_1 : i32
    %add3A = arith.addi %mul3A_0, %mul3A_2 : i32
    %mul3A_3 = arith.constant 624 : i32
    %mul3A_4 = arith.muli %arg1, %mul3A_3 : i32
    "tpu.region"() ({
      %run_scoped3A = tpu.sem_alloc : memref<!tpu.dma_semaphore, #tpu.memory_space<semaphore_mem>>
      %dma_start3A = arith.constant 0 : i32
      %dma_start3A_29 = tpu.memref_slice %arg10[%mul3A_4, %dma_start3A] : memref<10008x128xf32, #tpu.memory_space<vmem_shared>> -> memref<624x128xf32, #tpu.memory_space<vmem_shared>>
      %dma_start3A_30 = arith.constant 0 : i32
      %dma_start3A_31 = tpu.memref_slice %arg2[%add3A, %dma_start3A_30] : memref<20000x128xf32, #tpu.memory_space<hbm>> -> memref<624x128xf32, #tpu.memory_space<hbm>>
      tpu.enqueue_dma source(%dma_start3A_31 : memref<624x128xf32, #tpu.memory_space<hbm>>) target(%dma_start3A_29 : memref<624x128xf32, #tpu.memory_space<vmem_shared>>) target_semaphore(%run_scoped3A : memref<!tpu.dma_semaphore, #tpu.memory_space<semaphore_mem>>)
      %dma_wait3A = arith.constant 0 : i32
      %dma_wait3A_32 = tpu.memref_slice %arg10[%mul3A_4, %dma_wait3A] : memref<10008x128xf32, #tpu.memory_space<vmem_shared>> -> memref<624x128xf32, #tpu.memory_space<vmem_shared>>
      %dma_wait3A_33 = arith.constant 0 : i32
      %dma_wait3A_34 = tpu.memref_slice %arg2[%add3A, %dma_wait3A_33] : memref<20000x128xf32, #tpu.memory_space<hbm>> -> memref<624x128xf32, #tpu.memory_space<hbm>>
      tpu.wait_dma2 semaphore(%run_scoped3A : memref<!tpu.dma_semaphore, #tpu.memory_space<semaphore_mem>>) src(%dma_wait3A_34 : memref<624x128xf32, #tpu.memory_space<hbm>>) dst(%dma_wait3A_32 : memref<624x128xf32, #tpu.memory_space<vmem_shared>>)
      tpu.yield
    }) : () -> ()
    %eq3A = arith.constant 15 : i32
    %eq3A_5 = arith.cmpi eq, %arg1, %eq3A : i32
    %convert_element_type3A = arith.extui %eq3A_5 : i1 to i32
    %cond3A = arith.constant 0 : i32
    %cond3A_6 = arith.cmpi ne, %convert_element_type3A, %cond3A : i32
    scf.if %cond3A_6 {
      %mul3A_29 = arith.constant 10000 : i32
      %mul3A_30 = arith.muli %arg0, %mul3A_29 : i32
      %add3A_31 = arith.constant 9984 : i32
      %add3A_32 = arith.addi %mul3A_30, %add3A_31 : i32
      "tpu.region"() ({
        %run_scoped3A = tpu.sem_alloc : memref<!tpu.dma_semaphore, #tpu.memory_space<semaphore_mem>>
        %dma_start3A = arith.constant 9984 : i32
        %dma_start3A_33 = arith.constant 0 : i32
        %dma_start3A_34 = tpu.memref_slice %arg10[%dma_start3A, %dma_start3A_33] : memref<10008x128xf32, #tpu.memory_space<vmem_shared>> -> memref<16x128xf32, #tpu.memory_space<vmem_shared>>
        %dma_start3A_35 = arith.constant 0 : i32
        %dma_start3A_36 = tpu.memref_slice %arg2[%add3A_32, %dma_start3A_35] : memref<20000x128xf32, #tpu.memory_space<hbm>> -> memref<16x128xf32, #tpu.memory_space<hbm>>
        tpu.enqueue_dma source(%dma_start3A_36 : memref<16x128xf32, #tpu.memory_space<hbm>>) target(%dma_start3A_34 : memref<16x128xf32, #tpu.memory_space<vmem_shared>>) target_semaphore(%run_scoped3A : memref<!tpu.dma_semaphore, #tpu.memory_space<semaphore_mem>>)
        %dma_wait3A = arith.constant 9984 : i32
        %dma_wait3A_37 = arith.constant 0 : i32
        %dma_wait3A_38 = tpu.memref_slice %arg10[%dma_wait3A, %dma_wait3A_37] : memref<10008x128xf32, #tpu.memory_space<vmem_shared>> -> memref<16x128xf32, #tpu.memory_space<vmem_shared>>
        %dma_wait3A_39 = arith.constant 0 : i32
        %dma_wait3A_40 = tpu.memref_slice %arg2[%add3A_32, %dma_wait3A_39] : memref<20000x128xf32, #tpu.memory_space<hbm>> -> memref<16x128xf32, #tpu.memory_space<hbm>>
        tpu.wait_dma2 semaphore(%run_scoped3A : memref<!tpu.dma_semaphore, #tpu.memory_space<semaphore_mem>>) src(%dma_wait3A_40 : memref<16x128xf32, #tpu.memory_space<hbm>>) dst(%dma_wait3A_38 : memref<16x128xf32, #tpu.memory_space<vmem_shared>>)
        tpu.yield
      }) : () -> ()
    } else {
    }
    %barrier3A = arith.constant 0 : index
    tpu.barrier barrier_id(%barrier3A)
    %mul3A_7 = arith.constant 10112 : i32
    %mul3A_8 = arith.muli %arg1, %mul3A_7 : i32
    %mul3A_9 = arith.constant 10000 : i32
    %mul3A_10 = arith.muli %arg0, %mul3A_9 : i32
    %scan3A = arith.constant 0 : i32
    %scan3A_11 = arith.constant 0 : i32
    %scan3A_12 = arith.constant 79 : i32
    %scan3A_13 = arith.addi %scan3A_11, %scan3A_12 : i32
    %scan3A_14 = arith.constant 1 : i32
    scf.for %scan3A_29 = %scan3A_11 to %scan3A_13 step %scan3A_14  : i32 {
      %mul3A_30 = arith.constant 128 : i32
      %mul3A_31 = arith.muli %scan3A_29, %mul3A_30 : i32
      %add3A_32 = arith.addi %mul3A_8, %mul3A_31 : i32
      %multiple_of3A = tpu.assume_multiple %add3A_32, 128 : i32
      "tpu.region"() ({
        %run_scoped3A = tpu.sem_alloc : memref<!tpu.dma_semaphore, #tpu.memory_space<semaphore_mem>>
        %dma_start3A_107 = tpu.memref_slice %arg3[%multiple_of3A] : memref<161792xi32, #tpu.memory_space<hbm>> -> memref<128xi32, #tpu.memory_space<hbm>>
        %dma_start3A_108 = tpu.memref_slice %arg3[%multiple_of3A] : memref<161792xi32, #tpu.memory_space<hbm>> -> memref<128xi32, #tpu.memory_space<hbm>>
        tpu.enqueue_dma source(%dma_start3A_108 : memref<128xi32, #tpu.memory_space<hbm>>) target(%arg6 : memref<128xi32, #tpu.memory_space<vmem>>) target_semaphore(%run_scoped3A : memref<!tpu.dma_semaphore, #tpu.memory_space<semaphore_mem>>)
        %dma_wait3A_109 = tpu.memref_slice %arg3[%multiple_of3A] : memref<161792xi32, #tpu.memory_space<hbm>> -> memref<128xi32, #tpu.memory_space<hbm>>
        %dma_wait3A_110 = tpu.memref_slice %arg3[%multiple_of3A] : memref<161792xi32, #tpu.memory_space<hbm>> -> memref<128xi32, #tpu.memory_space<hbm>>
        tpu.wait_dma2 semaphore(%run_scoped3A : memref<!tpu.dma_semaphore, #tpu.memory_space<semaphore_mem>>) src(%dma_wait3A_110 : memref<128xi32, #tpu.memory_space<hbm>>) dst(%arg6 : memref<128xi32, #tpu.memory_space<vmem>>)
        tpu.yield
      }) : () -> ()
      "tpu.region"() ({
        %run_scoped3A = tpu.sem_alloc : memref<!tpu.dma_semaphore, #tpu.memory_space<semaphore_mem>>
        %dma_start3A_107 = tpu.memref_slice %arg4[%multiple_of3A] : memref<161792xi32, #tpu.memory_space<hbm>> -> memref<128xi32, #tpu.memory_space<hbm>>
        %dma_start3A_108 = tpu.memref_slice %arg4[%multiple_of3A] : memref<161792xi32, #tpu.memory_space<hbm>> -> memref<128xi32, #tpu.memory_space<hbm>>
        tpu.enqueue_dma source(%dma_start3A_108 : memref<128xi32, #tpu.memory_space<hbm>>) target(%arg7 : memref<128xi32, #tpu.memory_space<vmem>>) target_semaphore(%run_scoped3A : memref<!tpu.dma_semaphore, #tpu.memory_space<semaphore_mem>>)
        %dma_wait3A_109 = tpu.memref_slice %arg4[%multiple_of3A] : memref<161792xi32, #tpu.memory_space<hbm>> -> memref<128xi32, #tpu.memory_space<hbm>>
        %dma_wait3A_110 = tpu.memref_slice %arg4[%multiple_of3A] : memref<161792xi32, #tpu.memory_space<hbm>> -> memref<128xi32, #tpu.memory_space<hbm>>
        tpu.wait_dma2 semaphore(%run_scoped3A : memref<!tpu.dma_semaphore, #tpu.memory_space<semaphore_mem>>) src(%dma_wait3A_110 : memref<128xi32, #tpu.memory_space<hbm>>) dst(%arg7 : memref<128xi32, #tpu.memory_space<vmem>>)
        tpu.yield
      }) : () -> ()
      %get3A = arith.constant 0 : index
      %get3A_33 = tpu.vector_load %arg6[%get3A] {strides = array<i32>} : memref<128xi32, #tpu.memory_space<vmem>>, vector<16xi32>,
      %get3A_34 = vector.shape_cast %get3A_33 : vector<16xi32> to vector<16xi32>
      %add3A_35 = vector.broadcast %mul3A_10 : i32 to vector<16xi32>
      %add3A_36 = arith.addi %get3A_34, %add3A_35 : vector<16xi32>
      %swap3A = arith.constant 0 : index
      %swap3A_37 = tpu.vector_load %arg8[%swap3A] {strides = array<i32>} : memref<128xi32, #tpu.memory_space<vmem>>, vector<16xi32>,
      %swap3A_38 = vector.shape_cast %swap3A_37 : vector<16xi32> to vector<16xi32>
      %swap3A_39 = vector.shape_cast %add3A_36 : vector<16xi32> to vector<16xi32>
      tpu.vector_store %arg8[%swap3A], %swap3A_39 {strides = array<i32>} : memref<128xi32, #tpu.memory_space<vmem>>, vector<16xi32>,
      %get3A_40 = arith.constant 16 : index
      %get3A_41 = tpu.vector_load %arg6[%get3A_40] {strides = array<i32>} : memref<128xi32, #tpu.memory_space<vmem>>, vector<16xi32>,
      %get3A_42 = vector.shape_cast %get3A_41 : vector<16xi32> to vector<16xi32>
      %add3A_43 = vector.broadcast %mul3A_10 : i32 to vector<16xi32>
      %add3A_44 = arith.addi %get3A_42, %add3A_43 : vector<16xi32>
      %swap3A_45 = arith.constant 16 : index
      %swap3A_46 = tpu.vector_load %arg8[%swap3A_45] {strides = array<i32>} : memref<128xi32, #tpu.memory_space<vmem>>, vector<16xi32>,
      %swap3A_47 = vector.shape_cast %swap3A_46 : vector<16xi32> to vector<16xi32>
      %swap3A_48 = vector.shape_cast %add3A_44 : vector<16xi32> to vector<16xi32>
      tpu.vector_store %arg8[%swap3A_45], %swap3A_48 {strides = array<i32>} : memref<128xi32, #tpu.memory_space<vmem>>, vector<16xi32>,
      %get3A_49 = arith.constant 32 : index
      %get3A_50 = tpu.vector_load %arg6[%get3A_49] {strides = array<i32>} : memref<128xi32, #tpu.memory_space<vmem>>, vector<16xi32>,
      %get3A_51 = vector.shape_cast %get3A_50 : vector<16xi32> to vector<16xi32>
      %add3A_52 = vector.broadcast %mul3A_10 : i32 to vector<16xi32>
      %add3A_53 = arith.addi %get3A_51, %add3A_52 : vector<16xi32>
      %swap3A_54 = arith.constant 32 : index
      %swap3A_55 = tpu.vector_load %arg8[%swap3A_54] {strides = array<i32>} : memref<128xi32, #tpu.memory_space<vmem>>, vector<16xi32>,
      %swap3A_56 = vector.shape_cast %swap3A_55 : vector<16xi32> to vector<16xi32>
      %swap3A_57 = vector.shape_cast %add3A_53 : vector<16xi32> to vector<16xi32>
      tpu.vector_store %arg8[%swap3A_54], %swap3A_57 {strides = array<i32>} : memref<128xi32, #tpu.memory_space<vmem>>, vector<16xi32>,
      %get3A_58 = arith.constant 48 : index
      %get3A_59 = tpu.vector_load %arg6[%get3A_58] {strides = array<i32>} : memref<128xi32, #tpu.memory_space<vmem>>, vector<16xi32>,
      %get3A_60 = vector.shape_cast %get3A_59 : vector<16xi32> to vector<16xi32>
      %add3A_61 = vector.broadcast %mul3A_10 : i32 to vector<16xi32>
      %add3A_62 = arith.addi %get3A_60, %add3A_61 : vector<16xi32>
      %swap3A_63 = arith.constant 48 : index
      %swap3A_64 = tpu.vector_load %arg8[%swap3A_63] {strides = array<i32>} : memref<128xi32, #tpu.memory_space<vmem>>, vector<16xi32>,
      %swap3A_65 = vector.shape_cast %swap3A_64 : vector<16xi32> to vector<16xi32>
      %swap3A_66 = vector.shape_cast %add3A_62 : vector<16xi32> to vector<16xi32>
      tpu.vector_store %arg8[%swap3A_63], %swap3A_66 {strides = array<i32>} : memref<128xi32, #tpu.memory_space<vmem>>, vector<16xi32>,
      %get3A_67 = arith.constant 64 : index
      %get3A_68 = tpu.vector_load %arg6[%get3A_67] {strides = array<i32>} : memref<128xi32, #tpu.memory_space<vmem>>, vector<16xi32>,
      %get3A_69 = vector.shape_cast %get3A_68 : vector<16xi32> to vector<16xi32>
      %add3A_70 = vector.broadcast %mul3A_10 : i32 to vector<16xi32>
      %add3A_71 = arith.addi %get3A_69, %add3A_70 : vector<16xi32>
      %swap3A_72 = arith.constant 64 : index
      %swap3A_73 = tpu.vector_load %arg8[%swap3A_72] {strides = array<i32>} : memref<128xi32, #tpu.memory_space<vmem>>, vector<16xi32>,
      %swap3A_74 = vector.shape_cast %swap3A_73 : vector<16xi32> to vector<16xi32>
      %swap3A_75 = vector.shape_cast %add3A_71 : vector<16xi32> to vector<16xi32>
      tpu.vector_store %arg8[%swap3A_72], %swap3A_75 {strides = array<i32>} : memref<128xi32, #tpu.memory_space<vmem>>, vector<16xi32>,
      %get3A_76 = arith.constant 80 : index
      %get3A_77 = tpu.vector_load %arg6[%get3A_76] {strides = array<i32>} : memref<128xi32, #tpu.memory_space<vmem>>, vector<16xi32>,
      %get3A_78 = vector.shape_cast %get3A_77 : vector<16xi32> to vector<16xi32>
      %add3A_79 = vector.broadcast %mul3A_10 : i32 to vector<16xi32>
      %add3A_80 = arith.addi %get3A_78, %add3A_79 : vector<16xi32>
      %swap3A_81 = arith.constant 80 : index
      %swap3A_82 = tpu.vector_load %arg8[%swap3A_81] {strides = array<i32>} : memref<128xi32, #tpu.memory_space<vmem>>, vector<16xi32>,
      %swap3A_83 = vector.shape_cast %swap3A_82 : vector<16xi32> to vector<16xi32>
      %swap3A_84 = vector.shape_cast %add3A_80 : vector<16xi32> to vector<16xi32>
      tpu.vector_store %arg8[%swap3A_81], %swap3A_84 {strides = array<i32>} : memref<128xi32, #tpu.memory_space<vmem>>, vector<16xi32>,
      %get3A_85 = arith.constant 96 : index
      %get3A_86 = tpu.vector_load %arg6[%get3A_85] {strides = array<i32>} : memref<128xi32, #tpu.memory_space<vmem>>, vector<16xi32>,
      %get3A_87 = vector.shape_cast %get3A_86 : vector<16xi32> to vector<16xi32>
      %add3A_88 = vector.broadcast %mul3A_10 : i32 to vector<16xi32>
      %add3A_89 = arith.addi %get3A_87, %add3A_88 : vector<16xi32>
      %swap3A_90 = arith.constant 96 : index
      %swap3A_91 = tpu.vector_load %arg8[%swap3A_90] {strides = array<i32>} : memref<128xi32, #tpu.memory_space<vmem>>, vector<16xi32>,
      %swap3A_92 = vector.shape_cast %swap3A_91 : vector<16xi32> to vector<16xi32>
      %swap3A_93 = vector.shape_cast %add3A_89 : vector<16xi32> to vector<16xi32>
      tpu.vector_store %arg8[%swap3A_90], %swap3A_93 {strides = array<i32>} : memref<128xi32, #tpu.memory_space<vmem>>, vector<16xi32>,
      %get3A_94 = arith.constant 112 : index
      %get3A_95 = tpu.vector_load %arg6[%get3A_94] {strides = array<i32>} : memref<128xi32, #tpu.memory_space<vmem>>, vector<16xi32>,
      %get3A_96 = vector.shape_cast %get3A_95 : vector<16xi32> to vector<16xi32>
      %add3A_97 = vector.broadcast %mul3A_10 : i32 to vector<16xi32>
      %add3A_98 = arith.addi %get3A_96, %add3A_97 : vector<16xi32>
      %swap3A_99 = arith.constant 112 : index
      %swap3A_100 = tpu.vector_load %arg8[%swap3A_99] {strides = array<i32>} : memref<128xi32, #tpu.memory_space<vmem>>, vector<16xi32>,
      %swap3A_101 = vector.shape_cast %swap3A_100 : vector<16xi32> to vector<16xi32>
      %swap3A_102 = vector.shape_cast %add3A_98 : vector<16xi32> to vector<16xi32>
      tpu.vector_store %arg8[%swap3A_99], %swap3A_102 {strides = array<i32>} : memref<128xi32, #tpu.memory_space<vmem>>, vector<16xi32>,
      %dma_start3A = arith.constant 0 : i32
      %dma_start3A_103 = arith.constant 0 : i32
      %dma_start3A_104 = tpu.memref_slice %arg2[%dma_start3A, %dma_start3A_103] : memref<20000x128xf32, #tpu.memory_space<hbm>> -> memref<20000x128xf32, #tpu.memory_space<hbm>>
      tpu.enqueue_indirect_dma source(%dma_start3A_104 : memref<20000x128xf32, #tpu.memory_space<hbm>>) target(%arg9 : memref<128x128xf32, #tpu.memory_space<vmem>>) offsets(%arg8 : memref<128xi32, #tpu.memory_space<vmem>>) semaphore(%arg11 : memref<!tpu.dma_semaphore, #tpu.memory_space<semaphore_mem>>)
      %dma_wait3A = arith.constant 0 : i32
      %dma_wait3A_105 = arith.constant 0 : i32
      %dma_wait3A_106 = tpu.memref_slice %arg2[%dma_wait3A, %dma_wait3A_105] : memref<20000x128xf32, #tpu.memory_space<hbm>> -> memref<20000x128xf32, #tpu.memory_space<hbm>>
      tpu.wait_indirect_dma semaphore(%arg11 : memref<!tpu.dma_semaphore, #tpu.memory_space<semaphore_mem>>) src(%dma_wait3A_106 : memref<20000x128xf32, #tpu.memory_space<hbm>>) dst(%arg9 : memref<128x128xf32, #tpu.memory_space<vmem>>)
      "tpu.region"() ({
        %run_scoped3A = tpu.sem_alloc : memref<!tpu.dma_semaphore, #tpu.memory_space<semaphore_mem>>
        %dma_start3A_107 = arith.constant 0 : i32
        %dma_start3A_108 = arith.constant 0 : i32
        %dma_start3A_109 = tpu.memref_slice %arg10[%dma_start3A_107, %dma_start3A_108] : memref<10008x128xf32, #tpu.memory_space<vmem_shared>> -> memref<10008x128xf32, #tpu.memory_space<vmem_shared>>
        tpu.enqueue_indirect_dma source(%arg9 : memref<128x128xf32, #tpu.memory_space<vmem>>) target(%dma_start3A_109 : memref<10008x128xf32, #tpu.memory_space<vmem_shared>>) offsets(%arg7 : memref<128xi32, #tpu.memory_space<vmem>>) semaphore(%run_scoped3A : memref<!tpu.dma_semaphore, #tpu.memory_space<semaphore_mem>>) {add = true}
        %dma_wait3A_110 = arith.constant 0 : i32
        %dma_wait3A_111 = arith.constant 0 : i32
        %dma_wait3A_112 = tpu.memref_slice %arg10[%dma_wait3A_110, %dma_wait3A_111] : memref<10008x128xf32, #tpu.memory_space<vmem_shared>> -> memref<10008x128xf32, #tpu.memory_space<vmem_shared>>
        tpu.wait_indirect_dma semaphore(%run_scoped3A : memref<!tpu.dma_semaphore, #tpu.memory_space<semaphore_mem>>) src(%arg9 : memref<128x128xf32, #tpu.memory_space<vmem>>) dst(%dma_wait3A_112 : memref<10008x128xf32, #tpu.memory_space<vmem_shared>>)
        tpu.yield
      }) : () -> ()
    }
    %scan3A_15 = arith.constant 79 : i32
    %barrier3A_16 = arith.constant 0 : index
    tpu.barrier barrier_id(%barrier3A_16)
    %mul3A_17 = arith.constant 624 : i32
    %mul3A_18 = arith.muli %arg1, %mul3A_17 : i32
    %mul3A_19 = arith.constant 10000 : i32
    %mul3A_20 = arith.muli %arg0, %mul3A_19 : i32
    %mul3A_21 = arith.constant 624 : i32
    %mul3A_22 = arith.muli %arg1, %mul3A_21 : i32
    %add3A_23 = arith.addi %mul3A_20, %mul3A_22 : i32
    "tpu.region"() ({
      %run_scoped3A = tpu.sem_alloc : memref<!tpu.dma_semaphore, #tpu.memory_space<semaphore_mem>>
      %dma_start3A = arith.constant 0 : i32
      %dma_start3A_29 = tpu.memref_slice %arg5[%add3A_23, %dma_start3A] : memref<20000x128xf32, #tpu.memory_space<hbm>> -> memref<624x128xf32, #tpu.memory_space<hbm>>
      %dma_start3A_30 = arith.constant 0 : i32
      %dma_start3A_31 = tpu.memref_slice %arg10[%mul3A_18, %dma_start3A_30] : memref<10008x128xf32, #tpu.memory_space<vmem_shared>> -> memref<624x128xf32, #tpu.memory_space<vmem_shared>>
      tpu.enqueue_dma source(%dma_start3A_31 : memref<624x128xf32, #tpu.memory_space<vmem_shared>>) target(%dma_start3A_29 : memref<624x128xf32, #tpu.memory_space<hbm>>) target_semaphore(%run_scoped3A : memref<!tpu.dma_semaphore, #tpu.memory_space<semaphore_mem>>)
      %dma_wait3A = arith.constant 0 : i32
      %dma_wait3A_32 = tpu.memref_slice %arg5[%add3A_23, %dma_wait3A] : memref<20000x128xf32, #tpu.memory_space<hbm>> -> memref<624x128xf32, #tpu.memory_space<hbm>>
      %dma_wait3A_33 = arith.constant 0 : i32
      %dma_wait3A_34 = tpu.memref_slice %arg10[%mul3A_18, %dma_wait3A_33] : memref<10008x128xf32, #tpu.memory_space<vmem_shared>> -> memref<624x128xf32, #tpu.memory_space<vmem_shared>>
      tpu.wait_dma2 semaphore(%run_scoped3A : memref<!tpu.dma_semaphore, #tpu.memory_space<semaphore_mem>>) src(%dma_wait3A_34 : memref<624x128xf32, #tpu.memory_space<vmem_shared>>) dst(%dma_wait3A_32 : memref<624x128xf32, #tpu.memory_space<hbm>>)
      tpu.yield
    }) : () -> ()
    %eq3A_24 = arith.constant 15 : i32
    %eq3A_25 = arith.cmpi eq, %arg1, %eq3A_24 : i32
    %convert_element_type3A_26 = arith.extui %eq3A_25 : i1 to i32
    %cond3A_27 = arith.constant 0 : i32
    %cond3A_28 = arith.cmpi ne, %convert_element_type3A_26, %cond3A_27 : i32
    scf.if %cond3A_28 {
      %mul3A_29 = arith.constant 10000 : i32
      %mul3A_30 = arith.muli %arg0, %mul3A_29 : i32
      %add3A_31 = arith.constant 9984 : i32
      %add3A_32 = arith.addi %mul3A_30, %add3A_31 : i32
      "tpu.region"() ({
        %run_scoped3A = tpu.sem_alloc : memref<!tpu.dma_semaphore, #tpu.memory_space<semaphore_mem>>
        %dma_start3A = arith.constant 0 : i32
        %dma_start3A_33 = tpu.memref_slice %arg5[%add3A_32, %dma_start3A] : memref<20000x128xf32, #tpu.memory_space<hbm>> -> memref<16x128xf32, #tpu.memory_space<hbm>>
        %dma_start3A_34 = arith.constant 9984 : i32
        %dma_start3A_35 = arith.constant 0 : i32
        %dma_start3A_36 = tpu.memref_slice %arg10[%dma_start3A_34, %dma_start3A_35] : memref<10008x128xf32, #tpu.memory_space<vmem_shared>> -> memref<16x128xf32, #tpu.memory_space<vmem_shared>>
        tpu.enqueue_dma source(%dma_start3A_36 : memref<16x128xf32, #tpu.memory_space<vmem_shared>>) target(%dma_start3A_33 : memref<16x128xf32, #tpu.memory_space<hbm>>) target_semaphore(%run_scoped3A : memref<!tpu.dma_semaphore, #tpu.memory_space<semaphore_mem>>)
        %dma_wait3A = arith.constant 0 : i32
        %dma_wait3A_37 = tpu.memref_slice %arg5[%add3A_32, %dma_wait3A] : memref<20000x128xf32, #tpu.memory_space<hbm>> -> memref<16x128xf32, #tpu.memory_space<hbm>>
        %dma_wait3A_38 = arith.constant 9984 : i32
        %dma_wait3A_39 = arith.constant 0 : i32
        %dma_wait3A_40 = tpu.memref_slice %arg10[%dma_wait3A_38, %dma_wait3A_39] : memref<10008x128xf32, #tpu.memory_space<vmem_shared>> -> memref<16x128xf32, #tpu.memory_space<vmem_shared>>
        tpu.wait_dma2 semaphore(%run_scoped3A : memref<!tpu.dma_semaphore, #tpu.memory_space<semaphore_mem>>) src(%dma_wait3A_40 : memref<16x128xf32, #tpu.memory_space<vmem_shared>>) dst(%dma_wait3A_37 : memref<16x128xf32, #tpu.memory_space<hbm>>)
        tpu.yield
      }) : () -> ()
    } else {
    }
    return
  }
}

#map = affine_map<(d0, d1) -> (0, 0)>
#map1 = affine_map<(d0, d1) -> (0)>
module attributes {stable_mosaic.version = 14 : i64} {
  func.func @_sc_agg_body(%arg0: i32, %arg1: i32, %arg2: memref<20000x128xf32, #tpu.memory_space<hbm>>, %arg3: memref<161792xi32, #tpu.memory_space<hbm>>, %arg4: memref<161792xi32, #tpu.memory_space<hbm>>, %arg5: memref<20000x128xf32, #tpu.memory_space<hbm>>, %arg6: memref<128xi32, #tpu.memory_space<vmem>>, %arg7: memref<128xi32, #tpu.memory_space<vmem>>, %arg8: memref<128xi32, #tpu.memory_space<vmem>>, %arg9: memref<128x128xf32, #tpu.memory_space<vmem>>, %arg10: memref<10008x128xf32, #tpu.memory_space<vmem_shared>>, %arg11: memref<!tpu.dma_semaphore, #tpu.memory_space<semaphore_mem>>) attributes {dimension_semantics = [#tpu.dimension_semantics<core_parallel>, #tpu.dimension_semantics<subcore_parallel>], iteration_bounds = array<i64: 2, 16>, scalar_prefetch = 0 : i64, scratch_operands = 6 : i64, tpu.core_type = #tpu.core_type<sc_vector_subcore>, window_params = [{transform_indices = #map}, {transform_indices = #map1}, {transform_indices = #map1}, {transform_indices = #map}]} {
    %mul3A = arith.constant 10000 : i32
    %mul3A_0 = arith.muli %arg0, %mul3A : i32
    %mul3A_1 = arith.constant 624 : i32
    %mul3A_2 = arith.muli %arg1, %mul3A_1 : i32
    %add3A = arith.addi %mul3A_0, %mul3A_2 : i32
    %mul3A_3 = arith.constant 624 : i32
    %mul3A_4 = arith.muli %arg1, %mul3A_3 : i32
    "tpu.region"() ({
      %run_scoped3A = tpu.sem_alloc : memref<!tpu.dma_semaphore, #tpu.memory_space<semaphore_mem>>
      %dma_start3A = arith.constant 0 : i32
      %dma_start3A_29 = tpu.memref_slice %arg10[%mul3A_4, %dma_start3A] : memref<10008x128xf32, #tpu.memory_space<vmem_shared>> -> memref<624x128xf32, #tpu.memory_space<vmem_shared>>
      %dma_start3A_30 = arith.constant 0 : i32
      %dma_start3A_31 = tpu.memref_slice %arg2[%add3A, %dma_start3A_30] : memref<20000x128xf32, #tpu.memory_space<hbm>> -> memref<624x128xf32, #tpu.memory_space<hbm>>
      tpu.enqueue_dma source(%dma_start3A_31 : memref<624x128xf32, #tpu.memory_space<hbm>>) target(%dma_start3A_29 : memref<624x128xf32, #tpu.memory_space<vmem_shared>>) target_semaphore(%run_scoped3A : memref<!tpu.dma_semaphore, #tpu.memory_space<semaphore_mem>>)
      %dma_wait3A = arith.constant 0 : i32
      %dma_wait3A_32 = tpu.memref_slice %arg10[%mul3A_4, %dma_wait3A] : memref<10008x128xf32, #tpu.memory_space<vmem_shared>> -> memref<624x128xf32, #tpu.memory_space<vmem_shared>>
      %dma_wait3A_33 = arith.constant 0 : i32
      %dma_wait3A_34 = tpu.memref_slice %arg2[%add3A, %dma_wait3A_33] : memref<20000x128xf32, #tpu.memory_space<hbm>> -> memref<624x128xf32, #tpu.memory_space<hbm>>
      tpu.wait_dma2 semaphore(%run_scoped3A : memref<!tpu.dma_semaphore, #tpu.memory_space<semaphore_mem>>) src(%dma_wait3A_34 : memref<624x128xf32, #tpu.memory_space<hbm>>) dst(%dma_wait3A_32 : memref<624x128xf32, #tpu.memory_space<vmem_shared>>)
      tpu.yield
    }) : () -> ()
    %eq3A = arith.constant 15 : i32
    %eq3A_5 = arith.cmpi eq, %arg1, %eq3A : i32
    %convert_element_type3A = arith.extui %eq3A_5 : i1 to i32
    %cond3A = arith.constant 0 : i32
    %cond3A_6 = arith.cmpi ne, %convert_element_type3A, %cond3A : i32
    scf.if %cond3A_6 {
      %mul3A_29 = arith.constant 10000 : i32
      %mul3A_30 = arith.muli %arg0, %mul3A_29 : i32
      %add3A_31 = arith.constant 9984 : i32
      %add3A_32 = arith.addi %mul3A_30, %add3A_31 : i32
      "tpu.region"() ({
        %run_scoped3A = tpu.sem_alloc : memref<!tpu.dma_semaphore, #tpu.memory_space<semaphore_mem>>
        %dma_start3A = arith.constant 9984 : i32
        %dma_start3A_33 = arith.constant 0 : i32
        %dma_start3A_34 = tpu.memref_slice %arg10[%dma_start3A, %dma_start3A_33] : memref<10008x128xf32, #tpu.memory_space<vmem_shared>> -> memref<16x128xf32, #tpu.memory_space<vmem_shared>>
        %dma_start3A_35 = arith.constant 0 : i32
        %dma_start3A_36 = tpu.memref_slice %arg2[%add3A_32, %dma_start3A_35] : memref<20000x128xf32, #tpu.memory_space<hbm>> -> memref<16x128xf32, #tpu.memory_space<hbm>>
        tpu.enqueue_dma source(%dma_start3A_36 : memref<16x128xf32, #tpu.memory_space<hbm>>) target(%dma_start3A_34 : memref<16x128xf32, #tpu.memory_space<vmem_shared>>) target_semaphore(%run_scoped3A : memref<!tpu.dma_semaphore, #tpu.memory_space<semaphore_mem>>)
        %dma_wait3A = arith.constant 9984 : i32
        %dma_wait3A_37 = arith.constant 0 : i32
        %dma_wait3A_38 = tpu.memref_slice %arg10[%dma_wait3A, %dma_wait3A_37] : memref<10008x128xf32, #tpu.memory_space<vmem_shared>> -> memref<16x128xf32, #tpu.memory_space<vmem_shared>>
        %dma_wait3A_39 = arith.constant 0 : i32
        %dma_wait3A_40 = tpu.memref_slice %arg2[%add3A_32, %dma_wait3A_39] : memref<20000x128xf32, #tpu.memory_space<hbm>> -> memref<16x128xf32, #tpu.memory_space<hbm>>
        tpu.wait_dma2 semaphore(%run_scoped3A : memref<!tpu.dma_semaphore, #tpu.memory_space<semaphore_mem>>) src(%dma_wait3A_40 : memref<16x128xf32, #tpu.memory_space<hbm>>) dst(%dma_wait3A_38 : memref<16x128xf32, #tpu.memory_space<vmem_shared>>)
        tpu.yield
      }) : () -> ()
    } else {
    }
    %barrier3A = arith.constant 0 : index
    tpu.barrier barrier_id(%barrier3A)
    %mul3A_7 = arith.constant 10112 : i32
    %mul3A_8 = arith.muli %arg1, %mul3A_7 : i32
    %mul3A_9 = arith.constant 10000 : i32
    %mul3A_10 = arith.muli %arg0, %mul3A_9 : i32
    %scan3A = arith.constant 0 : i32
    %scan3A_11 = arith.constant 0 : i32
    %scan3A_12 = arith.constant 79 : i32
    %scan3A_13 = arith.addi %scan3A_11, %scan3A_12 : i32
    %scan3A_14 = arith.constant 1 : i32
    scf.for %scan3A_29 = %scan3A_11 to %scan3A_13 step %scan3A_14  : i32 {
      %mul3A_30 = arith.constant 128 : i32
      %mul3A_31 = arith.muli %scan3A_29, %mul3A_30 : i32
      %add3A_32 = arith.addi %mul3A_8, %mul3A_31 : i32
      %multiple_of3A = tpu.assume_multiple %add3A_32, 128 : i32
      "tpu.region"() ({
        %run_scoped3A = tpu.sem_alloc : memref<!tpu.dma_semaphore, #tpu.memory_space<semaphore_mem>>
        %dma_start3A_107 = tpu.memref_slice %arg3[%multiple_of3A] : memref<161792xi32, #tpu.memory_space<hbm>> -> memref<128xi32, #tpu.memory_space<hbm>>
        %dma_start3A_108 = tpu.memref_slice %arg3[%multiple_of3A] : memref<161792xi32, #tpu.memory_space<hbm>> -> memref<128xi32, #tpu.memory_space<hbm>>
        tpu.enqueue_dma source(%dma_start3A_108 : memref<128xi32, #tpu.memory_space<hbm>>) target(%arg6 : memref<128xi32, #tpu.memory_space<vmem>>) target_semaphore(%run_scoped3A : memref<!tpu.dma_semaphore, #tpu.memory_space<semaphore_mem>>)
        %dma_wait3A_109 = tpu.memref_slice %arg3[%multiple_of3A] : memref<161792xi32, #tpu.memory_space<hbm>> -> memref<128xi32, #tpu.memory_space<hbm>>
        %dma_wait3A_110 = tpu.memref_slice %arg3[%multiple_of3A] : memref<161792xi32, #tpu.memory_space<hbm>> -> memref<128xi32, #tpu.memory_space<hbm>>
        tpu.wait_dma2 semaphore(%run_scoped3A : memref<!tpu.dma_semaphore, #tpu.memory_space<semaphore_mem>>) src(%dma_wait3A_110 : memref<128xi32, #tpu.memory_space<hbm>>) dst(%arg6 : memref<128xi32, #tpu.memory_space<vmem>>)
        tpu.yield
      }) : () -> ()
      "tpu.region"() ({
        %run_scoped3A = tpu.sem_alloc : memref<!tpu.dma_semaphore, #tpu.memory_space<semaphore_mem>>
        %dma_start3A_107 = tpu.memref_slice %arg4[%multiple_of3A] : memref<161792xi32, #tpu.memory_space<hbm>> -> memref<128xi32, #tpu.memory_space<hbm>>
        %dma_start3A_108 = tpu.memref_slice %arg4[%multiple_of3A] : memref<161792xi32, #tpu.memory_space<hbm>> -> memref<128xi32, #tpu.memory_space<hbm>>
        tpu.enqueue_dma source(%dma_start3A_108 : memref<128xi32, #tpu.memory_space<hbm>>) target(%arg7 : memref<128xi32, #tpu.memory_space<vmem>>) target_semaphore(%run_scoped3A : memref<!tpu.dma_semaphore, #tpu.memory_space<semaphore_mem>>)
        %dma_wait3A_109 = tpu.memref_slice %arg4[%multiple_of3A] : memref<161792xi32, #tpu.memory_space<hbm>> -> memref<128xi32, #tpu.memory_space<hbm>>
        %dma_wait3A_110 = tpu.memref_slice %arg4[%multiple_of3A] : memref<161792xi32, #tpu.memory_space<hbm>> -> memref<128xi32, #tpu.memory_space<hbm>>
        tpu.wait_dma2 semaphore(%run_scoped3A : memref<!tpu.dma_semaphore, #tpu.memory_space<semaphore_mem>>) src(%dma_wait3A_110 : memref<128xi32, #tpu.memory_space<hbm>>) dst(%arg7 : memref<128xi32, #tpu.memory_space<vmem>>)
        tpu.yield
      }) : () -> ()
      %get3A = arith.constant 0 : index
      %get3A_33 = tpu.vector_load %arg6[%get3A] {strides = array<i32>} : memref<128xi32, #tpu.memory_space<vmem>>, vector<16xi32>,
      %get3A_34 = vector.shape_cast %get3A_33 : vector<16xi32> to vector<16xi32>
      %add3A_35 = vector.broadcast %mul3A_10 : i32 to vector<16xi32>
      %add3A_36 = arith.addi %get3A_34, %add3A_35 : vector<16xi32>
      %swap3A = arith.constant 0 : index
      %swap3A_37 = tpu.vector_load %arg8[%swap3A] {strides = array<i32>} : memref<128xi32, #tpu.memory_space<vmem>>, vector<16xi32>,
      %swap3A_38 = vector.shape_cast %swap3A_37 : vector<16xi32> to vector<16xi32>
      %swap3A_39 = vector.shape_cast %add3A_36 : vector<16xi32> to vector<16xi32>
      tpu.vector_store %arg8[%swap3A], %swap3A_39 {strides = array<i32>} : memref<128xi32, #tpu.memory_space<vmem>>, vector<16xi32>,
      %get3A_40 = arith.constant 16 : index
      %get3A_41 = tpu.vector_load %arg6[%get3A_40] {strides = array<i32>} : memref<128xi32, #tpu.memory_space<vmem>>, vector<16xi32>,
      %get3A_42 = vector.shape_cast %get3A_41 : vector<16xi32> to vector<16xi32>
      %add3A_43 = vector.broadcast %mul3A_10 : i32 to vector<16xi32>
      %add3A_44 = arith.addi %get3A_42, %add3A_43 : vector<16xi32>
      %swap3A_45 = arith.constant 16 : index
      %swap3A_46 = tpu.vector_load %arg8[%swap3A_45] {strides = array<i32>} : memref<128xi32, #tpu.memory_space<vmem>>, vector<16xi32>,
      %swap3A_47 = vector.shape_cast %swap3A_46 : vector<16xi32> to vector<16xi32>
      %swap3A_48 = vector.shape_cast %add3A_44 : vector<16xi32> to vector<16xi32>
      tpu.vector_store %arg8[%swap3A_45], %swap3A_48 {strides = array<i32>} : memref<128xi32, #tpu.memory_space<vmem>>, vector<16xi32>,
      %get3A_49 = arith.constant 32 : index
      %get3A_50 = tpu.vector_load %arg6[%get3A_49] {strides = array<i32>} : memref<128xi32, #tpu.memory_space<vmem>>, vector<16xi32>,
      %get3A_51 = vector.shape_cast %get3A_50 : vector<16xi32> to vector<16xi32>
      %add3A_52 = vector.broadcast %mul3A_10 : i32 to vector<16xi32>
      %add3A_53 = arith.addi %get3A_51, %add3A_52 : vector<16xi32>
      %swap3A_54 = arith.constant 32 : index
      %swap3A_55 = tpu.vector_load %arg8[%swap3A_54] {strides = array<i32>} : memref<128xi32, #tpu.memory_space<vmem>>, vector<16xi32>,
      %swap3A_56 = vector.shape_cast %swap3A_55 : vector<16xi32> to vector<16xi32>
      %swap3A_57 = vector.shape_cast %add3A_53 : vector<16xi32> to vector<16xi32>
      tpu.vector_store %arg8[%swap3A_54], %swap3A_57 {strides = array<i32>} : memref<128xi32, #tpu.memory_space<vmem>>, vector<16xi32>,
      %get3A_58 = arith.constant 48 : index
      %get3A_59 = tpu.vector_load %arg6[%get3A_58] {strides = array<i32>} : memref<128xi32, #tpu.memory_space<vmem>>, vector<16xi32>,
      %get3A_60 = vector.shape_cast %get3A_59 : vector<16xi32> to vector<16xi32>
      %add3A_61 = vector.broadcast %mul3A_10 : i32 to vector<16xi32>
      %add3A_62 = arith.addi %get3A_60, %add3A_61 : vector<16xi32>
      %swap3A_63 = arith.constant 48 : index
      %swap3A_64 = tpu.vector_load %arg8[%swap3A_63] {strides = array<i32>} : memref<128xi32, #tpu.memory_space<vmem>>, vector<16xi32>,
      %swap3A_65 = vector.shape_cast %swap3A_64 : vector<16xi32> to vector<16xi32>
      %swap3A_66 = vector.shape_cast %add3A_62 : vector<16xi32> to vector<16xi32>
      tpu.vector_store %arg8[%swap3A_63], %swap3A_66 {strides = array<i32>} : memref<128xi32, #tpu.memory_space<vmem>>, vector<16xi32>,
      %get3A_67 = arith.constant 64 : index
      %get3A_68 = tpu.vector_load %arg6[%get3A_67] {strides = array<i32>} : memref<128xi32, #tpu.memory_space<vmem>>, vector<16xi32>,
      %get3A_69 = vector.shape_cast %get3A_68 : vector<16xi32> to vector<16xi32>
      %add3A_70 = vector.broadcast %mul3A_10 : i32 to vector<16xi32>
      %add3A_71 = arith.addi %get3A_69, %add3A_70 : vector<16xi32>
      %swap3A_72 = arith.constant 64 : index
      %swap3A_73 = tpu.vector_load %arg8[%swap3A_72] {strides = array<i32>} : memref<128xi32, #tpu.memory_space<vmem>>, vector<16xi32>,
      %swap3A_74 = vector.shape_cast %swap3A_73 : vector<16xi32> to vector<16xi32>
      %swap3A_75 = vector.shape_cast %add3A_71 : vector<16xi32> to vector<16xi32>
      tpu.vector_store %arg8[%swap3A_72], %swap3A_75 {strides = array<i32>} : memref<128xi32, #tpu.memory_space<vmem>>, vector<16xi32>,
      %get3A_76 = arith.constant 80 : index
      %get3A_77 = tpu.vector_load %arg6[%get3A_76] {strides = array<i32>} : memref<128xi32, #tpu.memory_space<vmem>>, vector<16xi32>,
      %get3A_78 = vector.shape_cast %get3A_77 : vector<16xi32> to vector<16xi32>
      %add3A_79 = vector.broadcast %mul3A_10 : i32 to vector<16xi32>
      %add3A_80 = arith.addi %get3A_78, %add3A_79 : vector<16xi32>
      %swap3A_81 = arith.constant 80 : index
      %swap3A_82 = tpu.vector_load %arg8[%swap3A_81] {strides = array<i32>} : memref<128xi32, #tpu.memory_space<vmem>>, vector<16xi32>,
      %swap3A_83 = vector.shape_cast %swap3A_82 : vector<16xi32> to vector<16xi32>
      %swap3A_84 = vector.shape_cast %add3A_80 : vector<16xi32> to vector<16xi32>
      tpu.vector_store %arg8[%swap3A_81], %swap3A_84 {strides = array<i32>} : memref<128xi32, #tpu.memory_space<vmem>>, vector<16xi32>,
      %get3A_85 = arith.constant 96 : index
      %get3A_86 = tpu.vector_load %arg6[%get3A_85] {strides = array<i32>} : memref<128xi32, #tpu.memory_space<vmem>>, vector<16xi32>,
      %get3A_87 = vector.shape_cast %get3A_86 : vector<16xi32> to vector<16xi32>
      %add3A_88 = vector.broadcast %mul3A_10 : i32 to vector<16xi32>
      %add3A_89 = arith.addi %get3A_87, %add3A_88 : vector<16xi32>
      %swap3A_90 = arith.constant 96 : index
      %swap3A_91 = tpu.vector_load %arg8[%swap3A_90] {strides = array<i32>} : memref<128xi32, #tpu.memory_space<vmem>>, vector<16xi32>,
      %swap3A_92 = vector.shape_cast %swap3A_91 : vector<16xi32> to vector<16xi32>
      %swap3A_93 = vector.shape_cast %add3A_89 : vector<16xi32> to vector<16xi32>
      tpu.vector_store %arg8[%swap3A_90], %swap3A_93 {strides = array<i32>} : memref<128xi32, #tpu.memory_space<vmem>>, vector<16xi32>,
      %get3A_94 = arith.constant 112 : index
      %get3A_95 = tpu.vector_load %arg6[%get3A_94] {strides = array<i32>} : memref<128xi32, #tpu.memory_space<vmem>>, vector<16xi32>,
      %get3A_96 = vector.shape_cast %get3A_95 : vector<16xi32> to vector<16xi32>
      %add3A_97 = vector.broadcast %mul3A_10 : i32 to vector<16xi32>
      %add3A_98 = arith.addi %get3A_96, %add3A_97 : vector<16xi32>
      %swap3A_99 = arith.constant 112 : index
      %swap3A_100 = tpu.vector_load %arg8[%swap3A_99] {strides = array<i32>} : memref<128xi32, #tpu.memory_space<vmem>>, vector<16xi32>,
      %swap3A_101 = vector.shape_cast %swap3A_100 : vector<16xi32> to vector<16xi32>
      %swap3A_102 = vector.shape_cast %add3A_98 : vector<16xi32> to vector<16xi32>
      tpu.vector_store %arg8[%swap3A_99], %swap3A_102 {strides = array<i32>} : memref<128xi32, #tpu.memory_space<vmem>>, vector<16xi32>,
      %dma_start3A = arith.constant 0 : i32
      %dma_start3A_103 = arith.constant 0 : i32
      %dma_start3A_104 = tpu.memref_slice %arg2[%dma_start3A, %dma_start3A_103] : memref<20000x128xf32, #tpu.memory_space<hbm>> -> memref<20000x128xf32, #tpu.memory_space<hbm>>
      tpu.enqueue_indirect_dma source(%dma_start3A_104 : memref<20000x128xf32, #tpu.memory_space<hbm>>) target(%arg9 : memref<128x128xf32, #tpu.memory_space<vmem>>) offsets(%arg8 : memref<128xi32, #tpu.memory_space<vmem>>) semaphore(%arg11 : memref<!tpu.dma_semaphore, #tpu.memory_space<semaphore_mem>>)
      %dma_wait3A = arith.constant 0 : i32
      %dma_wait3A_105 = arith.constant 0 : i32
      %dma_wait3A_106 = tpu.memref_slice %arg2[%dma_wait3A, %dma_wait3A_105] : memref<20000x128xf32, #tpu.memory_space<hbm>> -> memref<20000x128xf32, #tpu.memory_space<hbm>>
      tpu.wait_indirect_dma semaphore(%arg11 : memref<!tpu.dma_semaphore, #tpu.memory_space<semaphore_mem>>) src(%dma_wait3A_106 : memref<20000x128xf32, #tpu.memory_space<hbm>>) dst(%arg9 : memref<128x128xf32, #tpu.memory_space<vmem>>)
      "tpu.region"() ({
        %run_scoped3A = tpu.sem_alloc : memref<!tpu.dma_semaphore, #tpu.memory_space<semaphore_mem>>
        %dma_start3A_107 = arith.constant 0 : i32
        %dma_start3A_108 = arith.constant 0 : i32
        %dma_start3A_109 = tpu.memref_slice %arg10[%dma_start3A_107, %dma_start3A_108] : memref<10008x128xf32, #tpu.memory_space<vmem_shared>> -> memref<10008x128xf32, #tpu.memory_space<vmem_shared>>
        tpu.enqueue_indirect_dma source(%arg9 : memref<128x128xf32, #tpu.memory_space<vmem>>) target(%dma_start3A_109 : memref<10008x128xf32, #tpu.memory_space<vmem_shared>>) offsets(%arg7 : memref<128xi32, #tpu.memory_space<vmem>>) semaphore(%run_scoped3A : memref<!tpu.dma_semaphore, #tpu.memory_space<semaphore_mem>>) {add = true}
        %dma_wait3A_110 = arith.constant 0 : i32
        %dma_wait3A_111 = arith.constant 0 : i32
        %dma_wait3A_112 = tpu.memref_slice %arg10[%dma_wait3A_110, %dma_wait3A_111] : memref<10008x128xf32, #tpu.memory_space<vmem_shared>> -> memref<10008x128xf32, #tpu.memory_space<vmem_shared>>
        tpu.wait_indirect_dma semaphore(%run_scoped3A : memref<!tpu.dma_semaphore, #tpu.memory_space<semaphore_mem>>) src(%arg9 : memref<128x128xf32, #tpu.memory_space<vmem>>) dst(%dma_wait3A_112 : memref<10008x128xf32, #tpu.memory_space<vmem_shared>>)
        tpu.yield
      }) : () -> ()
    }
    %scan3A_15 = arith.constant 79 : i32
    %barrier3A_16 = arith.constant 0 : index
    tpu.barrier barrier_id(%barrier3A_16)
    %mul3A_17 = arith.constant 624 : i32
    %mul3A_18 = arith.muli %arg1, %mul3A_17 : i32
    %mul3A_19 = arith.constant 10000 : i32
    %mul3A_20 = arith.muli %arg0, %mul3A_19 : i32
    %mul3A_21 = arith.constant 624 : i32
    %mul3A_22 = arith.muli %arg1, %mul3A_21 : i32
    %add3A_23 = arith.addi %mul3A_20, %mul3A_22 : i32
    "tpu.region"() ({
      %run_scoped3A = tpu.sem_alloc : memref<!tpu.dma_semaphore, #tpu.memory_space<semaphore_mem>>
      %dma_start3A = arith.constant 0 : i32
      %dma_start3A_29 = tpu.memref_slice %arg5[%add3A_23, %dma_start3A] : memref<20000x128xf32, #tpu.memory_space<hbm>> -> memref<624x128xf32, #tpu.memory_space<hbm>>
      %dma_start3A_30 = arith.constant 0 : i32
      %dma_start3A_31 = tpu.memref_slice %arg10[%mul3A_18, %dma_start3A_30] : memref<10008x128xf32, #tpu.memory_space<vmem_shared>> -> memref<624x128xf32, #tpu.memory_space<vmem_shared>>
      tpu.enqueue_dma source(%dma_start3A_31 : memref<624x128xf32, #tpu.memory_space<vmem_shared>>) target(%dma_start3A_29 : memref<624x128xf32, #tpu.memory_space<hbm>>) target_semaphore(%run_scoped3A : memref<!tpu.dma_semaphore, #tpu.memory_space<semaphore_mem>>)
      %dma_wait3A = arith.constant 0 : i32
      %dma_wait3A_32 = tpu.memref_slice %arg5[%add3A_23, %dma_wait3A] : memref<20000x128xf32, #tpu.memory_space<hbm>> -> memref<624x128xf32, #tpu.memory_space<hbm>>
      %dma_wait3A_33 = arith.constant 0 : i32
      %dma_wait3A_34 = tpu.memref_slice %arg10[%mul3A_18, %dma_wait3A_33] : memref<10008x128xf32, #tpu.memory_space<vmem_shared>> -> memref<624x128xf32, #tpu.memory_space<vmem_shared>>
      tpu.wait_dma2 semaphore(%run_scoped3A : memref<!tpu.dma_semaphore, #tpu.memory_space<semaphore_mem>>) src(%dma_wait3A_34 : memref<624x128xf32, #tpu.memory_space<vmem_shared>>) dst(%dma_wait3A_32 : memref<624x128xf32, #tpu.memory_space<hbm>>)
      tpu.yield
    }) : () -> ()
    %eq3A_24 = arith.constant 15 : i32
    %eq3A_25 = arith.cmpi eq, %arg1, %eq3A_24 : i32
    %convert_element_type3A_26 = arith.extui %eq3A_25 : i1 to i32
    %cond3A_27 = arith.constant 0 : i32
    %cond3A_28 = arith.cmpi ne, %convert_element_type3A_26, %cond3A_27 : i32
    scf.if %cond3A_28 {
      %mul3A_29 = arith.constant 10000 : i32
      %mul3A_30 = arith.muli %arg0, %mul3A_29 : i32
      %add3A_31 = arith.constant 9984 : i32
      %add3A_32 = arith.addi %mul3A_30, %add3A_31 : i32
      "tpu.region"() ({
        %run_scoped3A = tpu.sem_alloc : memref<!tpu.dma_semaphore, #tpu.memory_space<semaphore_mem>>
        %dma_start3A = arith.constant 0 : i32
        %dma_start3A_33 = tpu.memref_slice %arg5[%add3A_32, %dma_start3A] : memref<20000x128xf32, #tpu.memory_space<hbm>> -> memref<16x128xf32, #tpu.memory_space<hbm>>
        %dma_start3A_34 = arith.constant 9984 : i32
        %dma_start3A_35 = arith.constant 0 : i32
        %dma_start3A_36 = tpu.memref_slice %arg10[%dma_start3A_34, %dma_start3A_35] : memref<10008x128xf32, #tpu.memory_space<vmem_shared>> -> memref<16x128xf32, #tpu.memory_space<vmem_shared>>
        tpu.enqueue_dma source(%dma_start3A_36 : memref<16x128xf32, #tpu.memory_space<vmem_shared>>) target(%dma_start3A_33 : memref<16x128xf32, #tpu.memory_space<hbm>>) target_semaphore(%run_scoped3A : memref<!tpu.dma_semaphore, #tpu.memory_space<semaphore_mem>>)
        %dma_wait3A = arith.constant 0 : i32
        %dma_wait3A_37 = tpu.memref_slice %arg5[%add3A_32, %dma_wait3A] : memref<20000x128xf32, #tpu.memory_space<hbm>> -> memref<16x128xf32, #tpu.memory_space<hbm>>
        %dma_wait3A_38 = arith.constant 9984 : i32
        %dma_wait3A_39 = arith.constant 0 : i32
        %dma_wait3A_40 = tpu.memref_slice %arg10[%dma_wait3A_38, %dma_wait3A_39] : memref<10008x128xf32, #tpu.memory_space<vmem_shared>> -> memref<16x128xf32, #tpu.memory_space<vmem_shared>>
        tpu.wait_dma2 semaphore(%run_scoped3A : memref<!tpu.dma_semaphore, #tpu.memory_space<semaphore_mem>>) src(%dma_wait3A_40 : memref<16x128xf32, #tpu.memory_space<vmem_shared>>) dst(%dma_wait3A_37 : memref<16x128xf32, #tpu.memory_space<hbm>>)
        tpu.yield
      }) : () -> ()
    } else {
    }
    return
  }
}

#map = affine_map<(d0, d1) -> (0, 0)>
#map1 = affine_map<(d0, d1) -> (0)>
module attributes {stable_mosaic.version = 14 : i64} {
  func.func @_sc_agg_body(%arg0: i32, %arg1: i32, %arg2: memref<20000x128xf32, #tpu.memory_space<hbm>>, %arg3: memref<161792xi32, #tpu.memory_space<hbm>>, %arg4: memref<161792xi32, #tpu.memory_space<hbm>>, %arg5: memref<20000x128xf32, #tpu.memory_space<hbm>>, %arg6: memref<128xi32, #tpu.memory_space<vmem>>, %arg7: memref<128xi32, #tpu.memory_space<vmem>>, %arg8: memref<128xi32, #tpu.memory_space<vmem>>, %arg9: memref<128x128xf32, #tpu.memory_space<vmem>>, %arg10: memref<10008x128xf32, #tpu.memory_space<vmem_shared>>, %arg11: memref<!tpu.dma_semaphore, #tpu.memory_space<semaphore_mem>>) attributes {dimension_semantics = [#tpu.dimension_semantics<core_parallel>, #tpu.dimension_semantics<subcore_parallel>], iteration_bounds = array<i64: 2, 16>, scalar_prefetch = 0 : i64, scratch_operands = 6 : i64, tpu.core_type = #tpu.core_type<sc_vector_subcore>, window_params = [{transform_indices = #map}, {transform_indices = #map1}, {transform_indices = #map1}, {transform_indices = #map}]} {
    %mul3A = arith.constant 10000 : i32
    %mul3A_0 = arith.muli %arg0, %mul3A : i32
    %mul3A_1 = arith.constant 624 : i32
    %mul3A_2 = arith.muli %arg1, %mul3A_1 : i32
    %add3A = arith.addi %mul3A_0, %mul3A_2 : i32
    %mul3A_3 = arith.constant 624 : i32
    %mul3A_4 = arith.muli %arg1, %mul3A_3 : i32
    "tpu.region"() ({
      %run_scoped3A = tpu.sem_alloc : memref<!tpu.dma_semaphore, #tpu.memory_space<semaphore_mem>>
      %dma_start3A = arith.constant 0 : i32
      %dma_start3A_29 = tpu.memref_slice %arg10[%mul3A_4, %dma_start3A] : memref<10008x128xf32, #tpu.memory_space<vmem_shared>> -> memref<624x128xf32, #tpu.memory_space<vmem_shared>>
      %dma_start3A_30 = arith.constant 0 : i32
      %dma_start3A_31 = tpu.memref_slice %arg2[%add3A, %dma_start3A_30] : memref<20000x128xf32, #tpu.memory_space<hbm>> -> memref<624x128xf32, #tpu.memory_space<hbm>>
      tpu.enqueue_dma source(%dma_start3A_31 : memref<624x128xf32, #tpu.memory_space<hbm>>) target(%dma_start3A_29 : memref<624x128xf32, #tpu.memory_space<vmem_shared>>) target_semaphore(%run_scoped3A : memref<!tpu.dma_semaphore, #tpu.memory_space<semaphore_mem>>)
      %dma_wait3A = arith.constant 0 : i32
      %dma_wait3A_32 = tpu.memref_slice %arg10[%mul3A_4, %dma_wait3A] : memref<10008x128xf32, #tpu.memory_space<vmem_shared>> -> memref<624x128xf32, #tpu.memory_space<vmem_shared>>
      %dma_wait3A_33 = arith.constant 0 : i32
      %dma_wait3A_34 = tpu.memref_slice %arg2[%add3A, %dma_wait3A_33] : memref<20000x128xf32, #tpu.memory_space<hbm>> -> memref<624x128xf32, #tpu.memory_space<hbm>>
      tpu.wait_dma2 semaphore(%run_scoped3A : memref<!tpu.dma_semaphore, #tpu.memory_space<semaphore_mem>>) src(%dma_wait3A_34 : memref<624x128xf32, #tpu.memory_space<hbm>>) dst(%dma_wait3A_32 : memref<624x128xf32, #tpu.memory_space<vmem_shared>>)
      tpu.yield
    }) : () -> ()
    %eq3A = arith.constant 15 : i32
    %eq3A_5 = arith.cmpi eq, %arg1, %eq3A : i32
    %convert_element_type3A = arith.extui %eq3A_5 : i1 to i32
    %cond3A = arith.constant 0 : i32
    %cond3A_6 = arith.cmpi ne, %convert_element_type3A, %cond3A : i32
    scf.if %cond3A_6 {
      %mul3A_29 = arith.constant 10000 : i32
      %mul3A_30 = arith.muli %arg0, %mul3A_29 : i32
      %add3A_31 = arith.constant 9984 : i32
      %add3A_32 = arith.addi %mul3A_30, %add3A_31 : i32
      "tpu.region"() ({
        %run_scoped3A = tpu.sem_alloc : memref<!tpu.dma_semaphore, #tpu.memory_space<semaphore_mem>>
        %dma_start3A = arith.constant 9984 : i32
        %dma_start3A_33 = arith.constant 0 : i32
        %dma_start3A_34 = tpu.memref_slice %arg10[%dma_start3A, %dma_start3A_33] : memref<10008x128xf32, #tpu.memory_space<vmem_shared>> -> memref<16x128xf32, #tpu.memory_space<vmem_shared>>
        %dma_start3A_35 = arith.constant 0 : i32
        %dma_start3A_36 = tpu.memref_slice %arg2[%add3A_32, %dma_start3A_35] : memref<20000x128xf32, #tpu.memory_space<hbm>> -> memref<16x128xf32, #tpu.memory_space<hbm>>
        tpu.enqueue_dma source(%dma_start3A_36 : memref<16x128xf32, #tpu.memory_space<hbm>>) target(%dma_start3A_34 : memref<16x128xf32, #tpu.memory_space<vmem_shared>>) target_semaphore(%run_scoped3A : memref<!tpu.dma_semaphore, #tpu.memory_space<semaphore_mem>>)
        %dma_wait3A = arith.constant 9984 : i32
        %dma_wait3A_37 = arith.constant 0 : i32
        %dma_wait3A_38 = tpu.memref_slice %arg10[%dma_wait3A, %dma_wait3A_37] : memref<10008x128xf32, #tpu.memory_space<vmem_shared>> -> memref<16x128xf32, #tpu.memory_space<vmem_shared>>
        %dma_wait3A_39 = arith.constant 0 : i32
        %dma_wait3A_40 = tpu.memref_slice %arg2[%add3A_32, %dma_wait3A_39] : memref<20000x128xf32, #tpu.memory_space<hbm>> -> memref<16x128xf32, #tpu.memory_space<hbm>>
        tpu.wait_dma2 semaphore(%run_scoped3A : memref<!tpu.dma_semaphore, #tpu.memory_space<semaphore_mem>>) src(%dma_wait3A_40 : memref<16x128xf32, #tpu.memory_space<hbm>>) dst(%dma_wait3A_38 : memref<16x128xf32, #tpu.memory_space<vmem_shared>>)
        tpu.yield
      }) : () -> ()
    } else {
    }
    %barrier3A = arith.constant 0 : index
    tpu.barrier barrier_id(%barrier3A)
    %mul3A_7 = arith.constant 10112 : i32
    %mul3A_8 = arith.muli %arg1, %mul3A_7 : i32
    %mul3A_9 = arith.constant 10000 : i32
    %mul3A_10 = arith.muli %arg0, %mul3A_9 : i32
    %scan3A = arith.constant 0 : i32
    %scan3A_11 = arith.constant 0 : i32
    %scan3A_12 = arith.constant 79 : i32
    %scan3A_13 = arith.addi %scan3A_11, %scan3A_12 : i32
    %scan3A_14 = arith.constant 1 : i32
    scf.for %scan3A_29 = %scan3A_11 to %scan3A_13 step %scan3A_14  : i32 {
      %mul3A_30 = arith.constant 128 : i32
      %mul3A_31 = arith.muli %scan3A_29, %mul3A_30 : i32
      %add3A_32 = arith.addi %mul3A_8, %mul3A_31 : i32
      %multiple_of3A = tpu.assume_multiple %add3A_32, 128 : i32
      "tpu.region"() ({
        %run_scoped3A = tpu.sem_alloc : memref<!tpu.dma_semaphore, #tpu.memory_space<semaphore_mem>>
        %dma_start3A_107 = tpu.memref_slice %arg3[%multiple_of3A] : memref<161792xi32, #tpu.memory_space<hbm>> -> memref<128xi32, #tpu.memory_space<hbm>>
        %dma_start3A_108 = tpu.memref_slice %arg3[%multiple_of3A] : memref<161792xi32, #tpu.memory_space<hbm>> -> memref<128xi32, #tpu.memory_space<hbm>>
        tpu.enqueue_dma source(%dma_start3A_108 : memref<128xi32, #tpu.memory_space<hbm>>) target(%arg6 : memref<128xi32, #tpu.memory_space<vmem>>) target_semaphore(%run_scoped3A : memref<!tpu.dma_semaphore, #tpu.memory_space<semaphore_mem>>)
        %dma_wait3A_109 = tpu.memref_slice %arg3[%multiple_of3A] : memref<161792xi32, #tpu.memory_space<hbm>> -> memref<128xi32, #tpu.memory_space<hbm>>
        %dma_wait3A_110 = tpu.memref_slice %arg3[%multiple_of3A] : memref<161792xi32, #tpu.memory_space<hbm>> -> memref<128xi32, #tpu.memory_space<hbm>>
        tpu.wait_dma2 semaphore(%run_scoped3A : memref<!tpu.dma_semaphore, #tpu.memory_space<semaphore_mem>>) src(%dma_wait3A_110 : memref<128xi32, #tpu.memory_space<hbm>>) dst(%arg6 : memref<128xi32, #tpu.memory_space<vmem>>)
        tpu.yield
      }) : () -> ()
      "tpu.region"() ({
        %run_scoped3A = tpu.sem_alloc : memref<!tpu.dma_semaphore, #tpu.memory_space<semaphore_mem>>
        %dma_start3A_107 = tpu.memref_slice %arg4[%multiple_of3A] : memref<161792xi32, #tpu.memory_space<hbm>> -> memref<128xi32, #tpu.memory_space<hbm>>
        %dma_start3A_108 = tpu.memref_slice %arg4[%multiple_of3A] : memref<161792xi32, #tpu.memory_space<hbm>> -> memref<128xi32, #tpu.memory_space<hbm>>
        tpu.enqueue_dma source(%dma_start3A_108 : memref<128xi32, #tpu.memory_space<hbm>>) target(%arg7 : memref<128xi32, #tpu.memory_space<vmem>>) target_semaphore(%run_scoped3A : memref<!tpu.dma_semaphore, #tpu.memory_space<semaphore_mem>>)
        %dma_wait3A_109 = tpu.memref_slice %arg4[%multiple_of3A] : memref<161792xi32, #tpu.memory_space<hbm>> -> memref<128xi32, #tpu.memory_space<hbm>>
        %dma_wait3A_110 = tpu.memref_slice %arg4[%multiple_of3A] : memref<161792xi32, #tpu.memory_space<hbm>> -> memref<128xi32, #tpu.memory_space<hbm>>
        tpu.wait_dma2 semaphore(%run_scoped3A : memref<!tpu.dma_semaphore, #tpu.memory_space<semaphore_mem>>) src(%dma_wait3A_110 : memref<128xi32, #tpu.memory_space<hbm>>) dst(%arg7 : memref<128xi32, #tpu.memory_space<vmem>>)
        tpu.yield
      }) : () -> ()
      %get3A = arith.constant 0 : index
      %get3A_33 = tpu.vector_load %arg6[%get3A] {strides = array<i32>} : memref<128xi32, #tpu.memory_space<vmem>>, vector<16xi32>,
      %get3A_34 = vector.shape_cast %get3A_33 : vector<16xi32> to vector<16xi32>
      %add3A_35 = vector.broadcast %mul3A_10 : i32 to vector<16xi32>
      %add3A_36 = arith.addi %get3A_34, %add3A_35 : vector<16xi32>
      %swap3A = arith.constant 0 : index
      %swap3A_37 = tpu.vector_load %arg8[%swap3A] {strides = array<i32>} : memref<128xi32, #tpu.memory_space<vmem>>, vector<16xi32>,
      %swap3A_38 = vector.shape_cast %swap3A_37 : vector<16xi32> to vector<16xi32>
      %swap3A_39 = vector.shape_cast %add3A_36 : vector<16xi32> to vector<16xi32>
      tpu.vector_store %arg8[%swap3A], %swap3A_39 {strides = array<i32>} : memref<128xi32, #tpu.memory_space<vmem>>, vector<16xi32>,
      %get3A_40 = arith.constant 16 : index
      %get3A_41 = tpu.vector_load %arg6[%get3A_40] {strides = array<i32>} : memref<128xi32, #tpu.memory_space<vmem>>, vector<16xi32>,
      %get3A_42 = vector.shape_cast %get3A_41 : vector<16xi32> to vector<16xi32>
      %add3A_43 = vector.broadcast %mul3A_10 : i32 to vector<16xi32>
      %add3A_44 = arith.addi %get3A_42, %add3A_43 : vector<16xi32>
      %swap3A_45 = arith.constant 16 : index
      %swap3A_46 = tpu.vector_load %arg8[%swap3A_45] {strides = array<i32>} : memref<128xi32, #tpu.memory_space<vmem>>, vector<16xi32>,
      %swap3A_47 = vector.shape_cast %swap3A_46 : vector<16xi32> to vector<16xi32>
      %swap3A_48 = vector.shape_cast %add3A_44 : vector<16xi32> to vector<16xi32>
      tpu.vector_store %arg8[%swap3A_45], %swap3A_48 {strides = array<i32>} : memref<128xi32, #tpu.memory_space<vmem>>, vector<16xi32>,
      %get3A_49 = arith.constant 32 : index
      %get3A_50 = tpu.vector_load %arg6[%get3A_49] {strides = array<i32>} : memref<128xi32, #tpu.memory_space<vmem>>, vector<16xi32>,
      %get3A_51 = vector.shape_cast %get3A_50 : vector<16xi32> to vector<16xi32>
      %add3A_52 = vector.broadcast %mul3A_10 : i32 to vector<16xi32>
      %add3A_53 = arith.addi %get3A_51, %add3A_52 : vector<16xi32>
      %swap3A_54 = arith.constant 32 : index
      %swap3A_55 = tpu.vector_load %arg8[%swap3A_54] {strides = array<i32>} : memref<128xi32, #tpu.memory_space<vmem>>, vector<16xi32>,
      %swap3A_56 = vector.shape_cast %swap3A_55 : vector<16xi32> to vector<16xi32>
      %swap3A_57 = vector.shape_cast %add3A_53 : vector<16xi32> to vector<16xi32>
      tpu.vector_store %arg8[%swap3A_54], %swap3A_57 {strides = array<i32>} : memref<128xi32, #tpu.memory_space<vmem>>, vector<16xi32>,
      %get3A_58 = arith.constant 48 : index
      %get3A_59 = tpu.vector_load %arg6[%get3A_58] {strides = array<i32>} : memref<128xi32, #tpu.memory_space<vmem>>, vector<16xi32>,
      %get3A_60 = vector.shape_cast %get3A_59 : vector<16xi32> to vector<16xi32>
      %add3A_61 = vector.broadcast %mul3A_10 : i32 to vector<16xi32>
      %add3A_62 = arith.addi %get3A_60, %add3A_61 : vector<16xi32>
      %swap3A_63 = arith.constant 48 : index
      %swap3A_64 = tpu.vector_load %arg8[%swap3A_63] {strides = array<i32>} : memref<128xi32, #tpu.memory_space<vmem>>, vector<16xi32>,
      %swap3A_65 = vector.shape_cast %swap3A_64 : vector<16xi32> to vector<16xi32>
      %swap3A_66 = vector.shape_cast %add3A_62 : vector<16xi32> to vector<16xi32>
      tpu.vector_store %arg8[%swap3A_63], %swap3A_66 {strides = array<i32>} : memref<128xi32, #tpu.memory_space<vmem>>, vector<16xi32>,
      %get3A_67 = arith.constant 64 : index
      %get3A_68 = tpu.vector_load %arg6[%get3A_67] {strides = array<i32>} : memref<128xi32, #tpu.memory_space<vmem>>, vector<16xi32>,
      %get3A_69 = vector.shape_cast %get3A_68 : vector<16xi32> to vector<16xi32>
      %add3A_70 = vector.broadcast %mul3A_10 : i32 to vector<16xi32>
      %add3A_71 = arith.addi %get3A_69, %add3A_70 : vector<16xi32>
      %swap3A_72 = arith.constant 64 : index
      %swap3A_73 = tpu.vector_load %arg8[%swap3A_72] {strides = array<i32>} : memref<128xi32, #tpu.memory_space<vmem>>, vector<16xi32>,
      %swap3A_74 = vector.shape_cast %swap3A_73 : vector<16xi32> to vector<16xi32>
      %swap3A_75 = vector.shape_cast %add3A_71 : vector<16xi32> to vector<16xi32>
      tpu.vector_store %arg8[%swap3A_72], %swap3A_75 {strides = array<i32>} : memref<128xi32, #tpu.memory_space<vmem>>, vector<16xi32>,
      %get3A_76 = arith.constant 80 : index
      %get3A_77 = tpu.vector_load %arg6[%get3A_76] {strides = array<i32>} : memref<128xi32, #tpu.memory_space<vmem>>, vector<16xi32>,
      %get3A_78 = vector.shape_cast %get3A_77 : vector<16xi32> to vector<16xi32>
      %add3A_79 = vector.broadcast %mul3A_10 : i32 to vector<16xi32>
      %add3A_80 = arith.addi %get3A_78, %add3A_79 : vector<16xi32>
      %swap3A_81 = arith.constant 80 : index
      %swap3A_82 = tpu.vector_load %arg8[%swap3A_81] {strides = array<i32>} : memref<128xi32, #tpu.memory_space<vmem>>, vector<16xi32>,
      %swap3A_83 = vector.shape_cast %swap3A_82 : vector<16xi32> to vector<16xi32>
      %swap3A_84 = vector.shape_cast %add3A_80 : vector<16xi32> to vector<16xi32>
      tpu.vector_store %arg8[%swap3A_81], %swap3A_84 {strides = array<i32>} : memref<128xi32, #tpu.memory_space<vmem>>, vector<16xi32>,
      %get3A_85 = arith.constant 96 : index
      %get3A_86 = tpu.vector_load %arg6[%get3A_85] {strides = array<i32>} : memref<128xi32, #tpu.memory_space<vmem>>, vector<16xi32>,
      %get3A_87 = vector.shape_cast %get3A_86 : vector<16xi32> to vector<16xi32>
      %add3A_88 = vector.broadcast %mul3A_10 : i32 to vector<16xi32>
      %add3A_89 = arith.addi %get3A_87, %add3A_88 : vector<16xi32>
      %swap3A_90 = arith.constant 96 : index
      %swap3A_91 = tpu.vector_load %arg8[%swap3A_90] {strides = array<i32>} : memref<128xi32, #tpu.memory_space<vmem>>, vector<16xi32>,
      %swap3A_92 = vector.shape_cast %swap3A_91 : vector<16xi32> to vector<16xi32>
      %swap3A_93 = vector.shape_cast %add3A_89 : vector<16xi32> to vector<16xi32>
      tpu.vector_store %arg8[%swap3A_90], %swap3A_93 {strides = array<i32>} : memref<128xi32, #tpu.memory_space<vmem>>, vector<16xi32>,
      %get3A_94 = arith.constant 112 : index
      %get3A_95 = tpu.vector_load %arg6[%get3A_94] {strides = array<i32>} : memref<128xi32, #tpu.memory_space<vmem>>, vector<16xi32>,
      %get3A_96 = vector.shape_cast %get3A_95 : vector<16xi32> to vector<16xi32>
      %add3A_97 = vector.broadcast %mul3A_10 : i32 to vector<16xi32>
      %add3A_98 = arith.addi %get3A_96, %add3A_97 : vector<16xi32>
      %swap3A_99 = arith.constant 112 : index
      %swap3A_100 = tpu.vector_load %arg8[%swap3A_99] {strides = array<i32>} : memref<128xi32, #tpu.memory_space<vmem>>, vector<16xi32>,
      %swap3A_101 = vector.shape_cast %swap3A_100 : vector<16xi32> to vector<16xi32>
      %swap3A_102 = vector.shape_cast %add3A_98 : vector<16xi32> to vector<16xi32>
      tpu.vector_store %arg8[%swap3A_99], %swap3A_102 {strides = array<i32>} : memref<128xi32, #tpu.memory_space<vmem>>, vector<16xi32>,
      %dma_start3A = arith.constant 0 : i32
      %dma_start3A_103 = arith.constant 0 : i32
      %dma_start3A_104 = tpu.memref_slice %arg2[%dma_start3A, %dma_start3A_103] : memref<20000x128xf32, #tpu.memory_space<hbm>> -> memref<20000x128xf32, #tpu.memory_space<hbm>>
      tpu.enqueue_indirect_dma source(%dma_start3A_104 : memref<20000x128xf32, #tpu.memory_space<hbm>>) target(%arg9 : memref<128x128xf32, #tpu.memory_space<vmem>>) offsets(%arg8 : memref<128xi32, #tpu.memory_space<vmem>>) semaphore(%arg11 : memref<!tpu.dma_semaphore, #tpu.memory_space<semaphore_mem>>)
      %dma_wait3A = arith.constant 0 : i32
      %dma_wait3A_105 = arith.constant 0 : i32
      %dma_wait3A_106 = tpu.memref_slice %arg2[%dma_wait3A, %dma_wait3A_105] : memref<20000x128xf32, #tpu.memory_space<hbm>> -> memref<20000x128xf32, #tpu.memory_space<hbm>>
      tpu.wait_indirect_dma semaphore(%arg11 : memref<!tpu.dma_semaphore, #tpu.memory_space<semaphore_mem>>) src(%dma_wait3A_106 : memref<20000x128xf32, #tpu.memory_space<hbm>>) dst(%arg9 : memref<128x128xf32, #tpu.memory_space<vmem>>)
      "tpu.region"() ({
        %run_scoped3A = tpu.sem_alloc : memref<!tpu.dma_semaphore, #tpu.memory_space<semaphore_mem>>
        %dma_start3A_107 = arith.constant 0 : i32
        %dma_start3A_108 = arith.constant 0 : i32
        %dma_start3A_109 = tpu.memref_slice %arg10[%dma_start3A_107, %dma_start3A_108] : memref<10008x128xf32, #tpu.memory_space<vmem_shared>> -> memref<10008x128xf32, #tpu.memory_space<vmem_shared>>
        tpu.enqueue_indirect_dma source(%arg9 : memref<128x128xf32, #tpu.memory_space<vmem>>) target(%dma_start3A_109 : memref<10008x128xf32, #tpu.memory_space<vmem_shared>>) offsets(%arg7 : memref<128xi32, #tpu.memory_space<vmem>>) semaphore(%run_scoped3A : memref<!tpu.dma_semaphore, #tpu.memory_space<semaphore_mem>>) {add = true}
        %dma_wait3A_110 = arith.constant 0 : i32
        %dma_wait3A_111 = arith.constant 0 : i32
        %dma_wait3A_112 = tpu.memref_slice %arg10[%dma_wait3A_110, %dma_wait3A_111] : memref<10008x128xf32, #tpu.memory_space<vmem_shared>> -> memref<10008x128xf32, #tpu.memory_space<vmem_shared>>
        tpu.wait_indirect_dma semaphore(%run_scoped3A : memref<!tpu.dma_semaphore, #tpu.memory_space<semaphore_mem>>) src(%arg9 : memref<128x128xf32, #tpu.memory_space<vmem>>) dst(%dma_wait3A_112 : memref<10008x128xf32, #tpu.memory_space<vmem_shared>>)
        tpu.yield
      }) : () -> ()
    }
    %scan3A_15 = arith.constant 79 : i32
    %barrier3A_16 = arith.constant 0 : index
    tpu.barrier barrier_id(%barrier3A_16)
    %mul3A_17 = arith.constant 624 : i32
    %mul3A_18 = arith.muli %arg1, %mul3A_17 : i32
    %mul3A_19 = arith.constant 10000 : i32
    %mul3A_20 = arith.muli %arg0, %mul3A_19 : i32
    %mul3A_21 = arith.constant 624 : i32
    %mul3A_22 = arith.muli %arg1, %mul3A_21 : i32
    %add3A_23 = arith.addi %mul3A_20, %mul3A_22 : i32
    "tpu.region"() ({
      %run_scoped3A = tpu.sem_alloc : memref<!tpu.dma_semaphore, #tpu.memory_space<semaphore_mem>>
      %dma_start3A = arith.constant 0 : i32
      %dma_start3A_29 = tpu.memref_slice %arg5[%add3A_23, %dma_start3A] : memref<20000x128xf32, #tpu.memory_space<hbm>> -> memref<624x128xf32, #tpu.memory_space<hbm>>
      %dma_start3A_30 = arith.constant 0 : i32
      %dma_start3A_31 = tpu.memref_slice %arg10[%mul3A_18, %dma_start3A_30] : memref<10008x128xf32, #tpu.memory_space<vmem_shared>> -> memref<624x128xf32, #tpu.memory_space<vmem_shared>>
      tpu.enqueue_dma source(%dma_start3A_31 : memref<624x128xf32, #tpu.memory_space<vmem_shared>>) target(%dma_start3A_29 : memref<624x128xf32, #tpu.memory_space<hbm>>) target_semaphore(%run_scoped3A : memref<!tpu.dma_semaphore, #tpu.memory_space<semaphore_mem>>)
      %dma_wait3A = arith.constant 0 : i32
      %dma_wait3A_32 = tpu.memref_slice %arg5[%add3A_23, %dma_wait3A] : memref<20000x128xf32, #tpu.memory_space<hbm>> -> memref<624x128xf32, #tpu.memory_space<hbm>>
      %dma_wait3A_33 = arith.constant 0 : i32
      %dma_wait3A_34 = tpu.memref_slice %arg10[%mul3A_18, %dma_wait3A_33] : memref<10008x128xf32, #tpu.memory_space<vmem_shared>> -> memref<624x128xf32, #tpu.memory_space<vmem_shared>>
      tpu.wait_dma2 semaphore(%run_scoped3A : memref<!tpu.dma_semaphore, #tpu.memory_space<semaphore_mem>>) src(%dma_wait3A_34 : memref<624x128xf32, #tpu.memory_space<vmem_shared>>) dst(%dma_wait3A_32 : memref<624x128xf32, #tpu.memory_space<hbm>>)
      tpu.yield
    }) : () -> ()
    %eq3A_24 = arith.constant 15 : i32
    %eq3A_25 = arith.cmpi eq, %arg1, %eq3A_24 : i32
    %convert_element_type3A_26 = arith.extui %eq3A_25 : i1 to i32
    %cond3A_27 = arith.constant 0 : i32
    %cond3A_28 = arith.cmpi ne, %convert_element_type3A_26, %cond3A_27 : i32
    scf.if %cond3A_28 {
      %mul3A_29 = arith.constant 10000 : i32
      %mul3A_30 = arith.muli %arg0, %mul3A_29 : i32
      %add3A_31 = arith.constant 9984 : i32
      %add3A_32 = arith.addi %mul3A_30, %add3A_31 : i32
      "tpu.region"() ({
        %run_scoped3A = tpu.sem_alloc : memref<!tpu.dma_semaphore, #tpu.memory_space<semaphore_mem>>
        %dma_start3A = arith.constant 0 : i32
        %dma_start3A_33 = tpu.memref_slice %arg5[%add3A_32, %dma_start3A] : memref<20000x128xf32, #tpu.memory_space<hbm>> -> memref<16x128xf32, #tpu.memory_space<hbm>>
        %dma_start3A_34 = arith.constant 9984 : i32
        %dma_start3A_35 = arith.constant 0 : i32
        %dma_start3A_36 = tpu.memref_slice %arg10[%dma_start3A_34, %dma_start3A_35] : memref<10008x128xf32, #tpu.memory_space<vmem_shared>> -> memref<16x128xf32, #tpu.memory_space<vmem_shared>>
        tpu.enqueue_dma source(%dma_start3A_36 : memref<16x128xf32, #tpu.memory_space<vmem_shared>>) target(%dma_start3A_33 : memref<16x128xf32, #tpu.memory_space<hbm>>) target_semaphore(%run_scoped3A : memref<!tpu.dma_semaphore, #tpu.memory_space<semaphore_mem>>)
        %dma_wait3A = arith.constant 0 : i32
        %dma_wait3A_37 = tpu.memref_slice %arg5[%add3A_32, %dma_wait3A] : memref<20000x128xf32, #tpu.memory_space<hbm>> -> memref<16x128xf32, #tpu.memory_space<hbm>>
        %dma_wait3A_38 = arith.constant 9984 : i32
        %dma_wait3A_39 = arith.constant 0 : i32
        %dma_wait3A_40 = tpu.memref_slice %arg10[%dma_wait3A_38, %dma_wait3A_39] : memref<10008x128xf32, #tpu.memory_space<vmem_shared>> -> memref<16x128xf32, #tpu.memory_space<vmem_shared>>
        tpu.wait_dma2 semaphore(%run_scoped3A : memref<!tpu.dma_semaphore, #tpu.memory_space<semaphore_mem>>) src(%dma_wait3A_40 : memref<16x128xf32, #tpu.memory_space<vmem_shared>>) dst(%dma_wait3A_37 : memref<16x128xf32, #tpu.memory_space<hbm>>)
        tpu.yield
      }) : () -> ()
    } else {
    }
    return
  }
}

#map = affine_map<(d0, d1) -> (0, 0)>
#map1 = affine_map<(d0, d1) -> (0)>
module attributes {stable_mosaic.version = 14 : i64} {
  func.func @_sc_agg_body(%arg0: i32, %arg1: i32, %arg2: memref<20000x128xf32, #tpu.memory_space<hbm>>, %arg3: memref<161792xi32, #tpu.memory_space<hbm>>, %arg4: memref<161792xi32, #tpu.memory_space<hbm>>, %arg5: memref<20000x128xf32, #tpu.memory_space<hbm>>, %arg6: memref<128xi32, #tpu.memory_space<vmem>>, %arg7: memref<128xi32, #tpu.memory_space<vmem>>, %arg8: memref<128xi32, #tpu.memory_space<vmem>>, %arg9: memref<128x128xf32, #tpu.memory_space<vmem>>, %arg10: memref<10008x128xf32, #tpu.memory_space<vmem_shared>>, %arg11: memref<!tpu.dma_semaphore, #tpu.memory_space<semaphore_mem>>) attributes {dimension_semantics = [#tpu.dimension_semantics<core_parallel>, #tpu.dimension_semantics<subcore_parallel>], iteration_bounds = array<i64: 2, 16>, scalar_prefetch = 0 : i64, scratch_operands = 6 : i64, tpu.core_type = #tpu.core_type<sc_vector_subcore>, window_params = [{transform_indices = #map}, {transform_indices = #map1}, {transform_indices = #map1}, {transform_indices = #map}]} {
    %mul3A = arith.constant 10000 : i32
    %mul3A_0 = arith.muli %arg0, %mul3A : i32
    %mul3A_1 = arith.constant 624 : i32
    %mul3A_2 = arith.muli %arg1, %mul3A_1 : i32
    %add3A = arith.addi %mul3A_0, %mul3A_2 : i32
    %mul3A_3 = arith.constant 624 : i32
    %mul3A_4 = arith.muli %arg1, %mul3A_3 : i32
    "tpu.region"() ({
      %run_scoped3A = tpu.sem_alloc : memref<!tpu.dma_semaphore, #tpu.memory_space<semaphore_mem>>
      %dma_start3A = arith.constant 0 : i32
      %dma_start3A_29 = tpu.memref_slice %arg10[%mul3A_4, %dma_start3A] : memref<10008x128xf32, #tpu.memory_space<vmem_shared>> -> memref<624x128xf32, #tpu.memory_space<vmem_shared>>
      %dma_start3A_30 = arith.constant 0 : i32
      %dma_start3A_31 = tpu.memref_slice %arg2[%add3A, %dma_start3A_30] : memref<20000x128xf32, #tpu.memory_space<hbm>> -> memref<624x128xf32, #tpu.memory_space<hbm>>
      tpu.enqueue_dma source(%dma_start3A_31 : memref<624x128xf32, #tpu.memory_space<hbm>>) target(%dma_start3A_29 : memref<624x128xf32, #tpu.memory_space<vmem_shared>>) target_semaphore(%run_scoped3A : memref<!tpu.dma_semaphore, #tpu.memory_space<semaphore_mem>>)
      %dma_wait3A = arith.constant 0 : i32
      %dma_wait3A_32 = tpu.memref_slice %arg10[%mul3A_4, %dma_wait3A] : memref<10008x128xf32, #tpu.memory_space<vmem_shared>> -> memref<624x128xf32, #tpu.memory_space<vmem_shared>>
      %dma_wait3A_33 = arith.constant 0 : i32
      %dma_wait3A_34 = tpu.memref_slice %arg2[%add3A, %dma_wait3A_33] : memref<20000x128xf32, #tpu.memory_space<hbm>> -> memref<624x128xf32, #tpu.memory_space<hbm>>
      tpu.wait_dma2 semaphore(%run_scoped3A : memref<!tpu.dma_semaphore, #tpu.memory_space<semaphore_mem>>) src(%dma_wait3A_34 : memref<624x128xf32, #tpu.memory_space<hbm>>) dst(%dma_wait3A_32 : memref<624x128xf32, #tpu.memory_space<vmem_shared>>)
      tpu.yield
    }) : () -> ()
    %eq3A = arith.constant 15 : i32
    %eq3A_5 = arith.cmpi eq, %arg1, %eq3A : i32
    %convert_element_type3A = arith.extui %eq3A_5 : i1 to i32
    %cond3A = arith.constant 0 : i32
    %cond3A_6 = arith.cmpi ne, %convert_element_type3A, %cond3A : i32
    scf.if %cond3A_6 {
      %mul3A_29 = arith.constant 10000 : i32
      %mul3A_30 = arith.muli %arg0, %mul3A_29 : i32
      %add3A_31 = arith.constant 9984 : i32
      %add3A_32 = arith.addi %mul3A_30, %add3A_31 : i32
      "tpu.region"() ({
        %run_scoped3A = tpu.sem_alloc : memref<!tpu.dma_semaphore, #tpu.memory_space<semaphore_mem>>
        %dma_start3A = arith.constant 9984 : i32
        %dma_start3A_33 = arith.constant 0 : i32
        %dma_start3A_34 = tpu.memref_slice %arg10[%dma_start3A, %dma_start3A_33] : memref<10008x128xf32, #tpu.memory_space<vmem_shared>> -> memref<16x128xf32, #tpu.memory_space<vmem_shared>>
        %dma_start3A_35 = arith.constant 0 : i32
        %dma_start3A_36 = tpu.memref_slice %arg2[%add3A_32, %dma_start3A_35] : memref<20000x128xf32, #tpu.memory_space<hbm>> -> memref<16x128xf32, #tpu.memory_space<hbm>>
        tpu.enqueue_dma source(%dma_start3A_36 : memref<16x128xf32, #tpu.memory_space<hbm>>) target(%dma_start3A_34 : memref<16x128xf32, #tpu.memory_space<vmem_shared>>) target_semaphore(%run_scoped3A : memref<!tpu.dma_semaphore, #tpu.memory_space<semaphore_mem>>)
        %dma_wait3A = arith.constant 9984 : i32
        %dma_wait3A_37 = arith.constant 0 : i32
        %dma_wait3A_38 = tpu.memref_slice %arg10[%dma_wait3A, %dma_wait3A_37] : memref<10008x128xf32, #tpu.memory_space<vmem_shared>> -> memref<16x128xf32, #tpu.memory_space<vmem_shared>>
        %dma_wait3A_39 = arith.constant 0 : i32
        %dma_wait3A_40 = tpu.memref_slice %arg2[%add3A_32, %dma_wait3A_39] : memref<20000x128xf32, #tpu.memory_space<hbm>> -> memref<16x128xf32, #tpu.memory_space<hbm>>
        tpu.wait_dma2 semaphore(%run_scoped3A : memref<!tpu.dma_semaphore, #tpu.memory_space<semaphore_mem>>) src(%dma_wait3A_40 : memref<16x128xf32, #tpu.memory_space<hbm>>) dst(%dma_wait3A_38 : memref<16x128xf32, #tpu.memory_space<vmem_shared>>)
        tpu.yield
      }) : () -> ()
    } else {
    }
    %barrier3A = arith.constant 0 : index
    tpu.barrier barrier_id(%barrier3A)
    %mul3A_7 = arith.constant 10112 : i32
    %mul3A_8 = arith.muli %arg1, %mul3A_7 : i32
    %mul3A_9 = arith.constant 10000 : i32
    %mul3A_10 = arith.muli %arg0, %mul3A_9 : i32
    %scan3A = arith.constant 0 : i32
    %scan3A_11 = arith.constant 0 : i32
    %scan3A_12 = arith.constant 79 : i32
    %scan3A_13 = arith.addi %scan3A_11, %scan3A_12 : i32
    %scan3A_14 = arith.constant 1 : i32
    scf.for %scan3A_29 = %scan3A_11 to %scan3A_13 step %scan3A_14  : i32 {
      %mul3A_30 = arith.constant 128 : i32
      %mul3A_31 = arith.muli %scan3A_29, %mul3A_30 : i32
      %add3A_32 = arith.addi %mul3A_8, %mul3A_31 : i32
      %multiple_of3A = tpu.assume_multiple %add3A_32, 128 : i32
      "tpu.region"() ({
        %run_scoped3A = tpu.sem_alloc : memref<!tpu.dma_semaphore, #tpu.memory_space<semaphore_mem>>
        %dma_start3A_107 = tpu.memref_slice %arg3[%multiple_of3A] : memref<161792xi32, #tpu.memory_space<hbm>> -> memref<128xi32, #tpu.memory_space<hbm>>
        %dma_start3A_108 = tpu.memref_slice %arg3[%multiple_of3A] : memref<161792xi32, #tpu.memory_space<hbm>> -> memref<128xi32, #tpu.memory_space<hbm>>
        tpu.enqueue_dma source(%dma_start3A_108 : memref<128xi32, #tpu.memory_space<hbm>>) target(%arg6 : memref<128xi32, #tpu.memory_space<vmem>>) target_semaphore(%run_scoped3A : memref<!tpu.dma_semaphore, #tpu.memory_space<semaphore_mem>>)
        %dma_wait3A_109 = tpu.memref_slice %arg3[%multiple_of3A] : memref<161792xi32, #tpu.memory_space<hbm>> -> memref<128xi32, #tpu.memory_space<hbm>>
        %dma_wait3A_110 = tpu.memref_slice %arg3[%multiple_of3A] : memref<161792xi32, #tpu.memory_space<hbm>> -> memref<128xi32, #tpu.memory_space<hbm>>
        tpu.wait_dma2 semaphore(%run_scoped3A : memref<!tpu.dma_semaphore, #tpu.memory_space<semaphore_mem>>) src(%dma_wait3A_110 : memref<128xi32, #tpu.memory_space<hbm>>) dst(%arg6 : memref<128xi32, #tpu.memory_space<vmem>>)
        tpu.yield
      }) : () -> ()
      "tpu.region"() ({
        %run_scoped3A = tpu.sem_alloc : memref<!tpu.dma_semaphore, #tpu.memory_space<semaphore_mem>>
        %dma_start3A_107 = tpu.memref_slice %arg4[%multiple_of3A] : memref<161792xi32, #tpu.memory_space<hbm>> -> memref<128xi32, #tpu.memory_space<hbm>>
        %dma_start3A_108 = tpu.memref_slice %arg4[%multiple_of3A] : memref<161792xi32, #tpu.memory_space<hbm>> -> memref<128xi32, #tpu.memory_space<hbm>>
        tpu.enqueue_dma source(%dma_start3A_108 : memref<128xi32, #tpu.memory_space<hbm>>) target(%arg7 : memref<128xi32, #tpu.memory_space<vmem>>) target_semaphore(%run_scoped3A : memref<!tpu.dma_semaphore, #tpu.memory_space<semaphore_mem>>)
        %dma_wait3A_109 = tpu.memref_slice %arg4[%multiple_of3A] : memref<161792xi32, #tpu.memory_space<hbm>> -> memref<128xi32, #tpu.memory_space<hbm>>
        %dma_wait3A_110 = tpu.memref_slice %arg4[%multiple_of3A] : memref<161792xi32, #tpu.memory_space<hbm>> -> memref<128xi32, #tpu.memory_space<hbm>>
        tpu.wait_dma2 semaphore(%run_scoped3A : memref<!tpu.dma_semaphore, #tpu.memory_space<semaphore_mem>>) src(%dma_wait3A_110 : memref<128xi32, #tpu.memory_space<hbm>>) dst(%arg7 : memref<128xi32, #tpu.memory_space<vmem>>)
        tpu.yield
      }) : () -> ()
      %get3A = arith.constant 0 : index
      %get3A_33 = tpu.vector_load %arg6[%get3A] {strides = array<i32>} : memref<128xi32, #tpu.memory_space<vmem>>, vector<16xi32>,
      %get3A_34 = vector.shape_cast %get3A_33 : vector<16xi32> to vector<16xi32>
      %add3A_35 = vector.broadcast %mul3A_10 : i32 to vector<16xi32>
      %add3A_36 = arith.addi %get3A_34, %add3A_35 : vector<16xi32>
      %swap3A = arith.constant 0 : index
      %swap3A_37 = tpu.vector_load %arg8[%swap3A] {strides = array<i32>} : memref<128xi32, #tpu.memory_space<vmem>>, vector<16xi32>,
      %swap3A_38 = vector.shape_cast %swap3A_37 : vector<16xi32> to vector<16xi32>
      %swap3A_39 = vector.shape_cast %add3A_36 : vector<16xi32> to vector<16xi32>
      tpu.vector_store %arg8[%swap3A], %swap3A_39 {strides = array<i32>} : memref<128xi32, #tpu.memory_space<vmem>>, vector<16xi32>,
      %get3A_40 = arith.constant 16 : index
      %get3A_41 = tpu.vector_load %arg6[%get3A_40] {strides = array<i32>} : memref<128xi32, #tpu.memory_space<vmem>>, vector<16xi32>,
      %get3A_42 = vector.shape_cast %get3A_41 : vector<16xi32> to vector<16xi32>
      %add3A_43 = vector.broadcast %mul3A_10 : i32 to vector<16xi32>
      %add3A_44 = arith.addi %get3A_42, %add3A_43 : vector<16xi32>
      %swap3A_45 = arith.constant 16 : index
      %swap3A_46 = tpu.vector_load %arg8[%swap3A_45] {strides = array<i32>} : memref<128xi32, #tpu.memory_space<vmem>>, vector<16xi32>,
      %swap3A_47 = vector.shape_cast %swap3A_46 : vector<16xi32> to vector<16xi32>
      %swap3A_48 = vector.shape_cast %add3A_44 : vector<16xi32> to vector<16xi32>
      tpu.vector_store %arg8[%swap3A_45], %swap3A_48 {strides = array<i32>} : memref<128xi32, #tpu.memory_space<vmem>>, vector<16xi32>,
      %get3A_49 = arith.constant 32 : index
      %get3A_50 = tpu.vector_load %arg6[%get3A_49] {strides = array<i32>} : memref<128xi32, #tpu.memory_space<vmem>>, vector<16xi32>,
      %get3A_51 = vector.shape_cast %get3A_50 : vector<16xi32> to vector<16xi32>
      %add3A_52 = vector.broadcast %mul3A_10 : i32 to vector<16xi32>
      %add3A_53 = arith.addi %get3A_51, %add3A_52 : vector<16xi32>
      %swap3A_54 = arith.constant 32 : index
      %swap3A_55 = tpu.vector_load %arg8[%swap3A_54] {strides = array<i32>} : memref<128xi32, #tpu.memory_space<vmem>>, vector<16xi32>,
      %swap3A_56 = vector.shape_cast %swap3A_55 : vector<16xi32> to vector<16xi32>
      %swap3A_57 = vector.shape_cast %add3A_53 : vector<16xi32> to vector<16xi32>
      tpu.vector_store %arg8[%swap3A_54], %swap3A_57 {strides = array<i32>} : memref<128xi32, #tpu.memory_space<vmem>>, vector<16xi32>,
      %get3A_58 = arith.constant 48 : index
      %get3A_59 = tpu.vector_load %arg6[%get3A_58] {strides = array<i32>} : memref<128xi32, #tpu.memory_space<vmem>>, vector<16xi32>,
      %get3A_60 = vector.shape_cast %get3A_59 : vector<16xi32> to vector<16xi32>
      %add3A_61 = vector.broadcast %mul3A_10 : i32 to vector<16xi32>
      %add3A_62 = arith.addi %get3A_60, %add3A_61 : vector<16xi32>
      %swap3A_63 = arith.constant 48 : index
      %swap3A_64 = tpu.vector_load %arg8[%swap3A_63] {strides = array<i32>} : memref<128xi32, #tpu.memory_space<vmem>>, vector<16xi32>,
      %swap3A_65 = vector.shape_cast %swap3A_64 : vector<16xi32> to vector<16xi32>
      %swap3A_66 = vector.shape_cast %add3A_62 : vector<16xi32> to vector<16xi32>
      tpu.vector_store %arg8[%swap3A_63], %swap3A_66 {strides = array<i32>} : memref<128xi32, #tpu.memory_space<vmem>>, vector<16xi32>,
      %get3A_67 = arith.constant 64 : index
      %get3A_68 = tpu.vector_load %arg6[%get3A_67] {strides = array<i32>} : memref<128xi32, #tpu.memory_space<vmem>>, vector<16xi32>,
      %get3A_69 = vector.shape_cast %get3A_68 : vector<16xi32> to vector<16xi32>
      %add3A_70 = vector.broadcast %mul3A_10 : i32 to vector<16xi32>
      %add3A_71 = arith.addi %get3A_69, %add3A_70 : vector<16xi32>
      %swap3A_72 = arith.constant 64 : index
      %swap3A_73 = tpu.vector_load %arg8[%swap3A_72] {strides = array<i32>} : memref<128xi32, #tpu.memory_space<vmem>>, vector<16xi32>,
      %swap3A_74 = vector.shape_cast %swap3A_73 : vector<16xi32> to vector<16xi32>
      %swap3A_75 = vector.shape_cast %add3A_71 : vector<16xi32> to vector<16xi32>
      tpu.vector_store %arg8[%swap3A_72], %swap3A_75 {strides = array<i32>} : memref<128xi32, #tpu.memory_space<vmem>>, vector<16xi32>,
      %get3A_76 = arith.constant 80 : index
      %get3A_77 = tpu.vector_load %arg6[%get3A_76] {strides = array<i32>} : memref<128xi32, #tpu.memory_space<vmem>>, vector<16xi32>,
      %get3A_78 = vector.shape_cast %get3A_77 : vector<16xi32> to vector<16xi32>
      %add3A_79 = vector.broadcast %mul3A_10 : i32 to vector<16xi32>
      %add3A_80 = arith.addi %get3A_78, %add3A_79 : vector<16xi32>
      %swap3A_81 = arith.constant 80 : index
      %swap3A_82 = tpu.vector_load %arg8[%swap3A_81] {strides = array<i32>} : memref<128xi32, #tpu.memory_space<vmem>>, vector<16xi32>,
      %swap3A_83 = vector.shape_cast %swap3A_82 : vector<16xi32> to vector<16xi32>
      %swap3A_84 = vector.shape_cast %add3A_80 : vector<16xi32> to vector<16xi32>
      tpu.vector_store %arg8[%swap3A_81], %swap3A_84 {strides = array<i32>} : memref<128xi32, #tpu.memory_space<vmem>>, vector<16xi32>,
      %get3A_85 = arith.constant 96 : index
      %get3A_86 = tpu.vector_load %arg6[%get3A_85] {strides = array<i32>} : memref<128xi32, #tpu.memory_space<vmem>>, vector<16xi32>,
      %get3A_87 = vector.shape_cast %get3A_86 : vector<16xi32> to vector<16xi32>
      %add3A_88 = vector.broadcast %mul3A_10 : i32 to vector<16xi32>
      %add3A_89 = arith.addi %get3A_87, %add3A_88 : vector<16xi32>
      %swap3A_90 = arith.constant 96 : index
      %swap3A_91 = tpu.vector_load %arg8[%swap3A_90] {strides = array<i32>} : memref<128xi32, #tpu.memory_space<vmem>>, vector<16xi32>,
      %swap3A_92 = vector.shape_cast %swap3A_91 : vector<16xi32> to vector<16xi32>
      %swap3A_93 = vector.shape_cast %add3A_89 : vector<16xi32> to vector<16xi32>
      tpu.vector_store %arg8[%swap3A_90], %swap3A_93 {strides = array<i32>} : memref<128xi32, #tpu.memory_space<vmem>>, vector<16xi32>,
      %get3A_94 = arith.constant 112 : index
      %get3A_95 = tpu.vector_load %arg6[%get3A_94] {strides = array<i32>} : memref<128xi32, #tpu.memory_space<vmem>>, vector<16xi32>,
      %get3A_96 = vector.shape_cast %get3A_95 : vector<16xi32> to vector<16xi32>
      %add3A_97 = vector.broadcast %mul3A_10 : i32 to vector<16xi32>
      %add3A_98 = arith.addi %get3A_96, %add3A_97 : vector<16xi32>
      %swap3A_99 = arith.constant 112 : index
      %swap3A_100 = tpu.vector_load %arg8[%swap3A_99] {strides = array<i32>} : memref<128xi32, #tpu.memory_space<vmem>>, vector<16xi32>,
      %swap3A_101 = vector.shape_cast %swap3A_100 : vector<16xi32> to vector<16xi32>
      %swap3A_102 = vector.shape_cast %add3A_98 : vector<16xi32> to vector<16xi32>
      tpu.vector_store %arg8[%swap3A_99], %swap3A_102 {strides = array<i32>} : memref<128xi32, #tpu.memory_space<vmem>>, vector<16xi32>,
      %dma_start3A = arith.constant 0 : i32
      %dma_start3A_103 = arith.constant 0 : i32
      %dma_start3A_104 = tpu.memref_slice %arg2[%dma_start3A, %dma_start3A_103] : memref<20000x128xf32, #tpu.memory_space<hbm>> -> memref<20000x128xf32, #tpu.memory_space<hbm>>
      tpu.enqueue_indirect_dma source(%dma_start3A_104 : memref<20000x128xf32, #tpu.memory_space<hbm>>) target(%arg9 : memref<128x128xf32, #tpu.memory_space<vmem>>) offsets(%arg8 : memref<128xi32, #tpu.memory_space<vmem>>) semaphore(%arg11 : memref<!tpu.dma_semaphore, #tpu.memory_space<semaphore_mem>>)
      %dma_wait3A = arith.constant 0 : i32
      %dma_wait3A_105 = arith.constant 0 : i32
      %dma_wait3A_106 = tpu.memref_slice %arg2[%dma_wait3A, %dma_wait3A_105] : memref<20000x128xf32, #tpu.memory_space<hbm>> -> memref<20000x128xf32, #tpu.memory_space<hbm>>
      tpu.wait_indirect_dma semaphore(%arg11 : memref<!tpu.dma_semaphore, #tpu.memory_space<semaphore_mem>>) src(%dma_wait3A_106 : memref<20000x128xf32, #tpu.memory_space<hbm>>) dst(%arg9 : memref<128x128xf32, #tpu.memory_space<vmem>>)
      "tpu.region"() ({
        %run_scoped3A = tpu.sem_alloc : memref<!tpu.dma_semaphore, #tpu.memory_space<semaphore_mem>>
        %dma_start3A_107 = arith.constant 0 : i32
        %dma_start3A_108 = arith.constant 0 : i32
        %dma_start3A_109 = tpu.memref_slice %arg10[%dma_start3A_107, %dma_start3A_108] : memref<10008x128xf32, #tpu.memory_space<vmem_shared>> -> memref<10008x128xf32, #tpu.memory_space<vmem_shared>>
        tpu.enqueue_indirect_dma source(%arg9 : memref<128x128xf32, #tpu.memory_space<vmem>>) target(%dma_start3A_109 : memref<10008x128xf32, #tpu.memory_space<vmem_shared>>) offsets(%arg7 : memref<128xi32, #tpu.memory_space<vmem>>) semaphore(%run_scoped3A : memref<!tpu.dma_semaphore, #tpu.memory_space<semaphore_mem>>) {add = true}
        %dma_wait3A_110 = arith.constant 0 : i32
        %dma_wait3A_111 = arith.constant 0 : i32
        %dma_wait3A_112 = tpu.memref_slice %arg10[%dma_wait3A_110, %dma_wait3A_111] : memref<10008x128xf32, #tpu.memory_space<vmem_shared>> -> memref<10008x128xf32, #tpu.memory_space<vmem_shared>>
        tpu.wait_indirect_dma semaphore(%run_scoped3A : memref<!tpu.dma_semaphore, #tpu.memory_space<semaphore_mem>>) src(%arg9 : memref<128x128xf32, #tpu.memory_space<vmem>>) dst(%dma_wait3A_112 : memref<10008x128xf32, #tpu.memory_space<vmem_shared>>)
        tpu.yield
      }) : () -> ()
    }
    %scan3A_15 = arith.constant 79 : i32
    %barrier3A_16 = arith.constant 0 : index
    tpu.barrier barrier_id(%barrier3A_16)
    %mul3A_17 = arith.constant 624 : i32
    %mul3A_18 = arith.muli %arg1, %mul3A_17 : i32
    %mul3A_19 = arith.constant 10000 : i32
    %mul3A_20 = arith.muli %arg0, %mul3A_19 : i32
    %mul3A_21 = arith.constant 624 : i32
    %mul3A_22 = arith.muli %arg1, %mul3A_21 : i32
    %add3A_23 = arith.addi %mul3A_20, %mul3A_22 : i32
    "tpu.region"() ({
      %run_scoped3A = tpu.sem_alloc : memref<!tpu.dma_semaphore, #tpu.memory_space<semaphore_mem>>
      %dma_start3A = arith.constant 0 : i32
      %dma_start3A_29 = tpu.memref_slice %arg5[%add3A_23, %dma_start3A] : memref<20000x128xf32, #tpu.memory_space<hbm>> -> memref<624x128xf32, #tpu.memory_space<hbm>>
      %dma_start3A_30 = arith.constant 0 : i32
      %dma_start3A_31 = tpu.memref_slice %arg10[%mul3A_18, %dma_start3A_30] : memref<10008x128xf32, #tpu.memory_space<vmem_shared>> -> memref<624x128xf32, #tpu.memory_space<vmem_shared>>
      tpu.enqueue_dma source(%dma_start3A_31 : memref<624x128xf32, #tpu.memory_space<vmem_shared>>) target(%dma_start3A_29 : memref<624x128xf32, #tpu.memory_space<hbm>>) target_semaphore(%run_scoped3A : memref<!tpu.dma_semaphore, #tpu.memory_space<semaphore_mem>>)
      %dma_wait3A = arith.constant 0 : i32
      %dma_wait3A_32 = tpu.memref_slice %arg5[%add3A_23, %dma_wait3A] : memref<20000x128xf32, #tpu.memory_space<hbm>> -> memref<624x128xf32, #tpu.memory_space<hbm>>
      %dma_wait3A_33 = arith.constant 0 : i32
      %dma_wait3A_34 = tpu.memref_slice %arg10[%mul3A_18, %dma_wait3A_33] : memref<10008x128xf32, #tpu.memory_space<vmem_shared>> -> memref<624x128xf32, #tpu.memory_space<vmem_shared>>
      tpu.wait_dma2 semaphore(%run_scoped3A : memref<!tpu.dma_semaphore, #tpu.memory_space<semaphore_mem>>) src(%dma_wait3A_34 : memref<624x128xf32, #tpu.memory_space<vmem_shared>>) dst(%dma_wait3A_32 : memref<624x128xf32, #tpu.memory_space<hbm>>)
      tpu.yield
    }) : () -> ()
    %eq3A_24 = arith.constant 15 : i32
    %eq3A_25 = arith.cmpi eq, %arg1, %eq3A_24 : i32
    %convert_element_type3A_26 = arith.extui %eq3A_25 : i1 to i32
    %cond3A_27 = arith.constant 0 : i32
    %cond3A_28 = arith.cmpi ne, %convert_element_type3A_26, %cond3A_27 : i32
    scf.if %cond3A_28 {
      %mul3A_29 = arith.constant 10000 : i32
      %mul3A_30 = arith.muli %arg0, %mul3A_29 : i32
      %add3A_31 = arith.constant 9984 : i32
      %add3A_32 = arith.addi %mul3A_30, %add3A_31 : i32
      "tpu.region"() ({
        %run_scoped3A = tpu.sem_alloc : memref<!tpu.dma_semaphore, #tpu.memory_space<semaphore_mem>>
        %dma_start3A = arith.constant 0 : i32
        %dma_start3A_33 = tpu.memref_slice %arg5[%add3A_32, %dma_start3A] : memref<20000x128xf32, #tpu.memory_space<hbm>> -> memref<16x128xf32, #tpu.memory_space<hbm>>
        %dma_start3A_34 = arith.constant 9984 : i32
        %dma_start3A_35 = arith.constant 0 : i32
        %dma_start3A_36 = tpu.memref_slice %arg10[%dma_start3A_34, %dma_start3A_35] : memref<10008x128xf32, #tpu.memory_space<vmem_shared>> -> memref<16x128xf32, #tpu.memory_space<vmem_shared>>
        tpu.enqueue_dma source(%dma_start3A_36 : memref<16x128xf32, #tpu.memory_space<vmem_shared>>) target(%dma_start3A_33 : memref<16x128xf32, #tpu.memory_space<hbm>>) target_semaphore(%run_scoped3A : memref<!tpu.dma_semaphore, #tpu.memory_space<semaphore_mem>>)
        %dma_wait3A = arith.constant 0 : i32
        %dma_wait3A_37 = tpu.memref_slice %arg5[%add3A_32, %dma_wait3A] : memref<20000x128xf32, #tpu.memory_space<hbm>> -> memref<16x128xf32, #tpu.memory_space<hbm>>
        %dma_wait3A_38 = arith.constant 9984 : i32
        %dma_wait3A_39 = arith.constant 0 : i32
        %dma_wait3A_40 = tpu.memref_slice %arg10[%dma_wait3A_38, %dma_wait3A_39] : memref<10008x128xf32, #tpu.memory_space<vmem_shared>> -> memref<16x128xf32, #tpu.memory_space<vmem_shared>>
        tpu.wait_dma2 semaphore(%run_scoped3A : memref<!tpu.dma_semaphore, #tpu.memory_space<semaphore_mem>>) src(%dma_wait3A_40 : memref<16x128xf32, #tpu.memory_space<vmem_shared>>) dst(%dma_wait3A_37 : memref<16x128xf32, #tpu.memory_space<hbm>>)
        tpu.yield
      }) : () -> ()
    } else {
    }
    return
  }
}

#map = affine_map<(d0, d1) -> (0, 0)>
#map1 = affine_map<(d0, d1) -> (0)>
module attributes {stable_mosaic.version = 14 : i64} {
  func.func @_sc_agg_body(%arg0: i32, %arg1: i32, %arg2: memref<20000x128xf32, #tpu.memory_space<hbm>>, %arg3: memref<161792xi32, #tpu.memory_space<hbm>>, %arg4: memref<161792xi32, #tpu.memory_space<hbm>>, %arg5: memref<20000x128xf32, #tpu.memory_space<hbm>>, %arg6: memref<128xi32, #tpu.memory_space<vmem>>, %arg7: memref<128xi32, #tpu.memory_space<vmem>>, %arg8: memref<128xi32, #tpu.memory_space<vmem>>, %arg9: memref<128x128xf32, #tpu.memory_space<vmem>>, %arg10: memref<10008x128xf32, #tpu.memory_space<vmem_shared>>, %arg11: memref<!tpu.dma_semaphore, #tpu.memory_space<semaphore_mem>>) attributes {dimension_semantics = [#tpu.dimension_semantics<core_parallel>, #tpu.dimension_semantics<subcore_parallel>], iteration_bounds = array<i64: 2, 16>, scalar_prefetch = 0 : i64, scratch_operands = 6 : i64, tpu.core_type = #tpu.core_type<sc_vector_subcore>, window_params = [{transform_indices = #map}, {transform_indices = #map1}, {transform_indices = #map1}, {transform_indices = #map}]} {
    %mul3A = arith.constant 10000 : i32
    %mul3A_0 = arith.muli %arg0, %mul3A : i32
    %mul3A_1 = arith.constant 624 : i32
    %mul3A_2 = arith.muli %arg1, %mul3A_1 : i32
    %add3A = arith.addi %mul3A_0, %mul3A_2 : i32
    %mul3A_3 = arith.constant 624 : i32
    %mul3A_4 = arith.muli %arg1, %mul3A_3 : i32
    "tpu.region"() ({
      %run_scoped3A = tpu.sem_alloc : memref<!tpu.dma_semaphore, #tpu.memory_space<semaphore_mem>>
      %dma_start3A = arith.constant 0 : i32
      %dma_start3A_29 = tpu.memref_slice %arg10[%mul3A_4, %dma_start3A] : memref<10008x128xf32, #tpu.memory_space<vmem_shared>> -> memref<624x128xf32, #tpu.memory_space<vmem_shared>>
      %dma_start3A_30 = arith.constant 0 : i32
      %dma_start3A_31 = tpu.memref_slice %arg2[%add3A, %dma_start3A_30] : memref<20000x128xf32, #tpu.memory_space<hbm>> -> memref<624x128xf32, #tpu.memory_space<hbm>>
      tpu.enqueue_dma source(%dma_start3A_31 : memref<624x128xf32, #tpu.memory_space<hbm>>) target(%dma_start3A_29 : memref<624x128xf32, #tpu.memory_space<vmem_shared>>) target_semaphore(%run_scoped3A : memref<!tpu.dma_semaphore, #tpu.memory_space<semaphore_mem>>)
      %dma_wait3A = arith.constant 0 : i32
      %dma_wait3A_32 = tpu.memref_slice %arg10[%mul3A_4, %dma_wait3A] : memref<10008x128xf32, #tpu.memory_space<vmem_shared>> -> memref<624x128xf32, #tpu.memory_space<vmem_shared>>
      %dma_wait3A_33 = arith.constant 0 : i32
      %dma_wait3A_34 = tpu.memref_slice %arg2[%add3A, %dma_wait3A_33] : memref<20000x128xf32, #tpu.memory_space<hbm>> -> memref<624x128xf32, #tpu.memory_space<hbm>>
      tpu.wait_dma2 semaphore(%run_scoped3A : memref<!tpu.dma_semaphore, #tpu.memory_space<semaphore_mem>>) src(%dma_wait3A_34 : memref<624x128xf32, #tpu.memory_space<hbm>>) dst(%dma_wait3A_32 : memref<624x128xf32, #tpu.memory_space<vmem_shared>>)
      tpu.yield
    }) : () -> ()
    %eq3A = arith.constant 15 : i32
    %eq3A_5 = arith.cmpi eq, %arg1, %eq3A : i32
    %convert_element_type3A = arith.extui %eq3A_5 : i1 to i32
    %cond3A = arith.constant 0 : i32
    %cond3A_6 = arith.cmpi ne, %convert_element_type3A, %cond3A : i32
    scf.if %cond3A_6 {
      %mul3A_29 = arith.constant 10000 : i32
      %mul3A_30 = arith.muli %arg0, %mul3A_29 : i32
      %add3A_31 = arith.constant 9984 : i32
      %add3A_32 = arith.addi %mul3A_30, %add3A_31 : i32
      "tpu.region"() ({
        %run_scoped3A = tpu.sem_alloc : memref<!tpu.dma_semaphore, #tpu.memory_space<semaphore_mem>>
        %dma_start3A = arith.constant 9984 : i32
        %dma_start3A_33 = arith.constant 0 : i32
        %dma_start3A_34 = tpu.memref_slice %arg10[%dma_start3A, %dma_start3A_33] : memref<10008x128xf32, #tpu.memory_space<vmem_shared>> -> memref<16x128xf32, #tpu.memory_space<vmem_shared>>
        %dma_start3A_35 = arith.constant 0 : i32
        %dma_start3A_36 = tpu.memref_slice %arg2[%add3A_32, %dma_start3A_35] : memref<20000x128xf32, #tpu.memory_space<hbm>> -> memref<16x128xf32, #tpu.memory_space<hbm>>
        tpu.enqueue_dma source(%dma_start3A_36 : memref<16x128xf32, #tpu.memory_space<hbm>>) target(%dma_start3A_34 : memref<16x128xf32, #tpu.memory_space<vmem_shared>>) target_semaphore(%run_scoped3A : memref<!tpu.dma_semaphore, #tpu.memory_space<semaphore_mem>>)
        %dma_wait3A = arith.constant 9984 : i32
        %dma_wait3A_37 = arith.constant 0 : i32
        %dma_wait3A_38 = tpu.memref_slice %arg10[%dma_wait3A, %dma_wait3A_37] : memref<10008x128xf32, #tpu.memory_space<vmem_shared>> -> memref<16x128xf32, #tpu.memory_space<vmem_shared>>
        %dma_wait3A_39 = arith.constant 0 : i32
        %dma_wait3A_40 = tpu.memref_slice %arg2[%add3A_32, %dma_wait3A_39] : memref<20000x128xf32, #tpu.memory_space<hbm>> -> memref<16x128xf32, #tpu.memory_space<hbm>>
        tpu.wait_dma2 semaphore(%run_scoped3A : memref<!tpu.dma_semaphore, #tpu.memory_space<semaphore_mem>>) src(%dma_wait3A_40 : memref<16x128xf32, #tpu.memory_space<hbm>>) dst(%dma_wait3A_38 : memref<16x128xf32, #tpu.memory_space<vmem_shared>>)
        tpu.yield
      }) : () -> ()
    } else {
    }
    %barrier3A = arith.constant 0 : index
    tpu.barrier barrier_id(%barrier3A)
    %mul3A_7 = arith.constant 10112 : i32
    %mul3A_8 = arith.muli %arg1, %mul3A_7 : i32
    %mul3A_9 = arith.constant 10000 : i32
    %mul3A_10 = arith.muli %arg0, %mul3A_9 : i32
    %scan3A = arith.constant 0 : i32
    %scan3A_11 = arith.constant 0 : i32
    %scan3A_12 = arith.constant 79 : i32
    %scan3A_13 = arith.addi %scan3A_11, %scan3A_12 : i32
    %scan3A_14 = arith.constant 1 : i32
    scf.for %scan3A_29 = %scan3A_11 to %scan3A_13 step %scan3A_14  : i32 {
      %mul3A_30 = arith.constant 128 : i32
      %mul3A_31 = arith.muli %scan3A_29, %mul3A_30 : i32
      %add3A_32 = arith.addi %mul3A_8, %mul3A_31 : i32
      %multiple_of3A = tpu.assume_multiple %add3A_32, 128 : i32
      "tpu.region"() ({
        %run_scoped3A = tpu.sem_alloc : memref<!tpu.dma_semaphore, #tpu.memory_space<semaphore_mem>>
        %dma_start3A_107 = tpu.memref_slice %arg3[%multiple_of3A] : memref<161792xi32, #tpu.memory_space<hbm>> -> memref<128xi32, #tpu.memory_space<hbm>>
        %dma_start3A_108 = tpu.memref_slice %arg3[%multiple_of3A] : memref<161792xi32, #tpu.memory_space<hbm>> -> memref<128xi32, #tpu.memory_space<hbm>>
        tpu.enqueue_dma source(%dma_start3A_108 : memref<128xi32, #tpu.memory_space<hbm>>) target(%arg6 : memref<128xi32, #tpu.memory_space<vmem>>) target_semaphore(%run_scoped3A : memref<!tpu.dma_semaphore, #tpu.memory_space<semaphore_mem>>)
        %dma_wait3A_109 = tpu.memref_slice %arg3[%multiple_of3A] : memref<161792xi32, #tpu.memory_space<hbm>> -> memref<128xi32, #tpu.memory_space<hbm>>
        %dma_wait3A_110 = tpu.memref_slice %arg3[%multiple_of3A] : memref<161792xi32, #tpu.memory_space<hbm>> -> memref<128xi32, #tpu.memory_space<hbm>>
        tpu.wait_dma2 semaphore(%run_scoped3A : memref<!tpu.dma_semaphore, #tpu.memory_space<semaphore_mem>>) src(%dma_wait3A_110 : memref<128xi32, #tpu.memory_space<hbm>>) dst(%arg6 : memref<128xi32, #tpu.memory_space<vmem>>)
        tpu.yield
      }) : () -> ()
      "tpu.region"() ({
        %run_scoped3A = tpu.sem_alloc : memref<!tpu.dma_semaphore, #tpu.memory_space<semaphore_mem>>
        %dma_start3A_107 = tpu.memref_slice %arg4[%multiple_of3A] : memref<161792xi32, #tpu.memory_space<hbm>> -> memref<128xi32, #tpu.memory_space<hbm>>
        %dma_start3A_108 = tpu.memref_slice %arg4[%multiple_of3A] : memref<161792xi32, #tpu.memory_space<hbm>> -> memref<128xi32, #tpu.memory_space<hbm>>
        tpu.enqueue_dma source(%dma_start3A_108 : memref<128xi32, #tpu.memory_space<hbm>>) target(%arg7 : memref<128xi32, #tpu.memory_space<vmem>>) target_semaphore(%run_scoped3A : memref<!tpu.dma_semaphore, #tpu.memory_space<semaphore_mem>>)
        %dma_wait3A_109 = tpu.memref_slice %arg4[%multiple_of3A] : memref<161792xi32, #tpu.memory_space<hbm>> -> memref<128xi32, #tpu.memory_space<hbm>>
        %dma_wait3A_110 = tpu.memref_slice %arg4[%multiple_of3A] : memref<161792xi32, #tpu.memory_space<hbm>> -> memref<128xi32, #tpu.memory_space<hbm>>
        tpu.wait_dma2 semaphore(%run_scoped3A : memref<!tpu.dma_semaphore, #tpu.memory_space<semaphore_mem>>) src(%dma_wait3A_110 : memref<128xi32, #tpu.memory_space<hbm>>) dst(%arg7 : memref<128xi32, #tpu.memory_space<vmem>>)
        tpu.yield
      }) : () -> ()
      %get3A = arith.constant 0 : index
      %get3A_33 = tpu.vector_load %arg6[%get3A] {strides = array<i32>} : memref<128xi32, #tpu.memory_space<vmem>>, vector<16xi32>,
      %get3A_34 = vector.shape_cast %get3A_33 : vector<16xi32> to vector<16xi32>
      %add3A_35 = vector.broadcast %mul3A_10 : i32 to vector<16xi32>
      %add3A_36 = arith.addi %get3A_34, %add3A_35 : vector<16xi32>
      %swap3A = arith.constant 0 : index
      %swap3A_37 = tpu.vector_load %arg8[%swap3A] {strides = array<i32>} : memref<128xi32, #tpu.memory_space<vmem>>, vector<16xi32>,
      %swap3A_38 = vector.shape_cast %swap3A_37 : vector<16xi32> to vector<16xi32>
      %swap3A_39 = vector.shape_cast %add3A_36 : vector<16xi32> to vector<16xi32>
      tpu.vector_store %arg8[%swap3A], %swap3A_39 {strides = array<i32>} : memref<128xi32, #tpu.memory_space<vmem>>, vector<16xi32>,
      %get3A_40 = arith.constant 16 : index
      %get3A_41 = tpu.vector_load %arg6[%get3A_40] {strides = array<i32>} : memref<128xi32, #tpu.memory_space<vmem>>, vector<16xi32>,
      %get3A_42 = vector.shape_cast %get3A_41 : vector<16xi32> to vector<16xi32>
      %add3A_43 = vector.broadcast %mul3A_10 : i32 to vector<16xi32>
      %add3A_44 = arith.addi %get3A_42, %add3A_43 : vector<16xi32>
      %swap3A_45 = arith.constant 16 : index
      %swap3A_46 = tpu.vector_load %arg8[%swap3A_45] {strides = array<i32>} : memref<128xi32, #tpu.memory_space<vmem>>, vector<16xi32>,
      %swap3A_47 = vector.shape_cast %swap3A_46 : vector<16xi32> to vector<16xi32>
      %swap3A_48 = vector.shape_cast %add3A_44 : vector<16xi32> to vector<16xi32>
      tpu.vector_store %arg8[%swap3A_45], %swap3A_48 {strides = array<i32>} : memref<128xi32, #tpu.memory_space<vmem>>, vector<16xi32>,
      %get3A_49 = arith.constant 32 : index
      %get3A_50 = tpu.vector_load %arg6[%get3A_49] {strides = array<i32>} : memref<128xi32, #tpu.memory_space<vmem>>, vector<16xi32>,
      %get3A_51 = vector.shape_cast %get3A_50 : vector<16xi32> to vector<16xi32>
      %add3A_52 = vector.broadcast %mul3A_10 : i32 to vector<16xi32>
      %add3A_53 = arith.addi %get3A_51, %add3A_52 : vector<16xi32>
      %swap3A_54 = arith.constant 32 : index
      %swap3A_55 = tpu.vector_load %arg8[%swap3A_54] {strides = array<i32>} : memref<128xi32, #tpu.memory_space<vmem>>, vector<16xi32>,
      %swap3A_56 = vector.shape_cast %swap3A_55 : vector<16xi32> to vector<16xi32>
      %swap3A_57 = vector.shape_cast %add3A_53 : vector<16xi32> to vector<16xi32>
      tpu.vector_store %arg8[%swap3A_54], %swap3A_57 {strides = array<i32>} : memref<128xi32, #tpu.memory_space<vmem>>, vector<16xi32>,
      %get3A_58 = arith.constant 48 : index
      %get3A_59 = tpu.vector_load %arg6[%get3A_58] {strides = array<i32>} : memref<128xi32, #tpu.memory_space<vmem>>, vector<16xi32>,
      %get3A_60 = vector.shape_cast %get3A_59 : vector<16xi32> to vector<16xi32>
      %add3A_61 = vector.broadcast %mul3A_10 : i32 to vector<16xi32>
      %add3A_62 = arith.addi %get3A_60, %add3A_61 : vector<16xi32>
      %swap3A_63 = arith.constant 48 : index
      %swap3A_64 = tpu.vector_load %arg8[%swap3A_63] {strides = array<i32>} : memref<128xi32, #tpu.memory_space<vmem>>, vector<16xi32>,
      %swap3A_65 = vector.shape_cast %swap3A_64 : vector<16xi32> to vector<16xi32>
      %swap3A_66 = vector.shape_cast %add3A_62 : vector<16xi32> to vector<16xi32>
      tpu.vector_store %arg8[%swap3A_63], %swap3A_66 {strides = array<i32>} : memref<128xi32, #tpu.memory_space<vmem>>, vector<16xi32>,
      %get3A_67 = arith.constant 64 : index
      %get3A_68 = tpu.vector_load %arg6[%get3A_67] {strides = array<i32>} : memref<128xi32, #tpu.memory_space<vmem>>, vector<16xi32>,
      %get3A_69 = vector.shape_cast %get3A_68 : vector<16xi32> to vector<16xi32>
      %add3A_70 = vector.broadcast %mul3A_10 : i32 to vector<16xi32>
      %add3A_71 = arith.addi %get3A_69, %add3A_70 : vector<16xi32>
      %swap3A_72 = arith.constant 64 : index
      %swap3A_73 = tpu.vector_load %arg8[%swap3A_72] {strides = array<i32>} : memref<128xi32, #tpu.memory_space<vmem>>, vector<16xi32>,
      %swap3A_74 = vector.shape_cast %swap3A_73 : vector<16xi32> to vector<16xi32>
      %swap3A_75 = vector.shape_cast %add3A_71 : vector<16xi32> to vector<16xi32>
      tpu.vector_store %arg8[%swap3A_72], %swap3A_75 {strides = array<i32>} : memref<128xi32, #tpu.memory_space<vmem>>, vector<16xi32>,
      %get3A_76 = arith.constant 80 : index
      %get3A_77 = tpu.vector_load %arg6[%get3A_76] {strides = array<i32>} : memref<128xi32, #tpu.memory_space<vmem>>, vector<16xi32>,
      %get3A_78 = vector.shape_cast %get3A_77 : vector<16xi32> to vector<16xi32>
      %add3A_79 = vector.broadcast %mul3A_10 : i32 to vector<16xi32>
      %add3A_80 = arith.addi %get3A_78, %add3A_79 : vector<16xi32>
      %swap3A_81 = arith.constant 80 : index
      %swap3A_82 = tpu.vector_load %arg8[%swap3A_81] {strides = array<i32>} : memref<128xi32, #tpu.memory_space<vmem>>, vector<16xi32>,
      %swap3A_83 = vector.shape_cast %swap3A_82 : vector<16xi32> to vector<16xi32>
      %swap3A_84 = vector.shape_cast %add3A_80 : vector<16xi32> to vector<16xi32>
      tpu.vector_store %arg8[%swap3A_81], %swap3A_84 {strides = array<i32>} : memref<128xi32, #tpu.memory_space<vmem>>, vector<16xi32>,
      %get3A_85 = arith.constant 96 : index
      %get3A_86 = tpu.vector_load %arg6[%get3A_85] {strides = array<i32>} : memref<128xi32, #tpu.memory_space<vmem>>, vector<16xi32>,
      %get3A_87 = vector.shape_cast %get3A_86 : vector<16xi32> to vector<16xi32>
      %add3A_88 = vector.broadcast %mul3A_10 : i32 to vector<16xi32>
      %add3A_89 = arith.addi %get3A_87, %add3A_88 : vector<16xi32>
      %swap3A_90 = arith.constant 96 : index
      %swap3A_91 = tpu.vector_load %arg8[%swap3A_90] {strides = array<i32>} : memref<128xi32, #tpu.memory_space<vmem>>, vector<16xi32>,
      %swap3A_92 = vector.shape_cast %swap3A_91 : vector<16xi32> to vector<16xi32>
      %swap3A_93 = vector.shape_cast %add3A_89 : vector<16xi32> to vector<16xi32>
      tpu.vector_store %arg8[%swap3A_90], %swap3A_93 {strides = array<i32>} : memref<128xi32, #tpu.memory_space<vmem>>, vector<16xi32>,
      %get3A_94 = arith.constant 112 : index
      %get3A_95 = tpu.vector_load %arg6[%get3A_94] {strides = array<i32>} : memref<128xi32, #tpu.memory_space<vmem>>, vector<16xi32>,
      %get3A_96 = vector.shape_cast %get3A_95 : vector<16xi32> to vector<16xi32>
      %add3A_97 = vector.broadcast %mul3A_10 : i32 to vector<16xi32>
      %add3A_98 = arith.addi %get3A_96, %add3A_97 : vector<16xi32>
      %swap3A_99 = arith.constant 112 : index
      %swap3A_100 = tpu.vector_load %arg8[%swap3A_99] {strides = array<i32>} : memref<128xi32, #tpu.memory_space<vmem>>, vector<16xi32>,
      %swap3A_101 = vector.shape_cast %swap3A_100 : vector<16xi32> to vector<16xi32>
      %swap3A_102 = vector.shape_cast %add3A_98 : vector<16xi32> to vector<16xi32>
      tpu.vector_store %arg8[%swap3A_99], %swap3A_102 {strides = array<i32>} : memref<128xi32, #tpu.memory_space<vmem>>, vector<16xi32>,
      %dma_start3A = arith.constant 0 : i32
      %dma_start3A_103 = arith.constant 0 : i32
      %dma_start3A_104 = tpu.memref_slice %arg2[%dma_start3A, %dma_start3A_103] : memref<20000x128xf32, #tpu.memory_space<hbm>> -> memref<20000x128xf32, #tpu.memory_space<hbm>>
      tpu.enqueue_indirect_dma source(%dma_start3A_104 : memref<20000x128xf32, #tpu.memory_space<hbm>>) target(%arg9 : memref<128x128xf32, #tpu.memory_space<vmem>>) offsets(%arg8 : memref<128xi32, #tpu.memory_space<vmem>>) semaphore(%arg11 : memref<!tpu.dma_semaphore, #tpu.memory_space<semaphore_mem>>)
      %dma_wait3A = arith.constant 0 : i32
      %dma_wait3A_105 = arith.constant 0 : i32
      %dma_wait3A_106 = tpu.memref_slice %arg2[%dma_wait3A, %dma_wait3A_105] : memref<20000x128xf32, #tpu.memory_space<hbm>> -> memref<20000x128xf32, #tpu.memory_space<hbm>>
      tpu.wait_indirect_dma semaphore(%arg11 : memref<!tpu.dma_semaphore, #tpu.memory_space<semaphore_mem>>) src(%dma_wait3A_106 : memref<20000x128xf32, #tpu.memory_space<hbm>>) dst(%arg9 : memref<128x128xf32, #tpu.memory_space<vmem>>)
      "tpu.region"() ({
        %run_scoped3A = tpu.sem_alloc : memref<!tpu.dma_semaphore, #tpu.memory_space<semaphore_mem>>
        %dma_start3A_107 = arith.constant 0 : i32
        %dma_start3A_108 = arith.constant 0 : i32
        %dma_start3A_109 = tpu.memref_slice %arg10[%dma_start3A_107, %dma_start3A_108] : memref<10008x128xf32, #tpu.memory_space<vmem_shared>> -> memref<10008x128xf32, #tpu.memory_space<vmem_shared>>
        tpu.enqueue_indirect_dma source(%arg9 : memref<128x128xf32, #tpu.memory_space<vmem>>) target(%dma_start3A_109 : memref<10008x128xf32, #tpu.memory_space<vmem_shared>>) offsets(%arg7 : memref<128xi32, #tpu.memory_space<vmem>>) semaphore(%run_scoped3A : memref<!tpu.dma_semaphore, #tpu.memory_space<semaphore_mem>>) {add = true}
        %dma_wait3A_110 = arith.constant 0 : i32
        %dma_wait3A_111 = arith.constant 0 : i32
        %dma_wait3A_112 = tpu.memref_slice %arg10[%dma_wait3A_110, %dma_wait3A_111] : memref<10008x128xf32, #tpu.memory_space<vmem_shared>> -> memref<10008x128xf32, #tpu.memory_space<vmem_shared>>
        tpu.wait_indirect_dma semaphore(%run_scoped3A : memref<!tpu.dma_semaphore, #tpu.memory_space<semaphore_mem>>) src(%arg9 : memref<128x128xf32, #tpu.memory_space<vmem>>) dst(%dma_wait3A_112 : memref<10008x128xf32, #tpu.memory_space<vmem_shared>>)
        tpu.yield
      }) : () -> ()
    }
    %scan3A_15 = arith.constant 79 : i32
    %barrier3A_16 = arith.constant 0 : index
    tpu.barrier barrier_id(%barrier3A_16)
    %mul3A_17 = arith.constant 624 : i32
    %mul3A_18 = arith.muli %arg1, %mul3A_17 : i32
    %mul3A_19 = arith.constant 10000 : i32
    %mul3A_20 = arith.muli %arg0, %mul3A_19 : i32
    %mul3A_21 = arith.constant 624 : i32
    %mul3A_22 = arith.muli %arg1, %mul3A_21 : i32
    %add3A_23 = arith.addi %mul3A_20, %mul3A_22 : i32
    "tpu.region"() ({
      %run_scoped3A = tpu.sem_alloc : memref<!tpu.dma_semaphore, #tpu.memory_space<semaphore_mem>>
      %dma_start3A = arith.constant 0 : i32
      %dma_start3A_29 = tpu.memref_slice %arg5[%add3A_23, %dma_start3A] : memref<20000x128xf32, #tpu.memory_space<hbm>> -> memref<624x128xf32, #tpu.memory_space<hbm>>
      %dma_start3A_30 = arith.constant 0 : i32
      %dma_start3A_31 = tpu.memref_slice %arg10[%mul3A_18, %dma_start3A_30] : memref<10008x128xf32, #tpu.memory_space<vmem_shared>> -> memref<624x128xf32, #tpu.memory_space<vmem_shared>>
      tpu.enqueue_dma source(%dma_start3A_31 : memref<624x128xf32, #tpu.memory_space<vmem_shared>>) target(%dma_start3A_29 : memref<624x128xf32, #tpu.memory_space<hbm>>) target_semaphore(%run_scoped3A : memref<!tpu.dma_semaphore, #tpu.memory_space<semaphore_mem>>)
      %dma_wait3A = arith.constant 0 : i32
      %dma_wait3A_32 = tpu.memref_slice %arg5[%add3A_23, %dma_wait3A] : memref<20000x128xf32, #tpu.memory_space<hbm>> -> memref<624x128xf32, #tpu.memory_space<hbm>>
      %dma_wait3A_33 = arith.constant 0 : i32
      %dma_wait3A_34 = tpu.memref_slice %arg10[%mul3A_18, %dma_wait3A_33] : memref<10008x128xf32, #tpu.memory_space<vmem_shared>> -> memref<624x128xf32, #tpu.memory_space<vmem_shared>>
      tpu.wait_dma2 semaphore(%run_scoped3A : memref<!tpu.dma_semaphore, #tpu.memory_space<semaphore_mem>>) src(%dma_wait3A_34 : memref<624x128xf32, #tpu.memory_space<vmem_shared>>) dst(%dma_wait3A_32 : memref<624x128xf32, #tpu.memory_space<hbm>>)
      tpu.yield
    }) : () -> ()
    %eq3A_24 = arith.constant 15 : i32
    %eq3A_25 = arith.cmpi eq, %arg1, %eq3A_24 : i32
    %convert_element_type3A_26 = arith.extui %eq3A_25 : i1 to i32
    %cond3A_27 = arith.constant 0 : i32
    %cond3A_28 = arith.cmpi ne, %convert_element_type3A_26, %cond3A_27 : i32
    scf.if %cond3A_28 {
      %mul3A_29 = arith.constant 10000 : i32
      %mul3A_30 = arith.muli %arg0, %mul3A_29 : i32
      %add3A_31 = arith.constant 9984 : i32
      %add3A_32 = arith.addi %mul3A_30, %add3A_31 : i32
      "tpu.region"() ({
        %run_scoped3A = tpu.sem_alloc : memref<!tpu.dma_semaphore, #tpu.memory_space<semaphore_mem>>
        %dma_start3A = arith.constant 0 : i32
        %dma_start3A_33 = tpu.memref_slice %arg5[%add3A_32, %dma_start3A] : memref<20000x128xf32, #tpu.memory_space<hbm>> -> memref<16x128xf32, #tpu.memory_space<hbm>>
        %dma_start3A_34 = arith.constant 9984 : i32
        %dma_start3A_35 = arith.constant 0 : i32
        %dma_start3A_36 = tpu.memref_slice %arg10[%dma_start3A_34, %dma_start3A_35] : memref<10008x128xf32, #tpu.memory_space<vmem_shared>> -> memref<16x128xf32, #tpu.memory_space<vmem_shared>>
        tpu.enqueue_dma source(%dma_start3A_36 : memref<16x128xf32, #tpu.memory_space<vmem_shared>>) target(%dma_start3A_33 : memref<16x128xf32, #tpu.memory_space<hbm>>) target_semaphore(%run_scoped3A : memref<!tpu.dma_semaphore, #tpu.memory_space<semaphore_mem>>)
        %dma_wait3A = arith.constant 0 : i32
        %dma_wait3A_37 = tpu.memref_slice %arg5[%add3A_32, %dma_wait3A] : memref<20000x128xf32, #tpu.memory_space<hbm>> -> memref<16x128xf32, #tpu.memory_space<hbm>>
        %dma_wait3A_38 = arith.constant 9984 : i32
        %dma_wait3A_39 = arith.constant 0 : i32
        %dma_wait3A_40 = tpu.memref_slice %arg10[%dma_wait3A_38, %dma_wait3A_39] : memref<10008x128xf32, #tpu.memory_space<vmem_shared>> -> memref<16x128xf32, #tpu.memory_space<vmem_shared>>
        tpu.wait_dma2 semaphore(%run_scoped3A : memref<!tpu.dma_semaphore, #tpu.memory_space<semaphore_mem>>) src(%dma_wait3A_40 : memref<16x128xf32, #tpu.memory_space<vmem_shared>>) dst(%dma_wait3A_37 : memref<16x128xf32, #tpu.memory_space<hbm>>)
        tpu.yield
      }) : () -> ()
    } else {
    }
    return
  }
}

module attributes {stable_mosaic.version = 14 : i64} {
  func.func @gcn_proj(%arg0: i32, %arg1: memref<2000x256xf32, #tpu.memory_space<vmem>>, %arg2: memref<2x256xf32, #tpu.memory_space<vmem>>, %arg3: memref<1x256xf32, #tpu.memory_space<vmem>>, %arg4: memref<1x256xf32, #tpu.memory_space<vmem>>, %arg5: memref<256x256xf32, #tpu.memory_space<vmem>>, %arg6: memref<1x256xf32, #tpu.memory_space<vmem>>, %arg7: memref<2x2000x128xf32, #tpu.memory_space<vmem>>) attributes {dimension_semantics = [#tpu.dimension_semantics<arbitrary>], iteration_bounds = array<i64: 5>, scalar_prefetch = 0 : i64, scratch_operands = 0 : i64, tpu.core_type = #tpu.core_type<tc>, window_params = [{transform_indices = @transform_0, window_bounds = array<i64: 2000, 256>}, {pipeline_mode = #tpu.pipeline_mode<synchronous>, transform_indices = @transform_1, window_bounds = array<i64: 2, 256>}, {pipeline_mode = #tpu.pipeline_mode<synchronous>, transform_indices = @transform_2, window_bounds = array<i64: 1, 256>}, {pipeline_mode = #tpu.pipeline_mode<synchronous>, transform_indices = @transform_3, window_bounds = array<i64: 1, 256>}, {pipeline_mode = #tpu.pipeline_mode<synchronous>, transform_indices = @transform_4, window_bounds = array<i64: 256, 256>}, {pipeline_mode = #tpu.pipeline_mode<synchronous>, transform_indices = @transform_5, window_bounds = array<i64: 1, 256>}, {transform_indices = @transform_6, window_bounds = array<i64: 2, 2000, 128>}]} {
    %get3A = arith.constant 0 : index
    %get3A_0 = arith.constant 0 : index
    %get3A_1 = vector.load %arg2[%get3A, %get3A_0] : memref<2x256xf32, #tpu.memory_space<vmem>>, vector<1x256xf32>
    %div3A = arith.constant 1.000000e+04 : f32
    %div3A_2 = vector.broadcast %div3A : f32 to vector<1x256xf32>
    %div3A_3 = arith.divf %get3A_1, %div3A_2 : vector<1x256xf32>
    %get3A_4 = arith.constant 1 : index
    %get3A_5 = arith.constant 0 : index
    %get3A_6 = vector.load %arg2[%get3A_4, %get3A_5] : memref<2x256xf32, #tpu.memory_space<vmem>>, vector<1x256xf32>
    %div3A_7 = arith.constant 1.000000e+04 : f32
    %div3A_8 = vector.broadcast %div3A_7 : f32 to vector<1x256xf32>
    %div3A_9 = arith.divf %get3A_6, %div3A_8 : vector<1x256xf32>
    %mul3A = arith.mulf %div3A_3, %div3A_3 : vector<1x256xf32>
    %sub3A = arith.subf %div3A_9, %mul3A : vector<1x256xf32>
    %add3A = arith.constant 9.99999974E-6 : f32
    %add3A_10 = vector.broadcast %add3A : f32 to vector<1x256xf32>
    %add3A_11 = arith.addf %sub3A, %add3A_10 : vector<1x256xf32>
    %rsqrt3A = math.rsqrt %add3A_11 : vector<1x256xf32>
    %get3A_12 = arith.constant 0 : index
    %get3A_13 = arith.constant 0 : index
    %get3A_14 = vector.load %arg3[%get3A_12, %get3A_13] : memref<1x256xf32, #tpu.memory_space<vmem>>, vector<1x256xf32>
    %mul3A_15 = arith.mulf %rsqrt3A, %get3A_14 : vector<1x256xf32>
    %get3A_16 = arith.constant 0 : index
    %get3A_17 = arith.constant 0 : index
    %get3A_18 = vector.load %arg4[%get3A_16, %get3A_17] : memref<1x256xf32, #tpu.memory_space<vmem>>, vector<1x256xf32>
    %get3A_19 = arith.constant 0 : index
    %get3A_20 = arith.constant 0 : index
    %get3A_21 = vector.load %arg1[%get3A_19, %get3A_20] : memref<2000x256xf32, #tpu.memory_space<vmem>>, vector<2000x256xf32>
    %sub3A_22 = vector.broadcast %div3A_3 : vector<1x256xf32> to vector<2000x256xf32>
    %sub3A_23 = arith.subf %get3A_21, %sub3A_22 : vector<2000x256xf32>
    %mul3A_24 = vector.broadcast %mul3A_15 : vector<1x256xf32> to vector<2000x256xf32>
    %mul3A_25 = arith.mulf %sub3A_23, %mul3A_24 : vector<2000x256xf32>
    %add3A_26 = vector.broadcast %get3A_18 : vector<1x256xf32> to vector<2000x256xf32>
    %add3A_27 = arith.addf %mul3A_25, %add3A_26 : vector<2000x256xf32>
    %get3A_28 = arith.constant 0 : index
    %get3A_29 = arith.constant 0 : index
    %get3A_30 = vector.load %arg5[%get3A_28, %get3A_29] : memref<256x256xf32, #tpu.memory_space<vmem>>, vector<256x256xf32>
    %dot_general3A = arith.constant dense<0.000000e+00> : vector<2000x256xf32>
    %dot_general3A_31 = tpu.matmul %add3A_27, %get3A_30, %dot_general3A {dimension_numbers = #tpu.dot_dimension_numbers<[1], [0], [0], [1], [0, 0, 1, 1], [], []>, precision = #tpu.contract_precision<fp32>, transpose_lhs_hint = false} : vector<2000x256xf32>, vector<256x256xf32>, vector<2000x256xf32> -> vector<2000x256xf32>
    %get3A_32 = arith.constant 0 : index
    %get3A_33 = arith.constant 0 : index
    %get3A_34 = vector.load %arg6[%get3A_32, %get3A_33] : memref<1x256xf32, #tpu.memory_space<vmem>>, vector<1x256xf32>
    %add3A_35 = vector.broadcast %get3A_34 : vector<1x256xf32> to vector<2000x256xf32>
    %add3A_36 = arith.addf %dot_general3A_31, %add3A_35 : vector<2000x256xf32>
    %max3A = arith.constant 0.000000e+00 : f32
    %max3A_37 = vector.broadcast %max3A : f32 to vector<2000x256xf32>
    %max3A_38 = arith.maximumf %add3A_36, %max3A_37 : vector<2000x256xf32>
    %slice3A = vector.extract_strided_slice %max3A_38 {offsets = [0, 0], sizes = [2000, 128], strides = [1, 1]} : vector<2000x256xf32> to vector<2000x128xf32>
    %swap3A = arith.constant 0 : index
    %swap3A_39 = arith.constant 0 : index
    %swap3A_40 = arith.constant 0 : index
    %swap3A_41 = vector.load %arg7[%swap3A, %swap3A_39, %swap3A_40] : memref<2x2000x128xf32, #tpu.memory_space<vmem>>, vector<1x2000x128xf32>
    %swap3A_42 = vector.shape_cast %swap3A_41 : vector<1x2000x128xf32> to vector<2000x128xf32>
    %swap3A_43 = vector.shape_cast %slice3A : vector<2000x128xf32> to vector<1x2000x128xf32>
    tpu.vector_store %arg7[%swap3A, %swap3A_39, %swap3A_40], %swap3A_43 {strides = array<i32>} : memref<2x2000x128xf32, #tpu.memory_space<vmem>>, vector<1x2000x128xf32>,
    %slice3A_44 = vector.extract_strided_slice %max3A_38 {offsets = [0, 128], sizes = [2000, 128], strides = [1, 1]} : vector<2000x256xf32> to vector<2000x128xf32>
    %swap3A_45 = arith.constant 1 : index
    %swap3A_46 = arith.constant 0 : index
    %swap3A_47 = arith.constant 0 : index
    %swap3A_48 = vector.load %arg7[%swap3A_45, %swap3A_46, %swap3A_47] : memref<2x2000x128xf32, #tpu.memory_space<vmem>>, vector<1x2000x128xf32>
    %swap3A_49 = vector.shape_cast %swap3A_48 : vector<1x2000x128xf32> to vector<2000x128xf32>
    %swap3A_50 = vector.shape_cast %slice3A_44 : vector<2000x128xf32> to vector<1x2000x128xf32>
    tpu.vector_store %arg7[%swap3A_45, %swap3A_46, %swap3A_47], %swap3A_50 {strides = array<i32>} : memref<2x2000x128xf32, #tpu.memory_space<vmem>>, vector<1x2000x128xf32>,
    return
  }
  func.func @transform_0(%arg0: i32) -> (i32, i32) {
    %c0_i32 = arith.constant 0 : i32
    %c0_i32_0 = arith.constant 0 : i32
    return %arg0, %c0_i32 : i32, i32
  }
  func.func @transform_1(%arg0: i32) -> (i32, i32) {
    %c0_i32 = arith.constant 0 : i32
    %c0_i32_0 = arith.constant 0 : i32
    %c0_i32_1 = arith.constant 0 : i32
    return %c0_i32, %c0_i32_0 : i32, i32
  }
  func.func @transform_2(%arg0: i32) -> (i32, i32) {
    %c0_i32 = arith.constant 0 : i32
    %c0_i32_0 = arith.constant 0 : i32
    %c0_i32_1 = arith.constant 0 : i32
    return %c0_i32, %c0_i32_0 : i32, i32
  }
  func.func @transform_3(%arg0: i32) -> (i32, i32) {
    %c0_i32 = arith.constant 0 : i32
    %c0_i32_0 = arith.constant 0 : i32
    %c0_i32_1 = arith.constant 0 : i32
    return %c0_i32, %c0_i32_0 : i32, i32
  }
  func.func @transform_4(%arg0: i32) -> (i32, i32) {
    %c0_i32 = arith.constant 0 : i32
    %c0_i32_0 = arith.constant 0 : i32
    %c0_i32_1 = arith.constant 0 : i32
    return %c0_i32, %c0_i32_0 : i32, i32
  }
  func.func @transform_5(%arg0: i32) -> (i32, i32) {
    %c0_i32 = arith.constant 0 : i32
    %c0_i32_0 = arith.constant 0 : i32
    %c0_i32_1 = arith.constant 0 : i32
    return %c0_i32, %c0_i32_0 : i32, i32
  }
  func.func @transform_6(%arg0: i32) -> (i32, i32, i32) {
    %c0_i32 = arith.constant 0 : i32
    %c0_i32_0 = arith.constant 0 : i32
    %c0_i32_1 = arith.constant 0 : i32
    return %c0_i32, %arg0, %c0_i32_0 : i32, i32, i32
  }
}

module attributes {stable_mosaic.version = 14 : i64} {
  func.func @gcn_stats(%arg0: i32, %arg1: memref<2000x256xf32, #tpu.memory_space<vmem>>, %arg2: memref<2x256xf32, #tpu.memory_space<vmem>>) attributes {dimension_semantics = [#tpu.dimension_semantics<arbitrary>], iteration_bounds = array<i64: 5>, scalar_prefetch = 0 : i64, scratch_operands = 0 : i64, tpu.core_type = #tpu.core_type<tc>, window_params = [{transform_indices = @transform_0, window_bounds = array<i64: 2000, 256>}, {pipeline_mode = #tpu.pipeline_mode<synchronous>, transform_indices = @transform_1, window_bounds = array<i64: 2, 256>}]} {
    %get3A = arith.constant 0 : index
    %get3A_0 = arith.constant 0 : index
    %get3A_1 = vector.load %arg1[%get3A, %get3A_0] : memref<2000x256xf32, #tpu.memory_space<vmem>>, vector<2000x256xf32>
    %reduce_sum3A = arith.constant dense<0.000000e+00> : vector<256xf32>
    %reduce_sum3A_2 = vector.multi_reduction <add>, %get3A_1, %reduce_sum3A [0] : vector<2000x256xf32> to vector<256xf32>
    %broadcast_in_dim3A = vector.shape_cast %reduce_sum3A_2 : vector<256xf32> to vector<1x256xf32>
    %mul3A = arith.mulf %get3A_1, %get3A_1 : vector<2000x256xf32>
    %reduce_sum3A_3 = arith.constant dense<0.000000e+00> : vector<256xf32>
    %reduce_sum3A_4 = vector.multi_reduction <add>, %mul3A, %reduce_sum3A_3 [0] : vector<2000x256xf32> to vector<256xf32>
    %broadcast_in_dim3A_5 = vector.shape_cast %reduce_sum3A_4 : vector<256xf32> to vector<1x256xf32>
    %concatenate3A = tpu.concatenate %broadcast_in_dim3A, %broadcast_in_dim3A_5 in 0 : vector<1x256xf32>, vector<1x256xf32> -> vector<2x256xf32>
    %eq3A = arith.constant 0 : i32
    %eq3A_6 = arith.cmpi eq, %arg0, %eq3A : i32
    %convert_element_type3A = arith.extui %eq3A_6 : i1 to i32
    %cond3A = arith.constant 0 : i32
    %cond3A_7 = arith.cmpi ne, %convert_element_type3A, %cond3A : i32
    scf.if %cond3A_7 {
      %broadcast_in_dim3A_13 = arith.constant 0.000000e+00 : f32
      %broadcast_in_dim3A_14 = vector.broadcast %broadcast_in_dim3A_13 : f32 to vector<2x256xf32>
      %swap3A_15 = arith.constant 0 : index
      %swap3A_16 = arith.constant 0 : index
      %swap3A_17 = vector.load %arg2[%swap3A_15, %swap3A_16] : memref<2x256xf32, #tpu.memory_space<vmem>>, vector<2x256xf32>
      tpu.vector_store %arg2[%swap3A_15, %swap3A_16], %broadcast_in_dim3A_14 {strides = array<i32>} : memref<2x256xf32, #tpu.memory_space<vmem>>, vector<2x256xf32>,
    } else {
    }
    %get3A_8 = arith.constant 0 : index
    %get3A_9 = arith.constant 0 : index
    %get3A_10 = vector.load %arg2[%get3A_8, %get3A_9] : memref<2x256xf32, #tpu.memory_space<vmem>>, vector<2x256xf32>
    %add3A = arith.addf %get3A_10, %concatenate3A : vector<2x256xf32>
    %swap3A = arith.constant 0 : index
    %swap3A_11 = arith.constant 0 : index
    %swap3A_12 = vector.load %arg2[%swap3A, %swap3A_11] : memref<2x256xf32, #tpu.memory_space<vmem>>, vector<2x256xf32>
    tpu.vector_store %arg2[%swap3A, %swap3A_11], %add3A {strides = array<i32>} : memref<2x256xf32, #tpu.memory_space<vmem>>, vector<2x256xf32>,
    return
  }
  func.func @transform_0(%arg0: i32) -> (i32, i32) {
    %c0_i32 = arith.constant 0 : i32
    %c0_i32_0 = arith.constant 0 : i32
    return %arg0, %c0_i32 : i32, i32
  }
  func.func @transform_1(%arg0: i32) -> (i32, i32) {
    %c0_i32 = arith.constant 0 : i32
    %c0_i32_0 = arith.constant 0 : i32
    %c0_i32_1 = arith.constant 0 : i32
    return %c0_i32, %c0_i32_0 : i32, i32
  }
}

module attributes {stable_mosaic.version = 14 : i64} {
  func.func @gcn_mlp(%arg0: i32, %arg1: memref<2x2000x128xf32, #tpu.memory_space<vmem>>, %arg2: memref<256x256xf32, #tpu.memory_space<vmem>>, %arg3: memref<1x256xf32, #tpu.memory_space<vmem>>, %arg4: memref<256x256xf32, #tpu.memory_space<vmem>>, %arg5: memref<1x256xf32, #tpu.memory_space<vmem>>, %arg6: memref<256x256xf32, #tpu.memory_space<vmem>>, %arg7: memref<1x256xf32, #tpu.memory_space<vmem>>, %arg8: memref<2000x256xf32, #tpu.memory_space<vmem>>, %arg9: memref<2x256xf32, #tpu.memory_space<vmem>>) attributes {dimension_semantics = [#tpu.dimension_semantics<arbitrary>], iteration_bounds = array<i64: 5>, scalar_prefetch = 0 : i64, scratch_operands = 0 : i64, tpu.core_type = #tpu.core_type<tc>, window_params = [{transform_indices = @transform_0, window_bounds = array<i64: 2, 2000, 128>}, {pipeline_mode = #tpu.pipeline_mode<synchronous>, transform_indices = @transform_1, window_bounds = array<i64: 256, 256>}, {pipeline_mode = #tpu.pipeline_mode<synchronous>, transform_indices = @transform_2, window_bounds = array<i64: 1, 256>}, {pipeline_mode = #tpu.pipeline_mode<synchronous>, transform_indices = @transform_3, window_bounds = array<i64: 256, 256>}, {pipeline_mode = #tpu.pipeline_mode<synchronous>, transform_indices = @transform_4, window_bounds = array<i64: 1, 256>}, {pipeline_mode = #tpu.pipeline_mode<synchronous>, transform_indices = @transform_5, window_bounds = array<i64: 256, 256>}, {pipeline_mode = #tpu.pipeline_mode<synchronous>, transform_indices = @transform_6, window_bounds = array<i64: 1, 256>}, {transform_indices = @transform_7, window_bounds = array<i64: 2000, 256>}, {pipeline_mode = #tpu.pipeline_mode<synchronous>, transform_indices = @transform_8, window_bounds = array<i64: 2, 256>}]} {
    %get3A = arith.constant 0 : index
    %get3A_0 = arith.constant 0 : index
    %get3A_1 = arith.constant 0 : index
    %get3A_2 = vector.load %arg1[%get3A, %get3A_0, %get3A_1] : memref<2x2000x128xf32, #tpu.memory_space<vmem>>, vector<1x2000x128xf32>
    %get3A_3 = vector.shape_cast %get3A_2 : vector<1x2000x128xf32> to vector<2000x128xf32>
    %get3A_4 = arith.constant 0 : index
    %get3A_5 = arith.constant 0 : index
    %get3A_6 = vector.load %arg2[%get3A_4, %get3A_5] : memref<256x256xf32, #tpu.memory_space<vmem>>, vector<128x256xf32>
    %dot_general3A = arith.constant dense<0.000000e+00> : vector<2000x256xf32>
    %dot_general3A_7 = tpu.matmul %get3A_3, %get3A_6, %dot_general3A {dimension_numbers = #tpu.dot_dimension_numbers<[1], [0], [0], [1], [0, 0, 1, 1], [], []>, precision = #tpu.contract_precision<fp32>, transpose_lhs_hint = false} : vector<2000x128xf32>, vector<128x256xf32>, vector<2000x256xf32> -> vector<2000x256xf32>
    %get3A_8 = arith.constant 1 : index
    %get3A_9 = arith.constant 0 : index
    %get3A_10 = arith.constant 0 : index
    %get3A_11 = vector.load %arg1[%get3A_8, %get3A_9, %get3A_10] : memref<2x2000x128xf32, #tpu.memory_space<vmem>>, vector<1x2000x128xf32>
    %get3A_12 = vector.shape_cast %get3A_11 : vector<1x2000x128xf32> to vector<2000x128xf32>
    %get3A_13 = arith.constant 128 : index
    %get3A_14 = arith.constant 0 : index
    %get3A_15 = vector.load %arg2[%get3A_13, %get3A_14] : memref<256x256xf32, #tpu.memory_space<vmem>>, vector<128x256xf32>
    %dot_general3A_16 = arith.constant dense<0.000000e+00> : vector<2000x256xf32>
    %dot_general3A_17 = tpu.matmul %get3A_12, %get3A_15, %dot_general3A_16 {dimension_numbers = #tpu.dot_dimension_numbers<[1], [0], [0], [1], [0, 0, 1, 1], [], []>, precision = #tpu.contract_precision<fp32>, transpose_lhs_hint = false} : vector<2000x128xf32>, vector<128x256xf32>, vector<2000x256xf32> -> vector<2000x256xf32>
    %add3A = arith.addf %dot_general3A_7, %dot_general3A_17 : vector<2000x256xf32>
    %get3A_18 = arith.constant 0 : index
    %get3A_19 = arith.constant 0 : index
    %get3A_20 = vector.load %arg3[%get3A_18, %get3A_19] : memref<1x256xf32, #tpu.memory_space<vmem>>, vector<1x256xf32>
    %add3A_21 = vector.broadcast %get3A_20 : vector<1x256xf32> to vector<2000x256xf32>
    %add3A_22 = arith.addf %add3A, %add3A_21 : vector<2000x256xf32>
    %max3A = arith.constant 0.000000e+00 : f32
    %max3A_23 = vector.broadcast %max3A : f32 to vector<2000x256xf32>
    %max3A_24 = arith.maximumf %add3A_22, %max3A_23 : vector<2000x256xf32>
    %get3A_25 = arith.constant 0 : index
    %get3A_26 = arith.constant 0 : index
    %get3A_27 = vector.load %arg4[%get3A_25, %get3A_26] : memref<256x256xf32, #tpu.memory_space<vmem>>, vector<256x256xf32>
    %dot_general3A_28 = arith.constant dense<0.000000e+00> : vector<2000x256xf32>
    %dot_general3A_29 = tpu.matmul %max3A_24, %get3A_27, %dot_general3A_28 {dimension_numbers = #tpu.dot_dimension_numbers<[1], [0], [0], [1], [0, 0, 1, 1], [], []>, precision = #tpu.contract_precision<fp32>, transpose_lhs_hint = false} : vector<2000x256xf32>, vector<256x256xf32>, vector<2000x256xf32> -> vector<2000x256xf32>
    %get3A_30 = arith.constant 0 : index
    %get3A_31 = arith.constant 0 : index
    %get3A_32 = vector.load %arg5[%get3A_30, %get3A_31] : memref<1x256xf32, #tpu.memory_space<vmem>>, vector<1x256xf32>
    %add3A_33 = vector.broadcast %get3A_32 : vector<1x256xf32> to vector<2000x256xf32>
    %add3A_34 = arith.addf %dot_general3A_29, %add3A_33 : vector<2000x256xf32>
    %max3A_35 = arith.constant 0.000000e+00 : f32
    %max3A_36 = vector.broadcast %max3A_35 : f32 to vector<2000x256xf32>
    %max3A_37 = arith.maximumf %add3A_34, %max3A_36 : vector<2000x256xf32>
    %get3A_38 = arith.constant 0 : index
    %get3A_39 = arith.constant 0 : index
    %get3A_40 = vector.load %arg6[%get3A_38, %get3A_39] : memref<256x256xf32, #tpu.memory_space<vmem>>, vector<256x256xf32>
    %dot_general3A_41 = arith.constant dense<0.000000e+00> : vector<2000x256xf32>
    %dot_general3A_42 = tpu.matmul %max3A_37, %get3A_40, %dot_general3A_41 {dimension_numbers = #tpu.dot_dimension_numbers<[1], [0], [0], [1], [0, 0, 1, 1], [], []>, precision = #tpu.contract_precision<fp32>, transpose_lhs_hint = false} : vector<2000x256xf32>, vector<256x256xf32>, vector<2000x256xf32> -> vector<2000x256xf32>
    %get3A_43 = arith.constant 0 : index
    %get3A_44 = arith.constant 0 : index
    %get3A_45 = vector.load %arg7[%get3A_43, %get3A_44] : memref<1x256xf32, #tpu.memory_space<vmem>>, vector<1x256xf32>
    %add3A_46 = vector.broadcast %get3A_45 : vector<1x256xf32> to vector<2000x256xf32>
    %add3A_47 = arith.addf %dot_general3A_42, %add3A_46 : vector<2000x256xf32>
    %swap3A = arith.constant 0 : index
    %swap3A_48 = arith.constant 0 : index
    %swap3A_49 = vector.load %arg8[%swap3A, %swap3A_48] : memref<2000x256xf32, #tpu.memory_space<vmem>>, vector<2000x256xf32>
    tpu.vector_store %arg8[%swap3A, %swap3A_48], %add3A_47 {strides = array<i32>} : memref<2000x256xf32, #tpu.memory_space<vmem>>, vector<2000x256xf32>,
    %reduce_sum3A = arith.constant dense<0.000000e+00> : vector<256xf32>
    %reduce_sum3A_50 = vector.multi_reduction <add>, %add3A_47, %reduce_sum3A [0] : vector<2000x256xf32> to vector<256xf32>
    %broadcast_in_dim3A = vector.shape_cast %reduce_sum3A_50 : vector<256xf32> to vector<1x256xf32>
    %mul3A = arith.mulf %add3A_47, %add3A_47 : vector<2000x256xf32>
    %reduce_sum3A_51 = arith.constant dense<0.000000e+00> : vector<256xf32>
    %reduce_sum3A_52 = vector.multi_reduction <add>, %mul3A, %reduce_sum3A_51 [0] : vector<2000x256xf32> to vector<256xf32>
    %broadcast_in_dim3A_53 = vector.shape_cast %reduce_sum3A_52 : vector<256xf32> to vector<1x256xf32>
    %concatenate3A = tpu.concatenate %broadcast_in_dim3A, %broadcast_in_dim3A_53 in 0 : vector<1x256xf32>, vector<1x256xf32> -> vector<2x256xf32>
    %eq3A = arith.constant 0 : i32
    %eq3A_54 = arith.cmpi eq, %arg0, %eq3A : i32
    %convert_element_type3A = arith.extui %eq3A_54 : i1 to i32
    %cond3A = arith.constant 0 : i32
    %cond3A_55 = arith.cmpi ne, %convert_element_type3A, %cond3A : i32
    scf.if %cond3A_55 {
      %broadcast_in_dim3A_63 = arith.constant 0.000000e+00 : f32
      %broadcast_in_dim3A_64 = vector.broadcast %broadcast_in_dim3A_63 : f32 to vector<2x256xf32>
      %swap3A_65 = arith.constant 0 : index
      %swap3A_66 = arith.constant 0 : index
      %swap3A_67 = vector.load %arg9[%swap3A_65, %swap3A_66] : memref<2x256xf32, #tpu.memory_space<vmem>>, vector<2x256xf32>
      tpu.vector_store %arg9[%swap3A_65, %swap3A_66], %broadcast_in_dim3A_64 {strides = array<i32>} : memref<2x256xf32, #tpu.memory_space<vmem>>, vector<2x256xf32>,
    } else {
    }
    %get3A_56 = arith.constant 0 : index
    %get3A_57 = arith.constant 0 : index
    %get3A_58 = vector.load %arg9[%get3A_56, %get3A_57] : memref<2x256xf32, #tpu.memory_space<vmem>>, vector<2x256xf32>
    %add3A_59 = arith.addf %get3A_58, %concatenate3A : vector<2x256xf32>
    %swap3A_60 = arith.constant 0 : index
    %swap3A_61 = arith.constant 0 : index
    %swap3A_62 = vector.load %arg9[%swap3A_60, %swap3A_61] : memref<2x256xf32, #tpu.memory_space<vmem>>, vector<2x256xf32>
    tpu.vector_store %arg9[%swap3A_60, %swap3A_61], %add3A_59 {strides = array<i32>} : memref<2x256xf32, #tpu.memory_space<vmem>>, vector<2x256xf32>,
    return
  }
  func.func @transform_0(%arg0: i32) -> (i32, i32, i32) {
    %c0_i32 = arith.constant 0 : i32
    %c0_i32_0 = arith.constant 0 : i32
    %c0_i32_1 = arith.constant 0 : i32
    return %c0_i32, %arg0, %c0_i32_0 : i32, i32, i32
  }
  func.func @transform_1(%arg0: i32) -> (i32, i32) {
    %c0_i32 = arith.constant 0 : i32
    %c0_i32_0 = arith.constant 0 : i32
    %c0_i32_1 = arith.constant 0 : i32
    return %c0_i32, %c0_i32_0 : i32, i32
  }
  func.func @transform_2(%arg0: i32) -> (i32, i32) {
    %c0_i32 = arith.constant 0 : i32
    %c0_i32_0 = arith.constant 0 : i32
    %c0_i32_1 = arith.constant 0 : i32
    return %c0_i32, %c0_i32_0 : i32, i32
  }
  func.func @transform_3(%arg0: i32) -> (i32, i32) {
    %c0_i32 = arith.constant 0 : i32
    %c0_i32_0 = arith.constant 0 : i32
    %c0_i32_1 = arith.constant 0 : i32
    return %c0_i32, %c0_i32_0 : i32, i32
  }
  func.func @transform_4(%arg0: i32) -> (i32, i32) {
    %c0_i32 = arith.constant 0 : i32
    %c0_i32_0 = arith.constant 0 : i32
    %c0_i32_1 = arith.constant 0 : i32
    return %c0_i32, %c0_i32_0 : i32, i32
  }
  func.func @transform_5(%arg0: i32) -> (i32, i32) {
    %c0_i32 = arith.constant 0 : i32
    %c0_i32_0 = arith.constant 0 : i32
    %c0_i32_1 = arith.constant 0 : i32
    return %c0_i32, %c0_i32_0 : i32, i32
  }
  func.func @transform_6(%arg0: i32) -> (i32, i32) {
    %c0_i32 = arith.constant 0 : i32
    %c0_i32_0 = arith.constant 0 : i32
    %c0_i32_1 = arith.constant 0 : i32
    return %c0_i32, %c0_i32_0 : i32, i32
  }
  func.func @transform_7(%arg0: i32) -> (i32, i32) {
    %c0_i32 = arith.constant 0 : i32
    %c0_i32_0 = arith.constant 0 : i32
    return %arg0, %c0_i32 : i32, i32
  }
  func.func @transform_8(%arg0: i32) -> (i32, i32) {
    %c0_i32 = arith.constant 0 : i32
    %c0_i32_0 = arith.constant 0 : i32
    %c0_i32_1 = arith.constant 0 : i32
    return %c0_i32, %c0_i32_0 : i32, i32
  }
}

module attributes {stable_mosaic.version = 14 : i64} {
  func.func @gcn_norm(%arg0: i32, %arg1: memref<2000x256xf32, #tpu.memory_space<vmem>>, %arg2: memref<2x256xf32, #tpu.memory_space<vmem>>, %arg3: memref<1x256xf32, #tpu.memory_space<vmem>>, %arg4: memref<1x256xf32, #tpu.memory_space<vmem>>, %arg5: memref<2x2000x128xf32, #tpu.memory_space<vmem>>, %arg6: memref<2x2000x128xf32, #tpu.memory_space<vmem>>) attributes {dimension_semantics = [#tpu.dimension_semantics<arbitrary>], iteration_bounds = array<i64: 5>, scalar_prefetch = 0 : i64, scratch_operands = 0 : i64, tpu.core_type = #tpu.core_type<tc>, window_params = [{transform_indices = @transform_0, window_bounds = array<i64: 2000, 256>}, {pipeline_mode = #tpu.pipeline_mode<synchronous>, transform_indices = @transform_1, window_bounds = array<i64: 2, 256>}, {pipeline_mode = #tpu.pipeline_mode<synchronous>, transform_indices = @transform_2, window_bounds = array<i64: 1, 256>}, {pipeline_mode = #tpu.pipeline_mode<synchronous>, transform_indices = @transform_3, window_bounds = array<i64: 1, 256>}, {transform_indices = @transform_4, window_bounds = array<i64: 2, 2000, 128>}, {transform_indices = @transform_5, window_bounds = array<i64: 2, 2000, 128>}]} {
    %get3A = arith.constant 0 : index
    %get3A_0 = arith.constant 0 : index
    %get3A_1 = vector.load %arg2[%get3A, %get3A_0] : memref<2x256xf32, #tpu.memory_space<vmem>>, vector<1x256xf32>
    %div3A = arith.constant 1.000000e+04 : f32
    %div3A_2 = vector.broadcast %div3A : f32 to vector<1x256xf32>
    %div3A_3 = arith.divf %get3A_1, %div3A_2 : vector<1x256xf32>
    %get3A_4 = arith.constant 1 : index
    %get3A_5 = arith.constant 0 : index
    %get3A_6 = vector.load %arg2[%get3A_4, %get3A_5] : memref<2x256xf32, #tpu.memory_space<vmem>>, vector<1x256xf32>
    %div3A_7 = arith.constant 1.000000e+04 : f32
    %div3A_8 = vector.broadcast %div3A_7 : f32 to vector<1x256xf32>
    %div3A_9 = arith.divf %get3A_6, %div3A_8 : vector<1x256xf32>
    %mul3A = arith.mulf %div3A_3, %div3A_3 : vector<1x256xf32>
    %sub3A = arith.subf %div3A_9, %mul3A : vector<1x256xf32>
    %add3A = arith.constant 9.99999974E-6 : f32
    %add3A_10 = vector.broadcast %add3A : f32 to vector<1x256xf32>
    %add3A_11 = arith.addf %sub3A, %add3A_10 : vector<1x256xf32>
    %rsqrt3A = math.rsqrt %add3A_11 : vector<1x256xf32>
    %get3A_12 = arith.constant 0 : index
    %get3A_13 = arith.constant 0 : index
    %get3A_14 = vector.load %arg3[%get3A_12, %get3A_13] : memref<1x256xf32, #tpu.memory_space<vmem>>, vector<1x256xf32>
    %mul3A_15 = arith.mulf %rsqrt3A, %get3A_14 : vector<1x256xf32>
    %get3A_16 = arith.constant 0 : index
    %get3A_17 = arith.constant 0 : index
    %get3A_18 = vector.load %arg4[%get3A_16, %get3A_17] : memref<1x256xf32, #tpu.memory_space<vmem>>, vector<1x256xf32>
    %get3A_19 = arith.constant 0 : index
    %get3A_20 = arith.constant 0 : index
    %get3A_21 = vector.load %arg1[%get3A_19, %get3A_20] : memref<2000x256xf32, #tpu.memory_space<vmem>>, vector<2000x256xf32>
    %sub3A_22 = vector.broadcast %div3A_3 : vector<1x256xf32> to vector<2000x256xf32>
    %sub3A_23 = arith.subf %get3A_21, %sub3A_22 : vector<2000x256xf32>
    %mul3A_24 = vector.broadcast %mul3A_15 : vector<1x256xf32> to vector<2000x256xf32>
    %mul3A_25 = arith.mulf %sub3A_23, %mul3A_24 : vector<2000x256xf32>
    %add3A_26 = vector.broadcast %get3A_18 : vector<1x256xf32> to vector<2000x256xf32>
    %add3A_27 = arith.addf %mul3A_25, %add3A_26 : vector<2000x256xf32>
    %max3A = arith.constant 0.000000e+00 : f32
    %max3A_28 = vector.broadcast %max3A : f32 to vector<2000x256xf32>
    %max3A_29 = arith.maximumf %add3A_27, %max3A_28 : vector<2000x256xf32>
    %slice3A = vector.extract_strided_slice %max3A_29 {offsets = [0, 0], sizes = [2000, 128], strides = [1, 1]} : vector<2000x256xf32> to vector<2000x128xf32>
    %slice3A_30 = vector.extract_strided_slice %max3A_29 {offsets = [0, 128], sizes = [2000, 128], strides = [1, 1]} : vector<2000x256xf32> to vector<2000x128xf32>
    %swap3A = arith.constant 0 : index
    %swap3A_31 = arith.constant 0 : index
    %swap3A_32 = arith.constant 0 : index
    %swap3A_33 = vector.load %arg6[%swap3A, %swap3A_31, %swap3A_32] : memref<2x2000x128xf32, #tpu.memory_space<vmem>>, vector<1x2000x128xf32>
    %swap3A_34 = vector.shape_cast %swap3A_33 : vector<1x2000x128xf32> to vector<2000x128xf32>
    %swap3A_35 = vector.shape_cast %slice3A : vector<2000x128xf32> to vector<1x2000x128xf32>
    tpu.vector_store %arg6[%swap3A, %swap3A_31, %swap3A_32], %swap3A_35 {strides = array<i32>} : memref<2x2000x128xf32, #tpu.memory_space<vmem>>, vector<1x2000x128xf32>,
    %swap3A_36 = arith.constant 1 : index
    %swap3A_37 = arith.constant 0 : index
    %swap3A_38 = arith.constant 0 : index
    %swap3A_39 = vector.load %arg6[%swap3A_36, %swap3A_37, %swap3A_38] : memref<2x2000x128xf32, #tpu.memory_space<vmem>>, vector<1x2000x128xf32>
    %swap3A_40 = vector.shape_cast %swap3A_39 : vector<1x2000x128xf32> to vector<2000x128xf32>
    %swap3A_41 = vector.shape_cast %slice3A_30 : vector<2000x128xf32> to vector<1x2000x128xf32>
    tpu.vector_store %arg6[%swap3A_36, %swap3A_37, %swap3A_38], %swap3A_41 {strides = array<i32>} : memref<2x2000x128xf32, #tpu.memory_space<vmem>>, vector<1x2000x128xf32>,
    return
  }
  func.func @transform_0(%arg0: i32) -> (i32, i32) {
    %c0_i32 = arith.constant 0 : i32
    %c0_i32_0 = arith.constant 0 : i32
    return %arg0, %c0_i32 : i32, i32
  }
  func.func @transform_1(%arg0: i32) -> (i32, i32) {
    %c0_i32 = arith.constant 0 : i32
    %c0_i32_0 = arith.constant 0 : i32
    %c0_i32_1 = arith.constant 0 : i32
    return %c0_i32, %c0_i32_0 : i32, i32
  }
  func.func @transform_2(%arg0: i32) -> (i32, i32) {
    %c0_i32 = arith.constant 0 : i32
    %c0_i32_0 = arith.constant 0 : i32
    %c0_i32_1 = arith.constant 0 : i32
    return %c0_i32, %c0_i32_0 : i32, i32
  }
  func.func @transform_3(%arg0: i32) -> (i32, i32) {
    %c0_i32 = arith.constant 0 : i32
    %c0_i32_0 = arith.constant 0 : i32
    %c0_i32_1 = arith.constant 0 : i32
    return %c0_i32, %c0_i32_0 : i32, i32
  }
  func.func @transform_4(%arg0: i32) -> (i32, i32, i32) {
    %c0_i32 = arith.constant 0 : i32
    %c0_i32_0 = arith.constant 0 : i32
    %c0_i32_1 = arith.constant 0 : i32
    return %c0_i32, %arg0, %c0_i32_0 : i32, i32, i32
  }
  func.func @transform_5(%arg0: i32) -> (i32, i32, i32) {
    %c0_i32 = arith.constant 0 : i32
    %c0_i32_0 = arith.constant 0 : i32
    %c0_i32_1 = arith.constant 0 : i32
    return %c0_i32, %arg0, %c0_i32_0 : i32, i32, i32
  }
}

module attributes {stable_mosaic.version = 14 : i64} {
  func.func @gcn_norm_res(%arg0: i32, %arg1: memref<2000x256xf32, #tpu.memory_space<vmem>>, %arg2: memref<2x256xf32, #tpu.memory_space<vmem>>, %arg3: memref<1x256xf32, #tpu.memory_space<vmem>>, %arg4: memref<1x256xf32, #tpu.memory_space<vmem>>, %arg5: memref<2x2000x128xf32, #tpu.memory_space<vmem>>, %arg6: memref<2x2000x128xf32, #tpu.memory_space<vmem>>) attributes {dimension_semantics = [#tpu.dimension_semantics<arbitrary>], iteration_bounds = array<i64: 5>, scalar_prefetch = 0 : i64, scratch_operands = 0 : i64, tpu.core_type = #tpu.core_type<tc>, window_params = [{transform_indices = @transform_0, window_bounds = array<i64: 2000, 256>}, {pipeline_mode = #tpu.pipeline_mode<synchronous>, transform_indices = @transform_1, window_bounds = array<i64: 2, 256>}, {pipeline_mode = #tpu.pipeline_mode<synchronous>, transform_indices = @transform_2, window_bounds = array<i64: 1, 256>}, {pipeline_mode = #tpu.pipeline_mode<synchronous>, transform_indices = @transform_3, window_bounds = array<i64: 1, 256>}, {transform_indices = @transform_4, window_bounds = array<i64: 2, 2000, 128>}, {transform_indices = @transform_5, window_bounds = array<i64: 2, 2000, 128>}]} {
    %get3A = arith.constant 0 : index
    %get3A_0 = arith.constant 0 : index
    %get3A_1 = vector.load %arg2[%get3A, %get3A_0] : memref<2x256xf32, #tpu.memory_space<vmem>>, vector<1x256xf32>
    %div3A = arith.constant 1.000000e+04 : f32
    %div3A_2 = vector.broadcast %div3A : f32 to vector<1x256xf32>
    %div3A_3 = arith.divf %get3A_1, %div3A_2 : vector<1x256xf32>
    %get3A_4 = arith.constant 1 : index
    %get3A_5 = arith.constant 0 : index
    %get3A_6 = vector.load %arg2[%get3A_4, %get3A_5] : memref<2x256xf32, #tpu.memory_space<vmem>>, vector<1x256xf32>
    %div3A_7 = arith.constant 1.000000e+04 : f32
    %div3A_8 = vector.broadcast %div3A_7 : f32 to vector<1x256xf32>
    %div3A_9 = arith.divf %get3A_6, %div3A_8 : vector<1x256xf32>
    %mul3A = arith.mulf %div3A_3, %div3A_3 : vector<1x256xf32>
    %sub3A = arith.subf %div3A_9, %mul3A : vector<1x256xf32>
    %add3A = arith.constant 9.99999974E-6 : f32
    %add3A_10 = vector.broadcast %add3A : f32 to vector<1x256xf32>
    %add3A_11 = arith.addf %sub3A, %add3A_10 : vector<1x256xf32>
    %rsqrt3A = math.rsqrt %add3A_11 : vector<1x256xf32>
    %get3A_12 = arith.constant 0 : index
    %get3A_13 = arith.constant 0 : index
    %get3A_14 = vector.load %arg3[%get3A_12, %get3A_13] : memref<1x256xf32, #tpu.memory_space<vmem>>, vector<1x256xf32>
    %mul3A_15 = arith.mulf %rsqrt3A, %get3A_14 : vector<1x256xf32>
    %get3A_16 = arith.constant 0 : index
    %get3A_17 = arith.constant 0 : index
    %get3A_18 = vector.load %arg4[%get3A_16, %get3A_17] : memref<1x256xf32, #tpu.memory_space<vmem>>, vector<1x256xf32>
    %get3A_19 = arith.constant 0 : index
    %get3A_20 = arith.constant 0 : index
    %get3A_21 = vector.load %arg1[%get3A_19, %get3A_20] : memref<2000x256xf32, #tpu.memory_space<vmem>>, vector<2000x256xf32>
    %sub3A_22 = vector.broadcast %div3A_3 : vector<1x256xf32> to vector<2000x256xf32>
    %sub3A_23 = arith.subf %get3A_21, %sub3A_22 : vector<2000x256xf32>
    %mul3A_24 = vector.broadcast %mul3A_15 : vector<1x256xf32> to vector<2000x256xf32>
    %mul3A_25 = arith.mulf %sub3A_23, %mul3A_24 : vector<2000x256xf32>
    %add3A_26 = vector.broadcast %get3A_18 : vector<1x256xf32> to vector<2000x256xf32>
    %add3A_27 = arith.addf %mul3A_25, %add3A_26 : vector<2000x256xf32>
    %max3A = arith.constant 0.000000e+00 : f32
    %max3A_28 = vector.broadcast %max3A : f32 to vector<2000x256xf32>
    %max3A_29 = arith.maximumf %add3A_27, %max3A_28 : vector<2000x256xf32>
    %slice3A = vector.extract_strided_slice %max3A_29 {offsets = [0, 0], sizes = [2000, 128], strides = [1, 1]} : vector<2000x256xf32> to vector<2000x128xf32>
    %slice3A_30 = vector.extract_strided_slice %max3A_29 {offsets = [0, 128], sizes = [2000, 128], strides = [1, 1]} : vector<2000x256xf32> to vector<2000x128xf32>
    %get3A_31 = arith.constant 0 : index
    %get3A_32 = arith.constant 0 : index
    %get3A_33 = arith.constant 0 : index
    %get3A_34 = vector.load %arg5[%get3A_31, %get3A_32, %get3A_33] : memref<2x2000x128xf32, #tpu.memory_space<vmem>>, vector<1x2000x128xf32>
    %get3A_35 = vector.shape_cast %get3A_34 : vector<1x2000x128xf32> to vector<2000x128xf32>
    %add3A_36 = arith.addf %slice3A, %get3A_35 : vector<2000x128xf32>
    %get3A_37 = arith.constant 1 : index
    %get3A_38 = arith.constant 0 : index
    %get3A_39 = arith.constant 0 : index
    %get3A_40 = vector.load %arg5[%get3A_37, %get3A_38, %get3A_39] : memref<2x2000x128xf32, #tpu.memory_space<vmem>>, vector<1x2000x128xf32>
    %get3A_41 = vector.shape_cast %get3A_40 : vector<1x2000x128xf32> to vector<2000x128xf32>
    %add3A_42 = arith.addf %slice3A_30, %get3A_41 : vector<2000x128xf32>
    %swap3A = arith.constant 0 : index
    %swap3A_43 = arith.constant 0 : index
    %swap3A_44 = arith.constant 0 : index
    %swap3A_45 = vector.load %arg6[%swap3A, %swap3A_43, %swap3A_44] : memref<2x2000x128xf32, #tpu.memory_space<vmem>>, vector<1x2000x128xf32>
    %swap3A_46 = vector.shape_cast %swap3A_45 : vector<1x2000x128xf32> to vector<2000x128xf32>
    %swap3A_47 = vector.shape_cast %add3A_36 : vector<2000x128xf32> to vector<1x2000x128xf32>
    tpu.vector_store %arg6[%swap3A, %swap3A_43, %swap3A_44], %swap3A_47 {strides = array<i32>} : memref<2x2000x128xf32, #tpu.memory_space<vmem>>, vector<1x2000x128xf32>,
    %swap3A_48 = arith.constant 1 : index
    %swap3A_49 = arith.constant 0 : index
    %swap3A_50 = arith.constant 0 : index
    %swap3A_51 = vector.load %arg6[%swap3A_48, %swap3A_49, %swap3A_50] : memref<2x2000x128xf32, #tpu.memory_space<vmem>>, vector<1x2000x128xf32>
    %swap3A_52 = vector.shape_cast %swap3A_51 : vector<1x2000x128xf32> to vector<2000x128xf32>
    %swap3A_53 = vector.shape_cast %add3A_42 : vector<2000x128xf32> to vector<1x2000x128xf32>
    tpu.vector_store %arg6[%swap3A_48, %swap3A_49, %swap3A_50], %swap3A_53 {strides = array<i32>} : memref<2x2000x128xf32, #tpu.memory_space<vmem>>, vector<1x2000x128xf32>,
    return
  }
  func.func @transform_0(%arg0: i32) -> (i32, i32) {
    %c0_i32 = arith.constant 0 : i32
    %c0_i32_0 = arith.constant 0 : i32
    return %arg0, %c0_i32 : i32, i32
  }
  func.func @transform_1(%arg0: i32) -> (i32, i32) {
    %c0_i32 = arith.constant 0 : i32
    %c0_i32_0 = arith.constant 0 : i32
    %c0_i32_1 = arith.constant 0 : i32
    return %c0_i32, %c0_i32_0 : i32, i32
  }
  func.func @transform_2(%arg0: i32) -> (i32, i32) {
    %c0_i32 = arith.constant 0 : i32
    %c0_i32_0 = arith.constant 0 : i32
    %c0_i32_1 = arith.constant 0 : i32
    return %c0_i32, %c0_i32_0 : i32, i32
  }
  func.func @transform_3(%arg0: i32) -> (i32, i32) {
    %c0_i32 = arith.constant 0 : i32
    %c0_i32_0 = arith.constant 0 : i32
    %c0_i32_1 = arith.constant 0 : i32
    return %c0_i32, %c0_i32_0 : i32, i32
  }
  func.func @transform_4(%arg0: i32) -> (i32, i32, i32) {
    %c0_i32 = arith.constant 0 : i32
    %c0_i32_0 = arith.constant 0 : i32
    %c0_i32_1 = arith.constant 0 : i32
    return %c0_i32, %arg0, %c0_i32_0 : i32, i32, i32
  }
  func.func @transform_5(%arg0: i32) -> (i32, i32, i32) {
    %c0_i32 = arith.constant 0 : i32
    %c0_i32_0 = arith.constant 0 : i32
    %c0_i32_1 = arith.constant 0 : i32
    return %c0_i32, %arg0, %c0_i32_0 : i32, i32, i32
  }
}

module attributes {stable_mosaic.version = 14 : i64} {
  func.func @gcn_final(%arg0: i32, %arg1: memref<2x2000x128xf32, #tpu.memory_space<vmem>>, %arg2: memref<256x128xf32, #tpu.memory_space<vmem>>, %arg3: memref<1x128xf32, #tpu.memory_space<vmem>>, %arg4: memref<1x256xf32, #tpu.memory_space<vmem>>, %arg5: memref<1x128xf32, #tpu.memory_space<vmem>>) attributes {dimension_semantics = [#tpu.dimension_semantics<arbitrary>], iteration_bounds = array<i64: 5>, scalar_prefetch = 0 : i64, scratch_operands = 0 : i64, tpu.core_type = #tpu.core_type<tc>, window_params = [{transform_indices = @transform_0, window_bounds = array<i64: 2, 2000, 128>}, {pipeline_mode = #tpu.pipeline_mode<synchronous>, transform_indices = @transform_1, window_bounds = array<i64: 256, 128>}, {pipeline_mode = #tpu.pipeline_mode<synchronous>, transform_indices = @transform_2, window_bounds = array<i64: 1, 128>}, {pipeline_mode = #tpu.pipeline_mode<synchronous>, transform_indices = @transform_3, window_bounds = array<i64: 1, 256>}, {pipeline_mode = #tpu.pipeline_mode<synchronous>, transform_indices = @transform_4, window_bounds = array<i64: 1, 128>}]} {
    %get3A = arith.constant 0 : index
    %get3A_0 = arith.constant 0 : index
    %get3A_1 = arith.constant 0 : index
    %get3A_2 = vector.load %arg1[%get3A, %get3A_0, %get3A_1] : memref<2x2000x128xf32, #tpu.memory_space<vmem>>, vector<1x2000x128xf32>
    %get3A_3 = vector.shape_cast %get3A_2 : vector<1x2000x128xf32> to vector<2000x128xf32>
    %reduce_sum3A = arith.constant dense<0.000000e+00> : vector<128xf32>
    %reduce_sum3A_4 = vector.multi_reduction <add>, %get3A_3, %reduce_sum3A [0] : vector<2000x128xf32> to vector<128xf32>
    %broadcast_in_dim3A = vector.shape_cast %reduce_sum3A_4 : vector<128xf32> to vector<1x128xf32>
    %get3A_5 = arith.constant 1 : index
    %get3A_6 = arith.constant 0 : index
    %get3A_7 = arith.constant 0 : index
    %get3A_8 = vector.load %arg1[%get3A_5, %get3A_6, %get3A_7] : memref<2x2000x128xf32, #tpu.memory_space<vmem>>, vector<1x2000x128xf32>
    %get3A_9 = vector.shape_cast %get3A_8 : vector<1x2000x128xf32> to vector<2000x128xf32>
    %reduce_sum3A_10 = arith.constant dense<0.000000e+00> : vector<128xf32>
    %reduce_sum3A_11 = vector.multi_reduction <add>, %get3A_9, %reduce_sum3A_10 [0] : vector<2000x128xf32> to vector<128xf32>
    %broadcast_in_dim3A_12 = vector.shape_cast %reduce_sum3A_11 : vector<128xf32> to vector<1x128xf32>
    %concatenate3A = tpu.concatenate %broadcast_in_dim3A, %broadcast_in_dim3A_12 in 1 : vector<1x128xf32>, vector<1x128xf32> -> vector<1x256xf32>
    %eq3A = arith.constant 0 : i32
    %eq3A_13 = arith.cmpi eq, %arg0, %eq3A : i32
    %convert_element_type3A = arith.extui %eq3A_13 : i1 to i32
    %cond3A = arith.constant 0 : i32
    %cond3A_14 = arith.cmpi ne, %convert_element_type3A, %cond3A : i32
    scf.if %cond3A_14 {
      %broadcast_in_dim3A_29 = arith.constant 0.000000e+00 : f32
      %broadcast_in_dim3A_30 = vector.broadcast %broadcast_in_dim3A_29 : f32 to vector<1x256xf32>
      %swap3A_31 = arith.constant 0 : index
      %swap3A_32 = arith.constant 0 : index
      %swap3A_33 = vector.load %arg4[%swap3A_31, %swap3A_32] : memref<1x256xf32, #tpu.memory_space<vmem>>, vector<1x256xf32>
      tpu.vector_store %arg4[%swap3A_31, %swap3A_32], %broadcast_in_dim3A_30 {strides = array<i32>} : memref<1x256xf32, #tpu.memory_space<vmem>>, vector<1x256xf32>,
    } else {
    }
    %get3A_15 = arith.constant 0 : index
    %get3A_16 = arith.constant 0 : index
    %get3A_17 = vector.load %arg4[%get3A_15, %get3A_16] : memref<1x256xf32, #tpu.memory_space<vmem>>, vector<1x256xf32>
    %add3A = arith.addf %get3A_17, %concatenate3A : vector<1x256xf32>
    %swap3A = arith.constant 0 : index
    %swap3A_18 = arith.constant 0 : index
    %swap3A_19 = vector.load %arg4[%swap3A, %swap3A_18] : memref<1x256xf32, #tpu.memory_space<vmem>>, vector<1x256xf32>
    tpu.vector_store %arg4[%swap3A, %swap3A_18], %add3A {strides = array<i32>} : memref<1x256xf32, #tpu.memory_space<vmem>>, vector<1x256xf32>,
    %eq3A_20 = arith.constant 4 : i32
    %eq3A_21 = arith.cmpi eq, %arg0, %eq3A_20 : i32
    %convert_element_type3A_22 = arith.extui %eq3A_21 : i1 to i32
    %cond3A_23 = arith.constant 0 : i32
    %cond3A_24 = arith.cmpi ne, %convert_element_type3A_22, %cond3A_23 : i32
    scf.if %cond3A_24 {
      %get3A_29 = arith.constant 0 : index
      %get3A_30 = arith.constant 0 : index
      %get3A_31 = vector.load %arg4[%get3A_29, %get3A_30] : memref<1x256xf32, #tpu.memory_space<vmem>>, vector<1x256xf32>
      %div3A = arith.constant 1.000000e+04 : f32
      %div3A_32 = vector.broadcast %div3A : f32 to vector<1x256xf32>
      %div3A_33 = arith.divf %get3A_31, %div3A_32 : vector<1x256xf32>
      %swap3A_34 = arith.constant 0 : index
      %swap3A_35 = arith.constant 0 : index
      %swap3A_36 = vector.load %arg4[%swap3A_34, %swap3A_35] : memref<1x256xf32, #tpu.memory_space<vmem>>, vector<1x256xf32>
      tpu.vector_store %arg4[%swap3A_34, %swap3A_35], %div3A_33 {strides = array<i32>} : memref<1x256xf32, #tpu.memory_space<vmem>>, vector<1x256xf32>,
      %get3A_37 = arith.constant 0 : index
      %get3A_38 = arith.constant 0 : index
      %get3A_39 = vector.load %arg2[%get3A_37, %get3A_38] : memref<256x128xf32, #tpu.memory_space<vmem>>, vector<256x128xf32>
      %dot_general3A = arith.constant dense<0.000000e+00> : vector<1x128xf32>
      %dot_general3A_40 = tpu.matmul %div3A_33, %get3A_39, %dot_general3A {dimension_numbers = #tpu.dot_dimension_numbers<[1], [0], [0], [1], [0, 0, 1, 1], [], []>, precision = #tpu.contract_precision<fp32>, transpose_lhs_hint = false} : vector<1x256xf32>, vector<256x128xf32>, vector<1x128xf32> -> vector<1x128xf32>
      %get3A_41 = arith.constant 0 : index
      %get3A_42 = arith.constant 0 : index
      %get3A_43 = vector.load %arg3[%get3A_41, %get3A_42] : memref<1x128xf32, #tpu.memory_space<vmem>>, vector<1x128xf32>
      %add3A_44 = arith.addf %dot_general3A_40, %get3A_43 : vector<1x128xf32>
      %swap3A_45 = arith.constant 0 : index
      %swap3A_46 = arith.constant 0 : index
      %swap3A_47 = vector.load %arg5[%swap3A_45, %swap3A_46] : memref<1x128xf32, #tpu.memory_space<vmem>>, vector<1x128xf32>
      tpu.vector_store %arg5[%swap3A_45, %swap3A_46], %add3A_44 {strides = array<i32>} : memref<1x128xf32, #tpu.memory_space<vmem>>, vector<1x128xf32>,
    } else {
    }
    %lt3A = arith.constant 4 : i32
    %lt3A_25 = arith.cmpi slt, %arg0, %lt3A : i32
    %convert_element_type3A_26 = arith.extui %lt3A_25 : i1 to i32
    %cond3A_27 = arith.constant 0 : i32
    %cond3A_28 = arith.cmpi ne, %convert_element_type3A_26, %cond3A_27 : i32
    scf.if %cond3A_28 {
      %broadcast_in_dim3A_29 = arith.constant 0.000000e+00 : f32
      %broadcast_in_dim3A_30 = vector.broadcast %broadcast_in_dim3A_29 : f32 to vector<1x128xf32>
      %swap3A_31 = arith.constant 0 : index
      %swap3A_32 = arith.constant 0 : index
      %swap3A_33 = vector.load %arg5[%swap3A_31, %swap3A_32] : memref<1x128xf32, #tpu.memory_space<vmem>>, vector<1x128xf32>
      tpu.vector_store %arg5[%swap3A_31, %swap3A_32], %broadcast_in_dim3A_30 {strides = array<i32>} : memref<1x128xf32, #tpu.memory_space<vmem>>, vector<1x128xf32>,
    } else {
    }
    return
  }
  func.func @transform_0(%arg0: i32) -> (i32, i32, i32) {
    %c0_i32 = arith.constant 0 : i32
    %c0_i32_0 = arith.constant 0 : i32
    %c0_i32_1 = arith.constant 0 : i32
    return %c0_i32, %arg0, %c0_i32_0 : i32, i32, i32
  }
  func.func @transform_1(%arg0: i32) -> (i32, i32) {
    %c0_i32 = arith.constant 0 : i32
    %c0_i32_0 = arith.constant 0 : i32
    %c0_i32_1 = arith.constant 0 : i32
    return %c0_i32, %c0_i32_0 : i32, i32
  }
  func.func @transform_2(%arg0: i32) -> (i32, i32) {
    %c0_i32 = arith.constant 0 : i32
    %c0_i32_0 = arith.constant 0 : i32
    %c0_i32_1 = arith.constant 0 : i32
    return %c0_i32, %c0_i32_0 : i32, i32
  }
  func.func @transform_3(%arg0: i32) -> (i32, i32) {
    %c0_i32 = arith.constant 0 : i32
    %c0_i32_0 = arith.constant 0 : i32
    %c0_i32_1 = arith.constant 0 : i32
    return %c0_i32, %c0_i32_0 : i32, i32
  }
  func.func @transform_4(%arg0: i32) -> (i32, i32) {
    %c0_i32 = arith.constant 0 : i32
    %c0_i32_0 = arith.constant 0 : i32
    %c0_i32_1 = arith.constant 0 : i32
    return %c0_i32, %c0_i32_0 : i32, i32
  }
}

</mosaic_0001>

<sc_bundles>
// kernel: kernel.11.cloned.1.call-start
scs
__scs_entry_jumppad:
0x0: {  	(pc) =	sbr.rel $0x88, $3  }
0x1: {  	(tag) =	ssettag $0x0;
	lr =	simm.s32 $0x1  }
0x2: {  	[smem:$0x3F91] =	sst lr;
	_ =	strace $0xD0000000  }
0x3: {  	_ = 	snop  }
0x4: {  	_ = 	snop  }
0x5: {  	_ = 	snop  }
0x6: {  	_ = 	snop  }
0x7: {  	_ = 	snop  }
__scs_overlays_trampoline_lowered:
0x8: {  	[smem:$0x3FA0] =	sst s0  }
0x9: {  	[smem:$0x3FA1] =	sst s1  }
0xa: {  	[smem:$0x3FA2] =	sst s2  }
0xb: {  	[smem:$0x3FA3] =	sst s3  }
0xc: {  	[smem:$0x3FA4] =	sst s4  }
0xd: {  	[smem:$0x3FA5] =	sst s5  }
0xe: {  	[smem:$0x3FA6] =	sst s6  }
0xf: {  	[smem:$0x3FA7] =	sst s7  }
0x10: {  	[smem:$0x3FA8] =	sst s8  }
0x11: {  	[smem:$0x3FA9] =	sst s9;
	s0 =	simm.s32 @!p0 $0x0  }
0x12: {  	s1 =	sld [smem:$0x3F8F];
	s0 =	simm.s32 @p0 $0x1  }
0x13: {  	[smem:$0x3FAA] =	sst s0;
	s0 =	simm.s32 @!p1 $0x0  }
0x14: {  	s2 =	sld [smem:$0x3F8E];
	s0 =	simm.s32 @p1 $0x1  }
0x15: {  	[smem:$0x3FAB] =	sst s0;
	s0 =	simm.s32 @!p2 $0x0  }
0x16: {  	s3 =	sld [smem:$0x3FDB];
	s0 =	simm.s32 @p2 $0x1  }
0x17: {  	s4 =	simm.s32 $0x1BF5;
	[smem:$0x3FAD] =	sst s0  }
0x18: {  	s0 =	sld [smem:$0x3F90];
	_ =	swait.ge [sflag:s4], $0x0  }
0x19: {  	s7 =	sld [smem:$0x3F91]  }
0x1a: {  	s8 =	sadd.s32 $0xFFFFE003, lr  }
0x1b: {  	s9 =	sadd.s32 $0xFFFFFEF7, lr;
	s5 =	simm.s32 $0xFFFFFFFF;
	p2 =	slt.u32 s8, $0xFFFFF086  }
0x1c: {  	p1 =	slt.u32 s9, $0xF7A;
	s5 =	simm.s32 @!p2 $0x0  }
0x1d: {  	s5 =	simm.s32 @p1 $0x1;
	p0 =	seq.s32 s7, s2  }
0x1e: {  	s7 =	smul.u32 @!p0 $0xF7A, s2;
	p2 =	seq.s32 @!p0 s5, $0x0  }
0x1f: {  	s9 =	smul.u32 $0xF7A, s1;
	s8 =	simm.s32 @!p0 $0x1BF5;
	p2 =	por !p2, p0  }
0x20: {  	[sflag:s8] =	ssyncset.s32 @!p0 $0xFFFFF086;
	s6 =	sadd.s32 @!p0 s3, s7;
	s7 =	simm.s32 @!p0 $0x108  }
0x21: {  	s3 =	sadd.s32 s3, s9;
	s6 =	sadd.s32 @!p0 $0x88, s6;
	s7 =	simm.s32 @p2 $0x1082  }
0x22: {  	[simem:s7], [sflag:s8] =	dma.local @!p0 [hbm:s6], $0xF7A  }
0x23: {  	s9 =	sor.u32 $0xD0000000, s2;
	s6 =	simm.s32 $0x108;
	_ =	swait.ge @!p0 [sflag:s8], $0x0  }
0x24: {  	s3 =	sadd.s32 $0x88, s3;
	s6 =	simm.s32 @!p1 $0x1082;
	[sflag:s4] =	ssyncset.s32 $0xFFFFF086  }
0x25: {  	[simem:s6], [sflag:s4] =	dma.local [hbm:s3], $0xF7A  }
0x26: {  	[smem:$0x3F91] =	sst s1;
	(tag) =	ssettag s2;
	_ =	strace s9  }
0x27: {  	s1 =	sld [smem:$0x3FA1]  }
0x28: {  	s2 =	sld [smem:$0x3FA2]  }
0x29: {  	s4 =	sld [smem:$0x3FA4]  }
0x2a: {  	p0 =	seq.s32 s5, $0x0;
	s5 =	sld [smem:$0x3FA5]  }
0x2b: {  	s6 =	sld [smem:$0x3FA6]  }
0x2c: {  	s7 =	sld [smem:$0x3FA7]  }
0x2d: {  	s3 =	simm.s32 $0x108;
	s8 =	sld [smem:$0x3FA8]  }
0x2e: {  	s3 =	simm.s32 @!p0 $0x1082;
	s9 =	sld [smem:$0x3FA9]  }
0x2f: {  	lr =	sadd.s32 s0, s3;
	s0 =	sld [smem:$0x3FA0]  }
0x30: {  	s3 =	sld [smem:$0x3FA3]  }
0x31: {  	[smem:$0x3FAC] =	sst s10  }
0x32: {  	s10 =	sld [smem:$0x3FAA];
	_ =	sdelay $0x3  }
0x33: {  	p0 =	seq.s32 s10, $0x1;
	s10 =	sld [smem:$0x3FAC];
	_ =	sdelay $0x3  }
0x34: {  	[smem:$0x3FAC] =	sst s10  }
0x35: {  	s10 =	sld [smem:$0x3FAB];
	_ =	sdelay $0x3  }
0x36: {  	p1 =	seq.s32 s10, $0x1;
	s10 =	sld [smem:$0x3FAC];
	_ =	sdelay $0x3  }
0x37: {  	[smem:$0x3FAC] =	sst s10  }
0x38: {  	s10 =	sld [smem:$0x3FAD]  }
0x39: {  	_ = 	snop;
	(pc) =	sbr.ind lr, $3  }
0x3a: {  	_ = 	snop  }
0x3b: {  	_ = 	snop  }
0x3c: {  	p2 =	seq.s32 s10, $0x1;
	s10 =	sld [smem:$0x3FAC]  }
0x3d: {  	_ =	shalt  }
0x3e: {  	_ =	shalt  }
0x3f: {  	_ =	shalt  }
0x40: {  	_ =	shalt  }
0x41: {  	_ =	shalt  }
0x42: {  	_ =	shalt  }
0x43: {  	_ =	shalt  }
0x44: {  	_ =	shalt  }
0x45: {  	_ =	shalt  }
0x46: {  	_ =	shalt  }
0x47: {  	_ =	shalt  }
0x48: {  	_ =	shalt  }
0x49: {  	_ =	shalt  }
0x4a: {  	_ =	shalt  }
0x4b: {  	_ =	shalt  }
0x4c: {  	_ =	shalt  }
0x4d: {  	_ =	shalt  }
0x4e: {  	_ =	shalt  }
0x4f: {  	_ =	shalt  }
0x50: {  	_ =	shalt  }
0x51: {  	_ =	shalt  }
0x52: {  	_ =	shalt  }
0x53: {  	_ =	shalt  }
0x54: {  	_ =	shalt  }
0x55: {  	_ =	shalt  }
0x56: {  	_ =	shalt  }
0x57: {  	_ =	shalt  }
0x58: {  	_ =	shalt  }
0x59: {  	_ =	shalt  }
0x5a: {  	_ =	shalt  }
0x5b: {  	_ =	shalt  }
0x5c: {  	_ =	shalt  }
0x5d: {  	_ =	shalt  }
0x5e: {  	_ =	shalt  }
0x5f: {  	_ =	shalt  }
0x60: {  	_ =	shalt  }
0x61: {  	_ =	shalt  }
0x62: {  	_ =	shalt  }
0x63: {  	_ =	shalt  }
0x64: {  	_ =	shalt  }
0x65: {  	_ =	shalt  }
0x66: {  	_ =	shalt  }
0x67: {  	_ =	shalt  }
0x68: {  	_ =	shalt  }
0x69: {  	_ =	shalt  }
0x6a: {  	_ =	shalt  }
0x6b: {  	_ =	shalt  }
0x6c: {  	_ =	shalt  }
0x6d: {  	_ =	shalt  }
0x6e: {  	_ =	shalt  }
0x6f: {  	_ =	shalt  }
0x70: {  	_ =	shalt  }
0x71: {  	_ =	shalt  }
0x72: {  	_ =	shalt  }
0x73: {  	_ =	shalt  }
0x74: {  	_ =	shalt  }
0x75: {  	_ =	shalt  }
0x76: {  	_ =	shalt  }
0x77: {  	_ =	shalt  }
0x78: {  	_ =	shalt  }
0x79: {  	_ =	shalt  }
0x7a: {  	_ =	shalt  }
0x7b: {  	_ =	shalt  }
0x7c: {  	_ =	shalt  }
0x7d: {  	_ =	shalt  }
0x7e: {  	_ =	shalt  }
0x7f: {  	_ =	shalt  }
0x80: {  	_ =	shalt  }
0x81: {  	_ =	shalt  }
0x82: {  	_ =	shalt  }
0x83: {  	_ =	shalt  }
0x84: {  	_ =	shalt  }
0x85: {  	_ =	shalt  }
0x86: {  	_ =	shalt  }
0x87: {  	_ =	shalt  }
.Lfunc_end0:
.L_simem_size_0:
called_computation.1_lowered:
.L_overlay_start_0:
0x88: {  	s2 =	sld [smem:$0x3FD9]  }
0x89: {  	s3 =	sld [smem:$0x3FFE];
	_ =	sdelay $0x1  }
0x8a: {  	s1 =	srdreg.scid  }
0x8b: {  	s0 =	sand.u32 $0x1, s1  }
0x8c: {  	s16 =	sshll.u32 s0, $0xA;
	s2 =	sadd.s32 s3, s2  }
0x8d: {  	s2 =	sadd.s32 s2, s16  }
0x8e: {  	[smem:$0x3FB8] =	sst s2  }
0x8f: {  	_ = 	snop  }
0x90: {  	(tm) =	ssettm $0x1  }
0x91: {  	s17 =	sld [smem:$0x3FFB];
	_ =	sdelay $0x3  }
0x92: {  	_ =	strace s17  }
0x93: {  	s2 =	sld [smem:$0x3FFC];
	_ =	sdelay $0x3  }
0x94: {  	_ =	strace s2  }
0x95: {  	s2 =	sld [smem:$0x3FFD];
	_ =	sdelay $0x3  }
0x96: {  	_ =	strace s2  }
0x97: {  	_ =	strace $0x8FFFFFFF  }
0x98: {  	s18 =	sld [smem:$0x3FDB];
	_ =	sdelay $0x1  }
0x99: {  	s19 =	simm.s32 $_scs_section_size  }
0x9a: {  	s4 =	simm.s32 $_size__tile_overlayer_lowered;
	s5 =	simm.s32 $_tile_overlayer_lowered  }
0x9b: {  	s22 =	simm.s32 $0x1BFF;
	s21 =	sshll.u32 s5, $0x1;
	s2 =	sadd.s32 s19, s18  }
0x9c: {  	s6 =	simm.s32 $0x0;
	s20 =	sshll.u32 s4, $0x1;
	s4 =	sadd.s32 s21, s2  }
0x9d: {  	[timem:s6], [sflag:s22] =	dma.local [hbm:s4], s20  }
0x9e: {  	_ =	swait.ge [sflag:s22], s20  }
0x9f: {  	s3 =	ssub.s32 $0x0, s20;
	[sflag:s22] =	ssyncset.done $0x0  }
0xa0: {  	[sflag:s22] =	ssyncadd.s32 s3;
	_ =	sdelay $0x1  }
0xa1: {  	s23 =	simm.s32 $0x1B8B  }
0xa2: {  	_ =	swait.ge [sflag:s23], $0x1  }
0xa3: {  	[sflag:s23] =	ssyncset.done $0x0  }
0xa4: {  	s25 =	simm.s32 $0x1B8E;
	s24 =	sld [smem:$0x3FFE];
	[sflag:s23] =	ssyncadd.s32 $0xFFFFFFFF  }
0xa5: {  	s26 =	simm.s32 $execute0_lowered;
	[smem:$0x3FD2] =	sst s25  }
0xa6: {  	s4 =	sshll.u32 s26, $0x1;
	_ =	strace $0x80000049;
	[dreg:$0x1] =	wrdreg $0xFFFFFFFF  }
0xa7: {  	s28 =	simm.s32 $_size_execute0_lowered;
	s2 =	sadd.s32 s2, s4;
	[dreg:$0x0] =	wrdreg $0x0  }
0xa8: {  	s4 =	sshll.u32 s28, $0x1;
	[dreg:$0x2] =	wrdreg s2  }
0xa9: {  	[dreg:$0x3] =	wrdreg s4  }
0xaa: {  	[dreg:$0x4] =	wrdreg $0xC0  }
0xab: {  	_ =	task [dreg:s6], $0x5FFFF  }
0xac: {  	[dreg:$0x1] =	wrdreg $0xFFFFFFFF  }
0xad: {  	[dreg:$0x0] =	wrdreg $0x60  }
0xae: {  	[dreg:$0x2] =	wrdreg s24  }
0xaf: {  	[dreg:$0x3] =	wrdreg $0x41800  }
0xb0: {  	[dreg:$0x4] =	wrdreg $0x9  }
0xb1: {  	_ =	task.clear_ibuf [dreg:s6], $0x5FFFF;
	_ =	strace $0x90000049  }
0xb2: {  	s29 =	simm.s32 $0x9;
	_ =	strace $0x8000004B  }
0xb3: {  	_ =	swait.ge [sflag:s29], $0x1  }
0xb4: {  	[sflag:s29] =	ssyncadd.s32 $0xFFFFFFFF  }
0xb5: {  	_ =	strace $0x9000004B  }
0xb6: {  	_ =	sfence  }
0xb7: {  	s30 =	sld [smem:$0x0];
	_ =	sdelay $0x2  }
0xb8: {  	s31 =	sshll.u32 s1, $0xD;
	s1 =	sshrl.u32 s1, $0x2  }
0xb9: {  	s3 =	sand.u32 $0x4000, s31;
	s1 =	sadd.s32 s1, s30  }
0xba: {  	s0 =	sor.u32 s3, s0;
	s1 =	sshll.u32 s1, $0x11  }
0xbb: {  	s0 =	sor.u32 s1, s0  }
0xbc: {  	s0 =	sadd.s32 $0x8F2B, s0  }
0xbd: {  	[sflag:s0] =	ssyncadd.remote.s32 $0x1  }
0xbe: {  	_ =	sfence.sel $0xFFFF  }
0xbf: {  	[dreg:$0x0] =	wrdreg $0xFFFFFFFF;
	(pc) =	sbr.abs _section_cstart, $3  }
0xc0: {  	[dreg:$0x1] =	wrdreg $0xFFFFFFFF  }
0xc1: {  	_ =	task.clear_ibuf [dreg:s6], $0x2FFFF;
	_ =	strace $0x9FFFFFFF  }
0xc2: {  	(tm) =	ssettm $0x7FFFFFFF  }
0xc3: {  	_ =	shalt  }
tec
execute0_lowered:
.L_overlay_start_1:
0x0: {  	(tag) =	ssettag $0x1  }
0x1: {  	s5 =	rddreg [dreg:$0x0]  }
0x2: {  	s2 =	rddreg [dreg:$0x1]  }
0x3: {  	s0 =	rddreg [dreg:$0x2]  }
0x4: {  	s1 =	stileid.u32;
	s4 =	srdreg.scid;
	s3 =	simm.s32 $0x0  }
0x5: {  	s14 =	simm.s32 $0x2;
	s16 =	simm.s32 $0x80;
	s17 =	simm.s32 $0x100  }
0x6: {  	s19 =	simm.s32 $0x1;
	s20 =	simm.s32 $0x0;
	s6 =	smul.u32 $0x4F0, s1  }
0x7: {  	s7 =	sand.u32 $0x1, s4;
	[smem:$0x7FF] =	sst s3;
	s8 =	smul.u32 $0x4E000, s1  }
0x8: {  	s4 =	sadd.s32 $0x5E200, s5;
	s10 =	smul.u32 $0x270, s1;
	s11 =	sadd.s32 $0xAC400, s5  }
0x9: {  	s30 =	sshll.u32 s1, $0x6;
	s15 =	sadd.s32 $0x138000, s2;
	p0 =	sne.s32 s1, $0xF  }
0xa: {  	s18 =	smul.u32 $0x2710, s7;
	_ =	strace $0x8000004A;
	s9 =	ssub.s32 $0x2, s7  }
0xb: {  	s7 =	smul.u32 $0x138800, s7;
	s15 =	sshrl.u32 @!p0 s15, $0x3;
	s12 =	sadd.s32 s6, s5  }
0xc: {  	s25 =	sshrl.u32 s9, $0x1;
	s26 =	sshrl.u32 s8, $0x2;
	s6 =	sor.u32 $0x1C02, s30  }
0xd: {  	s28 =	sadd.s32 s10, s18;
	s29 =	ssub.s32 s9, s25;
	s13 =	sadd.s32 s26, s2  }
0xe: {  	s7 =	sshrl.u32 s7, $0x3;
	v0 =	vmov s18;
	s18 =	simm.s32 $0x180;
	s8 =	sshll.u32 s28, $0x4  }
0xf: {  	s31 =	sadd.s32 $0x27000, s7;
	s10 =	smax.u32 s29, $0x1;
	s13 =	sshrl.u32 s13, $0x3  }
0x10: {  	s5 =	sadd.s32 s4, s8;
	s7 =	sadd.s32 s4, s31;
	s8 =	sadd.s32 s11, s8  }
0x11: {  	s9 =	sadd.s32 s11, s31;
	s11 =	sadd.s32 $0x6000, s12;
	s12 =	sadd.s32 $0xB000, s12  }
.LBB2_1:
0x12: {  	[spmem:s13], [sflag:s6] =	dma.local [hbm:s5], $0x2700  }
0x13: {  	_ =	swait.ge [sflag:s14], $0x2700  }
0x14: {  	[sflag:s14] =	ssyncset.done $0x0  }
0x15: {  	s21 =	simm.s32 @!p0 $0x2;
	[sflag:s14] =	ssyncadd.s32 $0xFFFFD900  }
0x16: {  	[spmem:s15], [sflag:s6] =	dma.local @!p0 [hbm:s7], $0x100  }
0x17: {  	_ =	swait.ge @!p0 [sflag:s21], $0x100  }
0x18: {  	[sflag:s21] =	ssyncset.done @!p0 $0x0  }
0x19: {  	[sflag:s21] =	ssyncadd.s32 @!p0 $0xFFFFFF00  }
0x1a: {  	s30 =	sadd.s32 $0x0, s12;
	[bflag:$0x0] =	sbarrier.arrive $0xFFFF  }
0x1b: {  	[tilespmem:s3], [sflag:$0x2] =	stream.linear.gather [hbm4b:s30+s3], $0x80, $0x38;
	[tilespmem:$0x17A40] =	vst v63  }
0x1c: {  	_ =	swait.ge [sflag:s14], $0x80  }
0x1d: {  	[sflag:s14] =	ssyncset.done $0x0  }
0x1e: {  	s31 =	sadd.s32 $0x0, s11;
	[sflag:s14] =	ssyncadd.s32 $0xFFFFFF80  }
0x1f: {  	[tilespmem:s16], [sflag:$0x2] =	stream.linear.gather [hbm4b:s31+s3], $0x80, $0x38;
	[tilespmem:$0x17A40] =	vst v63  }
0x20: {  	_ =	swait.ge [sflag:s14], $0x80  }
0x21: {  	[sflag:s14] =	ssyncset.done $0x0  }
0x22: {  	[sflag:s14] =	ssyncadd.s32 $0xFFFFFF80  }
0x23: {  	v1 =	vld [tilespmem:$0x70]  }
0x24: {  	v2 =	vld [tilespmem:$0x30]  }
0x25: {  	v3 =	vld [tilespmem:$0x50]  }
0x26: {  	v5 =	vld [tilespmem:$0x20]  }
0x27: {  	v4 =	vld [tilespmem:$0x60]  }
0x28: {  	v6 =	vld [tilespmem:$0x10];
	v1 =	vadd.s32 v0, v1  }
0x29: {  	v7 =	vld [tilespmem:$0x40];
	v2 =	vadd.s32 v0, v2;
	[tilespmem:$0x170] =	vst v1  }
0x2a: {  	v1 =	vld [tilespmem:$0x0];
	[tilespmem:$0x130] =	vst v2;
	v2 =	vadd.s32 v0, v3  }
0x2b: {  	v3 =	vadd.s32 v0, v5;
	[tilespmem:$0x150] =	vst v2  }
0x2c: {  	v2 =	vadd.s32 v0, v4;
	[tilespmem:$0x120] =	vst v3  }
0x2d: {  	[tilespmem:$0x160] =	vst v2;
	v2 =	vadd.s32 v0, v6  }
0x2e: {  	[tilespmem:$0x110] =	vst v2;
	v2 =	vadd.s32 v0, v7  }
0x2f: {  	[tilespmem:$0x140] =	vst v2;
	v1 =	vadd.s32 v0, v1  }
0x30: {  	s21 =	simm.s32 $0x10;
	[tilespmem:$0x100] =	vst v1  }
.LBB2_2:
0x31: {  	[tilespmem:s18], [sflag:$0x1] =	stream.indirect.gather [hbm4b:s4+s16], $0x80, s17, s16, $0xb8;
	[tilespmem:$0x17A40] =	vst v63  }
0x32: {  	s22 =	smov.u32 s21  }
0x33: {  	p1 =	sne.s32 s21, $0x4E0;
	s21 =	sadd.s32 $0x10, s21;
	_ =	swait.ge [sflag:s19], $0x4000  }
0x34: {  	[sflag:s19] =	ssyncset.done $0x0  }
0x35: {  	[sflag:s19] =	ssyncadd.s32 $0xFFFFC000  }
0x36: {  	[spmem:s2] =	stream.indirect.scatter.add.f32 [tilespmem:s18], [sflag:$0x2], $0x80, s16, s16, $0xb8;
	[tilespmem:$0x17A40] =	vst v63  }
0x37: {  	_ =	swait.ge [sflag:s14], $0x4000  }
0x38: {  	[sflag:s14] =	ssyncset.done $0x0  }
0x39: {  	s23 =	sadd.s32 s22, s12;
	[sflag:s14] =	ssyncadd.s32 $0xFFFFC000  }
0x3a: {  	[tilespmem:s3], [sflag:$0x2] =	stream.linear.gather [hbm4b:s23+s3], $0x80, $0x38;
	[tilespmem:$0x17A40] =	vst v63  }
0x3b: {  	_ =	swait.ge [sflag:s14], $0x80  }
0x3c: {  	[sflag:s14] =	ssyncset.done $0x0  }
0x3d: {  	s22 =	sadd.s32 s22, s11;
	[sflag:s14] =	ssyncadd.s32 $0xFFFFFF80  }
0x3e: {  	[tilespmem:s16], [sflag:$0x2] =	stream.linear.gather [hbm4b:s22+s3], $0x80, $0x38;
	[tilespmem:$0x17A40] =	vst v63  }
0x3f: {  	_ =	swait.ge [sflag:s14], $0x80  }
0x40: {  	[sflag:s14] =	ssyncset.done $0x0  }
0x41: {  	[sflag:s14] =	ssyncadd.s32 $0xFFFFFF80  }
0x42: {  	v1 =	vld [tilespmem:$0x70]  }
0x43: {  	v2 =	vld [tilespmem:$0x30]  }
0x44: {  	v3 =	vld [tilespmem:$0x50]  }
0x45: {  	v4 =	vld [tilespmem:$0x60]  }
0x46: {  	v5 =	vld [tilespmem:$0x20]  }
0x47: {  	v6 =	vld [tilespmem:$0x10];
	v1 =	vadd.s32 v0, v1  }
0x48: {  	v2 =	vadd.s32 v0, v2;
	v7 =	vld [tilespmem:$0x40];
	[tilespmem:$0x170] =	vst v1  }
0x49: {  	v1 =	vld [tilespmem:$0x0];
	[tilespmem:$0x130] =	vst v2;
	v2 =	vadd.s32 v0, v3  }
0x4a: {  	[tilespmem:$0x150] =	vst v2;
	v2 =	vadd.s32 v0, v4  }
.Ltmp0:
0x4b: {  	v3 =	vadd.s32 v0, v5;
	[tilespmem:$0x160] =	vst v2;
	(pc) =	sbr.rel @p1 .LBB2_2-.Ltmp0, $4  }
0x4c: {  	v2 =	vadd.s32 v0, v6;
	[tilespmem:$0x120] =	vst v3  }
0x4d: {  	[tilespmem:$0x110] =	vst v2;
	v2 =	vadd.s32 v0, v7  }
0x4e: {  	v1 =	vadd.s32 v0, v1;
	[tilespmem:$0x140] =	vst v2  }
0x4f: {  	[tilespmem:$0x100] =	vst v1  }
0x50: {  	[tilespmem:s18], [sflag:$0x1] =	stream.indirect.gather [hbm4b:s4+s16], $0x80, s17, s16, $0xb8;
	[tilespmem:$0x17A40] =	vst v63  }
0x51: {  	_ =	swait.ge [sflag:s19], $0x4000  }
0x52: {  	[sflag:s19] =	ssyncset.done $0x0  }
0x53: {  	[sflag:s19] =	ssyncadd.s32 $0xFFFFC000  }
0x54: {  	[spmem:s2] =	stream.indirect.scatter.add.f32 [tilespmem:s18], [sflag:$0x2], $0x80, s16, s16, $0xb8;
	[tilespmem:$0x17A40] =	vst v63  }
0x55: {  	_ =	swait.ge [sflag:s14], $0x4000  }
0x56: {  	[sflag:s14] =	ssyncset.done $0x0  }
0x57: {  	[sflag:s14] =	ssyncadd.s32 $0xFFFFC000  }
0x58: {  	[bflag:$0x0] =	sbarrier.arrive $0xFFFF  }
0x59: {  	[hbm:s8], [sflag:s6] =	dma.local [spmem:s13], $0x2700  }
0x5a: {  	s20 =	sadd.s32 $0x1, s20;
	_ =	swait.ge [sflag:s14], $0x2700  }
0x5b: {  	p1 =	sne.s32 s20, s10;
	[sflag:s14] =	ssyncset.done $0x0  }
.Ltmp1:
0x5c: {  	s21 =	simm.s32 @!p0 $0x2;
	[sflag:s14] =	ssyncadd.s32 $0xFFFFD900;
	(pc) =	sbr.rel @p1 .LBB2_1-.Ltmp1, $4  }
0x5d: {  	[hbm:s9], [sflag:s6] =	dma.local @!p0 [spmem:s15], $0x100  }
0x5e: {  	_ =	swait.ge @!p0 [sflag:s21], $0x100  }
0x5f: {  	[sflag:s21] =	ssyncset.done @!p0 $0x0  }
0x60: {  	[sflag:s21] =	ssyncadd.s32 @!p0 $0xFFFFFF00  }
0x61: {  	_ =	sfence.sel $0x180000  }
0x62: {  	[bflag:$0x0] =	sbarrier.arrive $0xFFFF  }
0x63: {  	p0 =	sne.s32 s1, $0x0;
	_ =	strace $0x9000004A  }
0x64: {  	s0 =	sadd.s32 @!p0 $0x100000, s0;
	[bflag:$0x2] =	sbarrier.arrive $0xFFFF  }
0x65: {  	[sflag:s0] =	ssyncadd.tile.s32 @!p0 $0x1;
	_ =	shalt  }
.Lfunc_end2:
_tile_overlayer_lowered:
.L_overlay_start_2:
0x66: {  	(tag) =	ssettag $0x2  }
0x67: {  	s0 =	rddreg [dreg:$0x0];
	s2 =	stileid.u32  }
0x68: {  	s1 =	rddreg [dreg:$0x1];
	p0 =	sne.s32 s2, $0x0  }
0x69: {  	s3 =	rddreg [dreg:$0x2];
	[bflag:$0x3] =	sbarrier.arrive $0xFFFF;
	s2 =	simm.s32 @!p0 $0x1C02  }
0x6a: {  	[timem:s3], [sflag:s2] =	dma.local @!p0 [hbm:s0], s1  }
0x6b: {  	s0 =	simm.s32 @!p0 $0x2  }
0x6c: {  	_ =	swait.ge @!p0 [sflag:s0], s1  }
0x6d: {  	s1 =	ssub.s32 @!p0 $0x0, s1;
	[sflag:s0] =	ssyncset.done @!p0 $0x0  }
0x6e: {  	[sflag:s0] =	ssyncadd.s32 @!p0 s1  }
0x6f: {  	[bflag:$0x3] =	sbarrier.arrive $0xFFFF  }
0x70: {  	_ =	shalt  }

// kernel: kernel.14.cloned.1.call-start
scs
__scs_entry_jumppad:
0x0: {  	(pc) =	sbr.rel $0x88, $3  }
0x1: {  	(tag) =	ssettag $0x0;
	lr =	simm.s32 $0x1  }
0x2: {  	[smem:$0x3F91] =	sst lr;
	_ =	strace $0xD0000000  }
0x3: {  	_ = 	snop  }
0x4: {  	_ = 	snop  }
0x5: {  	_ = 	snop  }
0x6: {  	_ = 	snop  }
0x7: {  	_ = 	snop  }
__scs_overlays_trampoline_lowered:
0x8: {  	[smem:$0x3FA0] =	sst s0  }
0x9: {  	[smem:$0x3FA1] =	sst s1  }
0xa: {  	[smem:$0x3FA2] =	sst s2  }
0xb: {  	[smem:$0x3FA3] =	sst s3  }
0xc: {  	[smem:$0x3FA4] =	sst s4  }
0xd: {  	[smem:$0x3FA5] =	sst s5  }
0xe: {  	[smem:$0x3FA6] =	sst s6  }
0xf: {  	[smem:$0x3FA7] =	sst s7  }
0x10: {  	[smem:$0x3FA8] =	sst s8  }
0x11: {  	[smem:$0x3FA9] =	sst s9;
	s0 =	simm.s32 @!p0 $0x0  }
0x12: {  	s1 =	sld [smem:$0x3F8F];
	s0 =	simm.s32 @p0 $0x1  }
0x13: {  	[smem:$0x3FAA] =	sst s0;
	s0 =	simm.s32 @!p1 $0x0  }
0x14: {  	s2 =	sld [smem:$0x3F8E];
	s0 =	simm.s32 @p1 $0x1  }
0x15: {  	[smem:$0x3FAB] =	sst s0;
	s0 =	simm.s32 @!p2 $0x0  }
0x16: {  	s3 =	sld [smem:$0x3FDB];
	s0 =	simm.s32 @p2 $0x1  }
0x17: {  	s4 =	simm.s32 $0x1BF5;
	[smem:$0x3FAD] =	sst s0  }
0x18: {  	s0 =	sld [smem:$0x3F90];
	_ =	swait.ge [sflag:s4], $0x0  }
0x19: {  	s7 =	sld [smem:$0x3F91]  }
0x1a: {  	s8 =	sadd.s32 $0xFFFFE003, lr  }
0x1b: {  	s9 =	sadd.s32 $0xFFFFFEF7, lr;
	s5 =	simm.s32 $0xFFFFFFFF;
	p2 =	slt.u32 s8, $0xFFFFF086  }
0x1c: {  	p1 =	slt.u32 s9, $0xF7A;
	s5 =	simm.s32 @!p2 $0x0  }
0x1d: {  	s5 =	simm.s32 @p1 $0x1;
	p0 =	seq.s32 s7, s2  }
0x1e: {  	s7 =	smul.u32 @!p0 $0xF7A, s2;
	p2 =	seq.s32 @!p0 s5, $0x0  }
0x1f: {  	s9 =	smul.u32 $0xF7A, s1;
	s8 =	simm.s32 @!p0 $0x1BF5;
	p2 =	por !p2, p0  }
0x20: {  	[sflag:s8] =	ssyncset.s32 @!p0 $0xFFFFF086;
	s6 =	sadd.s32 @!p0 s3, s7;
	s7 =	simm.s32 @!p0 $0x108  }
0x21: {  	s3 =	sadd.s32 s3, s9;
	s6 =	sadd.s32 @!p0 $0x88, s6;
	s7 =	simm.s32 @p2 $0x1082  }
0x22: {  	[simem:s7], [sflag:s8] =	dma.local @!p0 [hbm:s6], $0xF7A  }
0x23: {  	s9 =	sor.u32 $0xD0000000, s2;
	s6 =	simm.s32 $0x108;
	_ =	swait.ge @!p0 [sflag:s8], $0x0  }
0x24: {  	s3 =	sadd.s32 $0x88, s3;
	s6 =	simm.s32 @!p1 $0x1082;
	[sflag:s4] =	ssyncset.s32 $0xFFFFF086  }
0x25: {  	[simem:s6], [sflag:s4] =	dma.local [hbm:s3], $0xF7A  }
0x26: {  	[smem:$0x3F91] =	sst s1;
	(tag) =	ssettag s2;
	_ =	strace s9  }
0x27: {  	s1 =	sld [smem:$0x3FA1]  }
0x28: {  	s2 =	sld [smem:$0x3FA2]  }
0x29: {  	s4 =	sld [smem:$0x3FA4]  }
0x2a: {  	p0 =	seq.s32 s5, $0x0;
	s5 =	sld [smem:$0x3FA5]  }
0x2b: {  	s6 =	sld [smem:$0x3FA6]  }
0x2c: {  	s7 =	sld [smem:$0x3FA7]  }
0x2d: {  	s3 =	simm.s32 $0x108;
	s8 =	sld [smem:$0x3FA8]  }
0x2e: {  	s3 =	simm.s32 @!p0 $0x1082;
	s9 =	sld [smem:$0x3FA9]  }
0x2f: {  	lr =	sadd.s32 s0, s3;
	s0 =	sld [smem:$0x3FA0]  }
0x30: {  	s3 =	sld [smem:$0x3FA3]  }
0x31: {  	[smem:$0x3FAC] =	sst s10  }
0x32: {  	s10 =	sld [smem:$0x3FAA];
	_ =	sdelay $0x3  }
0x33: {  	p0 =	seq.s32 s10, $0x1;
	s10 =	sld [smem:$0x3FAC];
	_ =	sdelay $0x3  }
0x34: {  	[smem:$0x3FAC] =	sst s10  }
0x35: {  	s10 =	sld [smem:$0x3FAB];
	_ =	sdelay $0x3  }
0x36: {  	p1 =	seq.s32 s10, $0x1;
	s10 =	sld [smem:$0x3FAC];
	_ =	sdelay $0x3  }
0x37: {  	[smem:$0x3FAC] =	sst s10  }
0x38: {  	s10 =	sld [smem:$0x3FAD]  }
0x39: {  	_ = 	snop;
	(pc) =	sbr.ind lr, $3  }
0x3a: {  	_ = 	snop  }
0x3b: {  	_ = 	snop  }
0x3c: {  	p2 =	seq.s32 s10, $0x1;
	s10 =	sld [smem:$0x3FAC]  }
0x3d: {  	_ =	shalt  }
0x3e: {  	_ =	shalt  }
0x3f: {  	_ =	shalt  }
0x40: {  	_ =	shalt  }
0x41: {  	_ =	shalt  }
0x42: {  	_ =	shalt  }
0x43: {  	_ =	shalt  }
0x44: {  	_ =	shalt  }
0x45: {  	_ =	shalt  }
0x46: {  	_ =	shalt  }
0x47: {  	_ =	shalt  }
0x48: {  	_ =	shalt  }
0x49: {  	_ =	shalt  }
0x4a: {  	_ =	shalt  }
0x4b: {  	_ =	shalt  }
0x4c: {  	_ =	shalt  }
0x4d: {  	_ =	shalt  }
0x4e: {  	_ =	shalt  }
0x4f: {  	_ =	shalt  }
0x50: {  	_ =	shalt  }
0x51: {  	_ =	shalt  }
0x52: {  	_ =	shalt  }
0x53: {  	_ =	shalt  }
0x54: {  	_ =	shalt  }
0x55: {  	_ =	shalt  }
0x56: {  	_ =	shalt  }
0x57: {  	_ =	shalt  }
0x58: {  	_ =	shalt  }
0x59: {  	_ =	shalt  }
0x5a: {  	_ =	shalt  }
0x5b: {  	_ =	shalt  }
0x5c: {  	_ =	shalt  }
0x5d: {  	_ =	shalt  }
0x5e: {  	_ =	shalt  }
0x5f: {  	_ =	shalt  }
0x60: {  	_ =	shalt  }
0x61: {  	_ =	shalt  }
0x62: {  	_ =	shalt  }
0x63: {  	_ =	shalt  }
0x64: {  	_ =	shalt  }
0x65: {  	_ =	shalt  }
0x66: {  	_ =	shalt  }
0x67: {  	_ =	shalt  }
0x68: {  	_ =	shalt  }
0x69: {  	_ =	shalt  }
0x6a: {  	_ =	shalt  }
0x6b: {  	_ =	shalt  }
0x6c: {  	_ =	shalt  }
0x6d: {  	_ =	shalt  }
0x6e: {  	_ =	shalt  }
0x6f: {  	_ =	shalt  }
0x70: {  	_ =	shalt  }
0x71: {  	_ =	shalt  }
0x72: {  	_ =	shalt  }
0x73: {  	_ =	shalt  }
0x74: {  	_ =	shalt  }
0x75: {  	_ =	shalt  }
0x76: {  	_ =	shalt  }
0x77: {  	_ =	shalt  }
0x78: {  	_ =	shalt  }
0x79: {  	_ =	shalt  }
0x7a: {  	_ =	shalt  }
0x7b: {  	_ =	shalt  }
0x7c: {  	_ =	shalt  }
0x7d: {  	_ =	shalt  }
0x7e: {  	_ =	shalt  }
0x7f: {  	_ =	shalt  }
0x80: {  	_ =	shalt  }
0x81: {  	_ =	shalt  }
0x82: {  	_ =	shalt  }
0x83: {  	_ =	shalt  }
0x84: {  	_ =	shalt  }
0x85: {  	_ =	shalt  }
0x86: {  	_ =	shalt  }
0x87: {  	_ =	shalt  }
.Lfunc_end0:
.L_simem_size_0:
called_computation.2_lowered:
.L_overlay_start_0:
0x88: {  	s2 =	sld [smem:$0x3FD9]  }
0x89: {  	s3 =	sld [smem:$0x3FFE];
	_ =	sdelay $0x1  }
0x8a: {  	s1 =	srdreg.scid  }
0x8b: {  	s0 =	sand.u32 $0x1, s1  }
0x8c: {  	s16 =	sshll.u32 s0, $0xA;
	s2 =	sadd.s32 s3, s2  }
0x8d: {  	s2 =	sadd.s32 s2, s16  }
0x8e: {  	[smem:$0x3FB8] =	sst s2  }
0x8f: {  	_ = 	snop  }
0x90: {  	(tm) =	ssettm $0x1  }
0x91: {  	s17 =	sld [smem:$0x3FFB];
	_ =	sdelay $0x3  }
0x92: {  	_ =	strace s17  }
0x93: {  	s2 =	sld [smem:$0x3FFC];
	_ =	sdelay $0x3  }
0x94: {  	_ =	strace s2  }
0x95: {  	s2 =	sld [smem:$0x3FFD];
	_ =	sdelay $0x3  }
0x96: {  	_ =	strace s2  }
0x97: {  	_ =	strace $0x8FFFFFFF  }
0x98: {  	s18 =	sld [smem:$0x3FDB];
	_ =	sdelay $0x1  }
0x99: {  	s19 =	simm.s32 $_scs_section_size  }
0x9a: {  	s4 =	simm.s32 $_size__tile_overlayer_lowered;
	s5 =	simm.s32 $_tile_overlayer_lowered  }
0x9b: {  	s22 =	simm.s32 $0x1BFF;
	s21 =	sshll.u32 s5, $0x1;
	s2 =	sadd.s32 s19, s18  }
0x9c: {  	s6 =	simm.s32 $0x0;
	s20 =	sshll.u32 s4, $0x1;
	s4 =	sadd.s32 s21, s2  }
0x9d: {  	[timem:s6], [sflag:s22] =	dma.local [hbm:s4], s20  }
0x9e: {  	_ =	swait.ge [sflag:s22], s20  }
0x9f: {  	s3 =	ssub.s32 $0x0, s20;
	[sflag:s22] =	ssyncset.done $0x0  }
0xa0: {  	[sflag:s22] =	ssyncadd.s32 s3;
	_ =	sdelay $0x1  }
0xa1: {  	s23 =	simm.s32 $0x1B8B  }
0xa2: {  	_ =	swait.ge [sflag:s23], $0x1  }
0xa3: {  	[sflag:s23] =	ssyncset.done $0x0  }
0xa4: {  	s25 =	simm.s32 $0x1B8E;
	s24 =	sld [smem:$0x3FFE];
	[sflag:s23] =	ssyncadd.s32 $0xFFFFFFFF  }
0xa5: {  	s26 =	simm.s32 $execute0_lowered;
	[smem:$0x3FD2] =	sst s25  }
0xa6: {  	s4 =	sshll.u32 s26, $0x1;
	_ =	strace $0x8000004C;
	[dreg:$0x1] =	wrdreg $0xFFFFFFFF  }
0xa7: {  	s28 =	simm.s32 $_size_execute0_lowered;
	s2 =	sadd.s32 s2, s4;
	[dreg:$0x0] =	wrdreg $0x0  }
0xa8: {  	s4 =	sshll.u32 s28, $0x1;
	[dreg:$0x2] =	wrdreg s2  }
0xa9: {  	[dreg:$0x3] =	wrdreg s4  }
0xaa: {  	[dreg:$0x4] =	wrdreg $0xC0  }
0xab: {  	_ =	task [dreg:s6], $0x5FFFF  }
0xac: {  	[dreg:$0x1] =	wrdreg $0xFFFFFFFF  }
0xad: {  	[dreg:$0x0] =	wrdreg $0x60  }
0xae: {  	[dreg:$0x2] =	wrdreg s24  }
0xaf: {  	[dreg:$0x3] =	wrdreg $0x41800  }
0xb0: {  	[dreg:$0x4] =	wrdreg $0x9  }
0xb1: {  	_ =	task.clear_ibuf [dreg:s6], $0x5FFFF;
	_ =	strace $0x9000004C  }
0xb2: {  	s29 =	simm.s32 $0x9;
	_ =	strace $0x8000004E  }
0xb3: {  	_ =	swait.ge [sflag:s29], $0x1  }
0xb4: {  	[sflag:s29] =	ssyncadd.s32 $0xFFFFFFFF  }
0xb5: {  	_ =	strace $0x9000004E  }
0xb6: {  	_ =	sfence  }
0xb7: {  	s30 =	sld [smem:$0x0];
	_ =	sdelay $0x2  }
0xb8: {  	s31 =	sshll.u32 s1, $0xD;
	s1 =	sshrl.u32 s1, $0x2  }
0xb9: {  	s3 =	sand.u32 $0x4000, s31;
	s1 =	sadd.s32 s1, s30  }
0xba: {  	s0 =	sor.u32 s3, s0;
	s1 =	sshll.u32 s1, $0x11  }
0xbb: {  	s0 =	sor.u32 s1, s0  }
0xbc: {  	s0 =	sadd.s32 $0x8F2B, s0  }
0xbd: {  	[sflag:s0] =	ssyncadd.remote.s32 $0x1  }
0xbe: {  	_ =	sfence.sel $0xFFFF  }
0xbf: {  	[dreg:$0x0] =	wrdreg $0xFFFFFFFF;
	(pc) =	sbr.abs _section_cstart, $3  }
0xc0: {  	[dreg:$0x1] =	wrdreg $0xFFFFFFFF  }
0xc1: {  	_ =	task.clear_ibuf [dreg:s6], $0x2FFFF;
	_ =	strace $0x9FFFFFFF  }
0xc2: {  	(tm) =	ssettm $0x7FFFFFFF  }
0xc3: {  	_ =	shalt  }
tec
execute0_lowered:
.L_overlay_start_1:
0x0: {  	(tag) =	ssettag $0x1  }
0x1: {  	s5 =	rddreg [dreg:$0x0]  }
0x2: {  	s2 =	rddreg [dreg:$0x1]  }
0x3: {  	s0 =	rddreg [dreg:$0x2]  }
0x4: {  	s1 =	stileid.u32;
	s4 =	srdreg.scid;
	s3 =	simm.s32 $0x0  }
0x5: {  	s14 =	simm.s32 $0x2;
	s16 =	simm.s32 $0x80;
	s17 =	simm.s32 $0x100  }
0x6: {  	s19 =	simm.s32 $0x1;
	s20 =	simm.s32 $0x0;
	s6 =	smul.u32 $0x4F0, s1  }
0x7: {  	s7 =	sand.u32 $0x1, s4;
	[smem:$0x7FF] =	sst s3;
	s8 =	smul.u32 $0x4E000, s1  }
0x8: {  	s4 =	sadd.s32 $0x10000, s5;
	s10 =	smul.u32 $0x270, s1;
	s11 =	sadd.s32 $0x5E200, s5  }
0x9: {  	s30 =	sshll.u32 s1, $0x6;
	s15 =	sadd.s32 $0x138000, s2;
	p0 =	sne.s32 s1, $0xF  }
0xa: {  	s18 =	smul.u32 $0x2710, s7;
	_ =	strace $0x8000004D;
	s9 =	ssub.s32 $0x2, s7  }
0xb: {  	s7 =	smul.u32 $0x138800, s7;
	s15 =	sshrl.u32 @!p0 s15, $0x3;
	s12 =	sadd.s32 s6, s5  }
0xc: {  	s25 =	sshrl.u32 s9, $0x1;
	s26 =	sshrl.u32 s8, $0x2;
	s6 =	sor.u32 $0x1C02, s30  }
0xd: {  	s28 =	sadd.s32 s10, s18;
	s29 =	ssub.s32 s9, s25;
	s13 =	sadd.s32 s26, s2  }
0xe: {  	s7 =	sshrl.u32 s7, $0x3;
	v0 =	vmov s18;
	s18 =	simm.s32 $0x180;
	s8 =	sshll.u32 s28, $0x4  }
0xf: {  	s31 =	sadd.s32 $0x27000, s7;
	s10 =	smax.u32 s29, $0x1;
	s13 =	sshrl.u32 s13, $0x3  }
0x10: {  	s5 =	sadd.s32 s4, s8;
	s7 =	sadd.s32 s4, s31;
	s8 =	sadd.s32 s11, s8  }
0x11: {  	s9 =	sadd.s32 s11, s31;
	s11 =	sadd.s32 $0x6000, s12;
	s12 =	sadd.s32 $0xB000, s12  }
.LBB2_1:
0x12: {  	[spmem:s13], [sflag:s6] =	dma.local [hbm:s5], $0x2700  }
0x13: {  	_ =	swait.ge [sflag:s14], $0x2700  }
0x14: {  	[sflag:s14] =	ssyncset.done $0x0  }
0x15: {  	s21 =	simm.s32 @!p0 $0x2;
	[sflag:s14] =	ssyncadd.s32 $0xFFFFD900  }
0x16: {  	[spmem:s15], [sflag:s6] =	dma.local @!p0 [hbm:s7], $0x100  }
0x17: {  	_ =	swait.ge @!p0 [sflag:s21], $0x100  }
0x18: {  	[sflag:s21] =	ssyncset.done @!p0 $0x0  }
0x19: {  	[sflag:s21] =	ssyncadd.s32 @!p0 $0xFFFFFF00  }
0x1a: {  	s30 =	sadd.s32 $0x0, s12;
	[bflag:$0x0] =	sbarrier.arrive $0xFFFF  }
0x1b: {  	[tilespmem:s3], [sflag:$0x2] =	stream.linear.gather [hbm4b:s30+s3], $0x80, $0x38;
	[tilespmem:$0x17A40] =	vst v63  }
0x1c: {  	_ =	swait.ge [sflag:s14], $0x80  }
0x1d: {  	[sflag:s14] =	ssyncset.done $0x0  }
0x1e: {  	s31 =	sadd.s32 $0x0, s11;
	[sflag:s14] =	ssyncadd.s32 $0xFFFFFF80  }
0x1f: {  	[tilespmem:s16], [sflag:$0x2] =	stream.linear.gather [hbm4b:s31+s3], $0x80, $0x38;
	[tilespmem:$0x17A40] =	vst v63  }
0x20: {  	_ =	swait.ge [sflag:s14], $0x80  }
0x21: {  	[sflag:s14] =	ssyncset.done $0x0  }
0x22: {  	[sflag:s14] =	ssyncadd.s32 $0xFFFFFF80  }
0x23: {  	v1 =	vld [tilespmem:$0x70]  }
0x24: {  	v2 =	vld [tilespmem:$0x30]  }
0x25: {  	v3 =	vld [tilespmem:$0x50]  }
0x26: {  	v5 =	vld [tilespmem:$0x20]  }
0x27: {  	v4 =	vld [tilespmem:$0x60]  }
0x28: {  	v6 =	vld [tilespmem:$0x10];
	v1 =	vadd.s32 v0, v1  }
0x29: {  	v7 =	vld [tilespmem:$0x40];
	v2 =	vadd.s32 v0, v2;
	[tilespmem:$0x170] =	vst v1  }
0x2a: {  	v1 =	vld [tilespmem:$0x0];
	[tilespmem:$0x130] =	vst v2;
	v2 =	vadd.s32 v0, v3  }
0x2b: {  	v3 =	vadd.s32 v0, v5;
	[tilespmem:$0x150] =	vst v2  }
0x2c: {  	v2 =	vadd.s32 v0, v4;
	[tilespmem:$0x120] =	vst v3  }
0x2d: {  	[tilespmem:$0x160] =	vst v2;
	v2 =	vadd.s32 v0, v6  }
0x2e: {  	[tilespmem:$0x110] =	vst v2;
	v2 =	vadd.s32 v0, v7  }
0x2f: {  	[tilespmem:$0x140] =	vst v2;
	v1 =	vadd.s32 v0, v1  }
0x30: {  	s21 =	simm.s32 $0x10;
	[tilespmem:$0x100] =	vst v1  }
.LBB2_2:
0x31: {  	[tilespmem:s18], [sflag:$0x1] =	stream.indirect.gather [hbm4b:s4+s16], $0x80, s17, s16, $0xb8;
	[tilespmem:$0x17A40] =	vst v63  }
0x32: {  	s22 =	smov.u32 s21  }
0x33: {  	p1 =	sne.s32 s21, $0x4E0;
	s21 =	sadd.s32 $0x10, s21;
	_ =	swait.ge [sflag:s19], $0x4000  }
0x34: {  	[sflag:s19] =	ssyncset.done $0x0  }
0x35: {  	[sflag:s19] =	ssyncadd.s32 $0xFFFFC000  }
0x36: {  	[spmem:s2] =	stream.indirect.scatter.add.f32 [tilespmem:s18], [sflag:$0x2], $0x80, s16, s16, $0xb8;
	[tilespmem:$0x17A40] =	vst v63  }
0x37: {  	_ =	swait.ge [sflag:s14], $0x4000  }
0x38: {  	[sflag:s14] =	ssyncset.done $0x0  }
0x39: {  	s23 =	sadd.s32 s22, s12;
	[sflag:s14] =	ssyncadd.s32 $0xFFFFC000  }
0x3a: {  	[tilespmem:s3], [sflag:$0x2] =	stream.linear.gather [hbm4b:s23+s3], $0x80, $0x38;
	[tilespmem:$0x17A40] =	vst v63  }
0x3b: {  	_ =	swait.ge [sflag:s14], $0x80  }
0x3c: {  	[sflag:s14] =	ssyncset.done $0x0  }
0x3d: {  	s22 =	sadd.s32 s22, s11;
	[sflag:s14] =	ssyncadd.s32 $0xFFFFFF80  }
0x3e: {  	[tilespmem:s16], [sflag:$0x2] =	stream.linear.gather [hbm4b:s22+s3], $0x80, $0x38;
	[tilespmem:$0x17A40] =	vst v63  }
0x3f: {  	_ =	swait.ge [sflag:s14], $0x80  }
0x40: {  	[sflag:s14] =	ssyncset.done $0x0  }
0x41: {  	[sflag:s14] =	ssyncadd.s32 $0xFFFFFF80  }
0x42: {  	v1 =	vld [tilespmem:$0x70]  }
0x43: {  	v2 =	vld [tilespmem:$0x30]  }
0x44: {  	v3 =	vld [tilespmem:$0x50]  }
0x45: {  	v4 =	vld [tilespmem:$0x60]  }
0x46: {  	v5 =	vld [tilespmem:$0x20]  }
0x47: {  	v6 =	vld [tilespmem:$0x10];
	v1 =	vadd.s32 v0, v1  }
0x48: {  	v2 =	vadd.s32 v0, v2;
	v7 =	vld [tilespmem:$0x40];
	[tilespmem:$0x170] =	vst v1  }
0x49: {  	v1 =	vld [tilespmem:$0x0];
	[tilespmem:$0x130] =	vst v2;
	v2 =	vadd.s32 v0, v3  }
0x4a: {  	[tilespmem:$0x150] =	vst v2;
	v2 =	vadd.s32 v0, v4  }
.Ltmp0:
0x4b: {  	v3 =	vadd.s32 v0, v5;
	[tilespmem:$0x160] =	vst v2;
	(pc) =	sbr.rel @p1 .LBB2_2-.Ltmp0, $4  }
0x4c: {  	v2 =	vadd.s32 v0, v6;
	[tilespmem:$0x120] =	vst v3  }
0x4d: {  	[tilespmem:$0x110] =	vst v2;
	v2 =	vadd.s32 v0, v7  }
0x4e: {  	v1 =	vadd.s32 v0, v1;
	[tilespmem:$0x140] =	vst v2  }
0x4f: {  	[tilespmem:$0x100] =	vst v1  }
0x50: {  	[tilespmem:s18], [sflag:$0x1] =	stream.indirect.gather [hbm4b:s4+s16], $0x80, s17, s16, $0xb8;
	[tilespmem:$0x17A40] =	vst v63  }
0x51: {  	_ =	swait.ge [sflag:s19], $0x4000  }
0x52: {  	[sflag:s19] =	ssyncset.done $0x0  }
0x53: {  	[sflag:s19] =	ssyncadd.s32 $0xFFFFC000  }
0x54: {  	[spmem:s2] =	stream.indirect.scatter.add.f32 [tilespmem:s18], [sflag:$0x2], $0x80, s16, s16, $0xb8;
	[tilespmem:$0x17A40] =	vst v63  }
0x55: {  	_ =	swait.ge [sflag:s14], $0x4000  }
0x56: {  	[sflag:s14] =	ssyncset.done $0x0  }
0x57: {  	[sflag:s14] =	ssyncadd.s32 $0xFFFFC000  }
0x58: {  	[bflag:$0x0] =	sbarrier.arrive $0xFFFF  }
0x59: {  	[hbm:s8], [sflag:s6] =	dma.local [spmem:s13], $0x2700  }
0x5a: {  	s20 =	sadd.s32 $0x1, s20;
	_ =	swait.ge [sflag:s14], $0x2700  }
0x5b: {  	p1 =	sne.s32 s20, s10;
	[sflag:s14] =	ssyncset.done $0x0  }
.Ltmp1:
0x5c: {  	s21 =	simm.s32 @!p0 $0x2;
	[sflag:s14] =	ssyncadd.s32 $0xFFFFD900;
	(pc) =	sbr.rel @p1 .LBB2_1-.Ltmp1, $4  }
0x5d: {  	[hbm:s9], [sflag:s6] =	dma.local @!p0 [spmem:s15], $0x100  }
0x5e: {  	_ =	swait.ge @!p0 [sflag:s21], $0x100  }
0x5f: {  	[sflag:s21] =	ssyncset.done @!p0 $0x0  }
0x60: {  	[sflag:s21] =	ssyncadd.s32 @!p0 $0xFFFFFF00  }
0x61: {  	_ =	sfence.sel $0x180000  }
0x62: {  	[bflag:$0x0] =	sbarrier.arrive $0xFFFF  }
0x63: {  	p0 =	sne.s32 s1, $0x0;
	_ =	strace $0x9000004D  }
0x64: {  	s0 =	sadd.s32 @!p0 $0x100000, s0;
	[bflag:$0x2] =	sbarrier.arrive $0xFFFF  }
0x65: {  	[sflag:s0] =	ssyncadd.tile.s32 @!p0 $0x1;
	_ =	shalt  }
.Lfunc_end2:
_tile_overlayer_lowered:
.L_overlay_start_2:
0x66: {  	(tag) =	ssettag $0x2  }
0x67: {  	s0 =	rddreg [dreg:$0x0];
	s2 =	stileid.u32  }
0x68: {  	s1 =	rddreg [dreg:$0x1];
	p0 =	sne.s32 s2, $0x0  }
0x69: {  	s3 =	rddreg [dreg:$0x2];
	[bflag:$0x3] =	sbarrier.arrive $0xFFFF;
	s2 =	simm.s32 @!p0 $0x1C02  }
0x6a: {  	[timem:s3], [sflag:s2] =	dma.local @!p0 [hbm:s0], s1  }
0x6b: {  	s0 =	simm.s32 @!p0 $0x2  }
0x6c: {  	_ =	swait.ge @!p0 [sflag:s0], s1  }
0x6d: {  	s1 =	ssub.s32 @!p0 $0x0, s1;
	[sflag:s0] =	ssyncset.done @!p0 $0x0  }
0x6e: {  	[sflag:s0] =	ssyncadd.s32 @!p0 s1  }
0x6f: {  	[bflag:$0x3] =	sbarrier.arrive $0xFFFF  }
0x70: {  	_ =	shalt  }

// kernel: kernel.17.cloned.1.call-start
scs
__scs_entry_jumppad:
0x0: {  	(pc) =	sbr.rel $0x88, $3  }
0x1: {  	(tag) =	ssettag $0x0;
	lr =	simm.s32 $0x1  }
0x2: {  	[smem:$0x3F91] =	sst lr;
	_ =	strace $0xD0000000  }
0x3: {  	_ = 	snop  }
0x4: {  	_ = 	snop  }
0x5: {  	_ = 	snop  }
0x6: {  	_ = 	snop  }
0x7: {  	_ = 	snop  }
__scs_overlays_trampoline_lowered:
0x8: {  	[smem:$0x3FA0] =	sst s0  }
0x9: {  	[smem:$0x3FA1] =	sst s1  }
0xa: {  	[smem:$0x3FA2] =	sst s2  }
0xb: {  	[smem:$0x3FA3] =	sst s3  }
0xc: {  	[smem:$0x3FA4] =	sst s4  }
0xd: {  	[smem:$0x3FA5] =	sst s5  }
0xe: {  	[smem:$0x3FA6] =	sst s6  }
0xf: {  	[smem:$0x3FA7] =	sst s7  }
0x10: {  	[smem:$0x3FA8] =	sst s8  }
0x11: {  	[smem:$0x3FA9] =	sst s9;
	s0 =	simm.s32 @!p0 $0x0  }
0x12: {  	s1 =	sld [smem:$0x3F8F];
	s0 =	simm.s32 @p0 $0x1  }
0x13: {  	[smem:$0x3FAA] =	sst s0;
	s0 =	simm.s32 @!p1 $0x0  }
0x14: {  	s2 =	sld [smem:$0x3F8E];
	s0 =	simm.s32 @p1 $0x1  }
0x15: {  	[smem:$0x3FAB] =	sst s0;
	s0 =	simm.s32 @!p2 $0x0  }
0x16: {  	s3 =	sld [smem:$0x3FDB];
	s0 =	simm.s32 @p2 $0x1  }
0x17: {  	s4 =	simm.s32 $0x1BF5;
	[smem:$0x3FAD] =	sst s0  }
0x18: {  	s0 =	sld [smem:$0x3F90];
	_ =	swait.ge [sflag:s4], $0x0  }
0x19: {  	s7 =	sld [smem:$0x3F91]  }
0x1a: {  	s8 =	sadd.s32 $0xFFFFE003, lr  }
0x1b: {  	s9 =	sadd.s32 $0xFFFFFEF7, lr;
	s5 =	simm.s32 $0xFFFFFFFF;
	p2 =	slt.u32 s8, $0xFFFFF086  }
0x1c: {  	p1 =	slt.u32 s9, $0xF7A;
	s5 =	simm.s32 @!p2 $0x0  }
0x1d: {  	s5 =	simm.s32 @p1 $0x1;
	p0 =	seq.s32 s7, s2  }
0x1e: {  	s7 =	smul.u32 @!p0 $0xF7A, s2;
	p2 =	seq.s32 @!p0 s5, $0x0  }
0x1f: {  	s9 =	smul.u32 $0xF7A, s1;
	s8 =	simm.s32 @!p0 $0x1BF5;
	p2 =	por !p2, p0  }
0x20: {  	[sflag:s8] =	ssyncset.s32 @!p0 $0xFFFFF086;
	s6 =	sadd.s32 @!p0 s3, s7;
	s7 =	simm.s32 @!p0 $0x108  }
0x21: {  	s3 =	sadd.s32 s3, s9;
	s6 =	sadd.s32 @!p0 $0x88, s6;
	s7 =	simm.s32 @p2 $0x1082  }
0x22: {  	[simem:s7], [sflag:s8] =	dma.local @!p0 [hbm:s6], $0xF7A  }
0x23: {  	s9 =	sor.u32 $0xD0000000, s2;
	s6 =	simm.s32 $0x108;
	_ =	swait.ge @!p0 [sflag:s8], $0x0  }
0x24: {  	s3 =	sadd.s32 $0x88, s3;
	s6 =	simm.s32 @!p1 $0x1082;
	[sflag:s4] =	ssyncset.s32 $0xFFFFF086  }
0x25: {  	[simem:s6], [sflag:s4] =	dma.local [hbm:s3], $0xF7A  }
0x26: {  	[smem:$0x3F91] =	sst s1;
	(tag) =	ssettag s2;
	_ =	strace s9  }
0x27: {  	s1 =	sld [smem:$0x3FA1]  }
0x28: {  	s2 =	sld [smem:$0x3FA2]  }
0x29: {  	s4 =	sld [smem:$0x3FA4]  }
0x2a: {  	p0 =	seq.s32 s5, $0x0;
	s5 =	sld [smem:$0x3FA5]  }
0x2b: {  	s6 =	sld [smem:$0x3FA6]  }
0x2c: {  	s7 =	sld [smem:$0x3FA7]  }
0x2d: {  	s3 =	simm.s32 $0x108;
	s8 =	sld [smem:$0x3FA8]  }
0x2e: {  	s3 =	simm.s32 @!p0 $0x1082;
	s9 =	sld [smem:$0x3FA9]  }
0x2f: {  	lr =	sadd.s32 s0, s3;
	s0 =	sld [smem:$0x3FA0]  }
0x30: {  	s3 =	sld [smem:$0x3FA3]  }
0x31: {  	[smem:$0x3FAC] =	sst s10  }
0x32: {  	s10 =	sld [smem:$0x3FAA];
	_ =	sdelay $0x3  }
0x33: {  	p0 =	seq.s32 s10, $0x1;
	s10 =	sld [smem:$0x3FAC];
	_ =	sdelay $0x3  }
0x34: {  	[smem:$0x3FAC] =	sst s10  }
0x35: {  	s10 =	sld [smem:$0x3FAB];
	_ =	sdelay $0x3  }
0x36: {  	p1 =	seq.s32 s10, $0x1;
	s10 =	sld [smem:$0x3FAC];
	_ =	sdelay $0x3  }
0x37: {  	[smem:$0x3FAC] =	sst s10  }
0x38: {  	s10 =	sld [smem:$0x3FAD]  }
0x39: {  	_ = 	snop;
	(pc) =	sbr.ind lr, $3  }
0x3a: {  	_ = 	snop  }
0x3b: {  	_ = 	snop  }
0x3c: {  	p2 =	seq.s32 s10, $0x1;
	s10 =	sld [smem:$0x3FAC]  }
0x3d: {  	_ =	shalt  }
0x3e: {  	_ =	shalt  }
0x3f: {  	_ =	shalt  }
0x40: {  	_ =	shalt  }
0x41: {  	_ =	shalt  }
0x42: {  	_ =	shalt  }
0x43: {  	_ =	shalt  }
0x44: {  	_ =	shalt  }
0x45: {  	_ =	shalt  }
0x46: {  	_ =	shalt  }
0x47: {  	_ =	shalt  }
0x48: {  	_ =	shalt  }
0x49: {  	_ =	shalt  }
0x4a: {  	_ =	shalt  }
0x4b: {  	_ =	shalt  }
0x4c: {  	_ =	shalt  }
0x4d: {  	_ =	shalt  }
0x4e: {  	_ =	shalt  }
0x4f: {  	_ =	shalt  }
0x50: {  	_ =	shalt  }
0x51: {  	_ =	shalt  }
0x52: {  	_ =	shalt  }
0x53: {  	_ =	shalt  }
0x54: {  	_ =	shalt  }
0x55: {  	_ =	shalt  }
0x56: {  	_ =	shalt  }
0x57: {  	_ =	shalt  }
0x58: {  	_ =	shalt  }
0x59: {  	_ =	shalt  }
0x5a: {  	_ =	shalt  }
0x5b: {  	_ =	shalt  }
0x5c: {  	_ =	shalt  }
0x5d: {  	_ =	shalt  }
0x5e: {  	_ =	shalt  }
0x5f: {  	_ =	shalt  }
0x60: {  	_ =	shalt  }
0x61: {  	_ =	shalt  }
0x62: {  	_ =	shalt  }
0x63: {  	_ =	shalt  }
0x64: {  	_ =	shalt  }
0x65: {  	_ =	shalt  }
0x66: {  	_ =	shalt  }
0x67: {  	_ =	shalt  }
0x68: {  	_ =	shalt  }
0x69: {  	_ =	shalt  }
0x6a: {  	_ =	shalt  }
0x6b: {  	_ =	shalt  }
0x6c: {  	_ =	shalt  }
0x6d: {  	_ =	shalt  }
0x6e: {  	_ =	shalt  }
0x6f: {  	_ =	shalt  }
0x70: {  	_ =	shalt  }
0x71: {  	_ =	shalt  }
0x72: {  	_ =	shalt  }
0x73: {  	_ =	shalt  }
0x74: {  	_ =	shalt  }
0x75: {  	_ =	shalt  }
0x76: {  	_ =	shalt  }
0x77: {  	_ =	shalt  }
0x78: {  	_ =	shalt  }
0x79: {  	_ =	shalt  }
0x7a: {  	_ =	shalt  }
0x7b: {  	_ =	shalt  }
0x7c: {  	_ =	shalt  }
0x7d: {  	_ =	shalt  }
0x7e: {  	_ =	shalt  }
0x7f: {  	_ =	shalt  }
0x80: {  	_ =	shalt  }
0x81: {  	_ =	shalt  }
0x82: {  	_ =	shalt  }
0x83: {  	_ =	shalt  }
0x84: {  	_ =	shalt  }
0x85: {  	_ =	shalt  }
0x86: {  	_ =	shalt  }
0x87: {  	_ =	shalt  }
.Lfunc_end0:
.L_simem_size_0:
called_computation.3_lowered:
.L_overlay_start_0:
0x88: {  	s2 =	sld [smem:$0x3FD9]  }
0x89: {  	s3 =	sld [smem:$0x3FFE];
	_ =	sdelay $0x1  }
0x8a: {  	s1 =	srdreg.scid  }
0x8b: {  	s0 =	sand.u32 $0x1, s1  }
0x8c: {  	s16 =	sshll.u32 s0, $0xA;
	s2 =	sadd.s32 s3, s2  }
0x8d: {  	s2 =	sadd.s32 s2, s16  }
0x8e: {  	[smem:$0x3FB8] =	sst s2  }
0x8f: {  	_ = 	snop  }
0x90: {  	(tm) =	ssettm $0x1  }
0x91: {  	s17 =	sld [smem:$0x3FFB];
	_ =	sdelay $0x3  }
0x92: {  	_ =	strace s17  }
0x93: {  	s2 =	sld [smem:$0x3FFC];
	_ =	sdelay $0x3  }
0x94: {  	_ =	strace s2  }
0x95: {  	s2 =	sld [smem:$0x3FFD];
	_ =	sdelay $0x3  }
0x96: {  	_ =	strace s2  }
0x97: {  	_ =	strace $0x8FFFFFFF  }
0x98: {  	s18 =	sld [smem:$0x3FDB];
	_ =	sdelay $0x1  }
0x99: {  	s19 =	simm.s32 $_scs_section_size  }
0x9a: {  	s4 =	simm.s32 $_size__tile_overlayer_lowered;
	s5 =	simm.s32 $_tile_overlayer_lowered  }
0x9b: {  	s22 =	simm.s32 $0x1BFF;
	s21 =	sshll.u32 s5, $0x1;
	s2 =	sadd.s32 s19, s18  }
0x9c: {  	s6 =	simm.s32 $0x0;
	s20 =	sshll.u32 s4, $0x1;
	s4 =	sadd.s32 s21, s2  }
0x9d: {  	[timem:s6], [sflag:s22] =	dma.local [hbm:s4], s20  }
0x9e: {  	_ =	swait.ge [sflag:s22], s20  }
0x9f: {  	s3 =	ssub.s32 $0x0, s20;
	[sflag:s22] =	ssyncset.done $0x0  }
0xa0: {  	[sflag:s22] =	ssyncadd.s32 s3;
	_ =	sdelay $0x1  }
0xa1: {  	s23 =	simm.s32 $0x1B8B  }
0xa2: {  	_ =	swait.ge [sflag:s23], $0x1  }
0xa3: {  	[sflag:s23] =	ssyncset.done $0x0  }
0xa4: {  	s25 =	simm.s32 $0x1B8E;
	s24 =	sld [smem:$0x3FFE];
	[sflag:s23] =	ssyncadd.s32 $0xFFFFFFFF  }
0xa5: {  	s26 =	simm.s32 $execute0_lowered;
	[smem:$0x3FD2] =	sst s25  }
0xa6: {  	s4 =	sshll.u32 s26, $0x1;
	_ =	strace $0x8000004F;
	[dreg:$0x1] =	wrdreg $0xFFFFFFFF  }
0xa7: {  	s28 =	simm.s32 $_size_execute0_lowered;
	s2 =	sadd.s32 s2, s4;
	[dreg:$0x0] =	wrdreg $0x0  }
0xa8: {  	s4 =	sshll.u32 s28, $0x1;
	[dreg:$0x2] =	wrdreg s2  }
0xa9: {  	[dreg:$0x3] =	wrdreg s4  }
0xaa: {  	[dreg:$0x4] =	wrdreg $0xC0  }
0xab: {  	_ =	task [dreg:s6], $0x5FFFF  }
0xac: {  	[dreg:$0x1] =	wrdreg $0xFFFFFFFF  }
0xad: {  	[dreg:$0x0] =	wrdreg $0x60  }
0xae: {  	[dreg:$0x2] =	wrdreg s24  }
0xaf: {  	[dreg:$0x3] =	wrdreg $0x41800  }
0xb0: {  	[dreg:$0x4] =	wrdreg $0x9  }
0xb1: {  	_ =	task.clear_ibuf [dreg:s6], $0x5FFFF;
	_ =	strace $0x9000004F  }
0xb2: {  	s29 =	simm.s32 $0x9;
	_ =	strace $0x80000051  }
0xb3: {  	_ =	swait.ge [sflag:s29], $0x1  }
0xb4: {  	[sflag:s29] =	ssyncadd.s32 $0xFFFFFFFF  }
0xb5: {  	_ =	strace $0x90000051  }
0xb6: {  	_ =	sfence  }
0xb7: {  	s30 =	sld [smem:$0x0];
	_ =	sdelay $0x2  }
0xb8: {  	s31 =	sshll.u32 s1, $0xD;
	s1 =	sshrl.u32 s1, $0x2  }
0xb9: {  	s3 =	sand.u32 $0x4000, s31;
	s1 =	sadd.s32 s1, s30  }
0xba: {  	s0 =	sor.u32 s3, s0;
	s1 =	sshll.u32 s1, $0x11  }
0xbb: {  	s0 =	sor.u32 s1, s0  }
0xbc: {  	s0 =	sadd.s32 $0x8F2B, s0  }
0xbd: {  	[sflag:s0] =	ssyncadd.remote.s32 $0x1  }
0xbe: {  	_ =	sfence.sel $0xFFFF  }
0xbf: {  	[dreg:$0x0] =	wrdreg $0xFFFFFFFF;
	(pc) =	sbr.abs _section_cstart, $3  }
0xc0: {  	[dreg:$0x1] =	wrdreg $0xFFFFFFFF  }
0xc1: {  	_ =	task.clear_ibuf [dreg:s6], $0x2FFFF;
	_ =	strace $0x9FFFFFFF  }
0xc2: {  	(tm) =	ssettm $0x7FFFFFFF  }
0xc3: {  	_ =	shalt  }
tec
execute0_lowered:
.L_overlay_start_1:
0x0: {  	(tag) =	ssettag $0x1  }
0x1: {  	s5 =	rddreg [dreg:$0x0]  }
0x2: {  	s2 =	rddreg [dreg:$0x1]  }
0x3: {  	s0 =	rddreg [dreg:$0x2]  }
0x4: {  	s1 =	stileid.u32;
	s4 =	srdreg.scid;
	s3 =	simm.s32 $0x0  }
0x5: {  	s14 =	simm.s32 $0x2;
	s16 =	simm.s32 $0x80;
	s17 =	simm.s32 $0x100  }
0x6: {  	s19 =	simm.s32 $0x1;
	s20 =	simm.s32 $0x0;
	s6 =	smul.u32 $0x4F0, s1  }
0x7: {  	s7 =	sand.u32 $0x1, s4;
	[smem:$0x7FF] =	sst s3;
	s8 =	smul.u32 $0x4E000, s1  }
0x8: {  	s4 =	sadd.s32 $0x5E200, s5;
	s10 =	smul.u32 $0x270, s1;
	s11 =	sadd.s32 $0xAC400, s5  }
0x9: {  	s30 =	sshll.u32 s1, $0x6;
	s15 =	sadd.s32 $0x138000, s2;
	p0 =	sne.s32 s1, $0xF  }
0xa: {  	s18 =	smul.u32 $0x2710, s7;
	_ =	strace $0x80000050;
	s9 =	ssub.s32 $0x2, s7  }
0xb: {  	s7 =	smul.u32 $0x138800, s7;
	s15 =	sshrl.u32 @!p0 s15, $0x3;
	s12 =	sadd.s32 s6, s5  }
0xc: {  	s25 =	sshrl.u32 s9, $0x1;
	s26 =	sshrl.u32 s8, $0x2;
	s6 =	sor.u32 $0x1C02, s30  }
0xd: {  	s28 =	sadd.s32 s10, s18;
	s29 =	ssub.s32 s9, s25;
	s13 =	sadd.s32 s26, s2  }
0xe: {  	s7 =	sshrl.u32 s7, $0x3;
	v0 =	vmov s18;
	s18 =	simm.s32 $0x180;
	s8 =	sshll.u32 s28, $0x4  }
0xf: {  	s31 =	sadd.s32 $0x27000, s7;
	s10 =	smax.u32 s29, $0x1;
	s13 =	sshrl.u32 s13, $0x3  }
0x10: {  	s5 =	sadd.s32 s4, s8;
	s7 =	sadd.s32 s4, s31;
	s8 =	sadd.s32 s11, s8  }
0x11: {  	s9 =	sadd.s32 s11, s31;
	s11 =	sadd.s32 $0x6000, s12;
	s12 =	sadd.s32 $0xB000, s12  }
.LBB2_1:
0x12: {  	[spmem:s13], [sflag:s6] =	dma.local [hbm:s5], $0x2700  }
0x13: {  	_ =	swait.ge [sflag:s14], $0x2700  }
0x14: {  	[sflag:s14] =	ssyncset.done $0x0  }
0x15: {  	s21 =	simm.s32 @!p0 $0x2;
	[sflag:s14] =	ssyncadd.s32 $0xFFFFD900  }
0x16: {  	[spmem:s15], [sflag:s6] =	dma.local @!p0 [hbm:s7], $0x100  }
0x17: {  	_ =	swait.ge @!p0 [sflag:s21], $0x100  }
0x18: {  	[sflag:s21] =	ssyncset.done @!p0 $0x0  }
0x19: {  	[sflag:s21] =	ssyncadd.s32 @!p0 $0xFFFFFF00  }
0x1a: {  	s30 =	sadd.s32 $0x0, s12;
	[bflag:$0x0] =	sbarrier.arrive $0xFFFF  }
0x1b: {  	[tilespmem:s3], [sflag:$0x2] =	stream.linear.gather [hbm4b:s30+s3], $0x80, $0x38;
	[tilespmem:$0x17A40] =	vst v63  }
0x1c: {  	_ =	swait.ge [sflag:s14], $0x80  }
0x1d: {  	[sflag:s14] =	ssyncset.done $0x0  }
0x1e: {  	s31 =	sadd.s32 $0x0, s11;
	[sflag:s14] =	ssyncadd.s32 $0xFFFFFF80  }
0x1f: {  	[tilespmem:s16], [sflag:$0x2] =	stream.linear.gather [hbm4b:s31+s3], $0x80, $0x38;
	[tilespmem:$0x17A40] =	vst v63  }
0x20: {  	_ =	swait.ge [sflag:s14], $0x80  }
0x21: {  	[sflag:s14] =	ssyncset.done $0x0  }
0x22: {  	[sflag:s14] =	ssyncadd.s32 $0xFFFFFF80  }
0x23: {  	v1 =	vld [tilespmem:$0x70]  }
0x24: {  	v2 =	vld [tilespmem:$0x30]  }
0x25: {  	v3 =	vld [tilespmem:$0x50]  }
0x26: {  	v5 =	vld [tilespmem:$0x20]  }
0x27: {  	v4 =	vld [tilespmem:$0x60]  }
0x28: {  	v6 =	vld [tilespmem:$0x10];
	v1 =	vadd.s32 v0, v1  }
0x29: {  	v7 =	vld [tilespmem:$0x40];
	v2 =	vadd.s32 v0, v2;
	[tilespmem:$0x170] =	vst v1  }
0x2a: {  	v1 =	vld [tilespmem:$0x0];
	[tilespmem:$0x130] =	vst v2;
	v2 =	vadd.s32 v0, v3  }
0x2b: {  	v3 =	vadd.s32 v0, v5;
	[tilespmem:$0x150] =	vst v2  }
0x2c: {  	v2 =	vadd.s32 v0, v4;
	[tilespmem:$0x120] =	vst v3  }
0x2d: {  	[tilespmem:$0x160] =	vst v2;
	v2 =	vadd.s32 v0, v6  }
0x2e: {  	[tilespmem:$0x110] =	vst v2;
	v2 =	vadd.s32 v0, v7  }
0x2f: {  	[tilespmem:$0x140] =	vst v2;
	v1 =	vadd.s32 v0, v1  }
0x30: {  	s21 =	simm.s32 $0x10;
	[tilespmem:$0x100] =	vst v1  }
.LBB2_2:
0x31: {  	[tilespmem:s18], [sflag:$0x1] =	stream.indirect.gather [hbm4b:s4+s16], $0x80, s17, s16, $0xb8;
	[tilespmem:$0x17A40] =	vst v63  }
0x32: {  	s22 =	smov.u32 s21  }
0x33: {  	p1 =	sne.s32 s21, $0x4E0;
	s21 =	sadd.s32 $0x10, s21;
	_ =	swait.ge [sflag:s19], $0x4000  }
0x34: {  	[sflag:s19] =	ssyncset.done $0x0  }
0x35: {  	[sflag:s19] =	ssyncadd.s32 $0xFFFFC000  }
0x36: {  	[spmem:s2] =	stream.indirect.scatter.add.f32 [tilespmem:s18], [sflag:$0x2], $0x80, s16, s16, $0xb8;
	[tilespmem:$0x17A40] =	vst v63  }
0x37: {  	_ =	swait.ge [sflag:s14], $0x4000  }
0x38: {  	[sflag:s14] =	ssyncset.done $0x0  }
0x39: {  	s23 =	sadd.s32 s22, s12;
	[sflag:s14] =	ssyncadd.s32 $0xFFFFC000  }
0x3a: {  	[tilespmem:s3], [sflag:$0x2] =	stream.linear.gather [hbm4b:s23+s3], $0x80, $0x38;
	[tilespmem:$0x17A40] =	vst v63  }
0x3b: {  	_ =	swait.ge [sflag:s14], $0x80  }
0x3c: {  	[sflag:s14] =	ssyncset.done $0x0  }
0x3d: {  	s22 =	sadd.s32 s22, s11;
	[sflag:s14] =	ssyncadd.s32 $0xFFFFFF80  }
0x3e: {  	[tilespmem:s16], [sflag:$0x2] =	stream.linear.gather [hbm4b:s22+s3], $0x80, $0x38;
	[tilespmem:$0x17A40] =	vst v63  }
0x3f: {  	_ =	swait.ge [sflag:s14], $0x80  }
0x40: {  	[sflag:s14] =	ssyncset.done $0x0  }
0x41: {  	[sflag:s14] =	ssyncadd.s32 $0xFFFFFF80  }
0x42: {  	v1 =	vld [tilespmem:$0x70]  }
0x43: {  	v2 =	vld [tilespmem:$0x30]  }
0x44: {  	v3 =	vld [tilespmem:$0x50]  }
0x45: {  	v4 =	vld [tilespmem:$0x60]  }
0x46: {  	v5 =	vld [tilespmem:$0x20]  }
0x47: {  	v6 =	vld [tilespmem:$0x10];
	v1 =	vadd.s32 v0, v1  }
0x48: {  	v2 =	vadd.s32 v0, v2;
	v7 =	vld [tilespmem:$0x40];
	[tilespmem:$0x170] =	vst v1  }
0x49: {  	v1 =	vld [tilespmem:$0x0];
	[tilespmem:$0x130] =	vst v2;
	v2 =	vadd.s32 v0, v3  }
0x4a: {  	[tilespmem:$0x150] =	vst v2;
	v2 =	vadd.s32 v0, v4  }
.Ltmp0:
0x4b: {  	v3 =	vadd.s32 v0, v5;
	[tilespmem:$0x160] =	vst v2;
	(pc) =	sbr.rel @p1 .LBB2_2-.Ltmp0, $4  }
0x4c: {  	v2 =	vadd.s32 v0, v6;
	[tilespmem:$0x120] =	vst v3  }
0x4d: {  	[tilespmem:$0x110] =	vst v2;
	v2 =	vadd.s32 v0, v7  }
0x4e: {  	v1 =	vadd.s32 v0, v1;
	[tilespmem:$0x140] =	vst v2  }
0x4f: {  	[tilespmem:$0x100] =	vst v1  }
0x50: {  	[tilespmem:s18], [sflag:$0x1] =	stream.indirect.gather [hbm4b:s4+s16], $0x80, s17, s16, $0xb8;
	[tilespmem:$0x17A40] =	vst v63  }
0x51: {  	_ =	swait.ge [sflag:s19], $0x4000  }
0x52: {  	[sflag:s19] =	ssyncset.done $0x0  }
0x53: {  	[sflag:s19] =	ssyncadd.s32 $0xFFFFC000  }
0x54: {  	[spmem:s2] =	stream.indirect.scatter.add.f32 [tilespmem:s18], [sflag:$0x2], $0x80, s16, s16, $0xb8;
	[tilespmem:$0x17A40] =	vst v63  }
0x55: {  	_ =	swait.ge [sflag:s14], $0x4000  }
0x56: {  	[sflag:s14] =	ssyncset.done $0x0  }
0x57: {  	[sflag:s14] =	ssyncadd.s32 $0xFFFFC000  }
0x58: {  	[bflag:$0x0] =	sbarrier.arrive $0xFFFF  }
0x59: {  	[hbm:s8], [sflag:s6] =	dma.local [spmem:s13], $0x2700  }
0x5a: {  	s20 =	sadd.s32 $0x1, s20;
	_ =	swait.ge [sflag:s14], $0x2700  }
0x5b: {  	p1 =	sne.s32 s20, s10;
	[sflag:s14] =	ssyncset.done $0x0  }
.Ltmp1:
0x5c: {  	s21 =	simm.s32 @!p0 $0x2;
	[sflag:s14] =	ssyncadd.s32 $0xFFFFD900;
	(pc) =	sbr.rel @p1 .LBB2_1-.Ltmp1, $4  }
0x5d: {  	[hbm:s9], [sflag:s6] =	dma.local @!p0 [spmem:s15], $0x100  }
0x5e: {  	_ =	swait.ge @!p0 [sflag:s21], $0x100  }
0x5f: {  	[sflag:s21] =	ssyncset.done @!p0 $0x0  }
0x60: {  	[sflag:s21] =	ssyncadd.s32 @!p0 $0xFFFFFF00  }
0x61: {  	_ =	sfence.sel $0x180000  }
0x62: {  	[bflag:$0x0] =	sbarrier.arrive $0xFFFF  }
0x63: {  	p0 =	sne.s32 s1, $0x0;
	_ =	strace $0x90000050  }
0x64: {  	s0 =	sadd.s32 @!p0 $0x100000, s0;
	[bflag:$0x2] =	sbarrier.arrive $0xFFFF  }
0x65: {  	[sflag:s0] =	ssyncadd.tile.s32 @!p0 $0x1;
	_ =	shalt  }
.Lfunc_end2:
_tile_overlayer_lowered:
.L_overlay_start_2:
0x66: {  	(tag) =	ssettag $0x2  }
0x67: {  	s0 =	rddreg [dreg:$0x0];
	s2 =	stileid.u32  }
0x68: {  	s1 =	rddreg [dreg:$0x1];
	p0 =	sne.s32 s2, $0x0  }
0x69: {  	s3 =	rddreg [dreg:$0x2];
	[bflag:$0x3] =	sbarrier.arrive $0xFFFF;
	s2 =	simm.s32 @!p0 $0x1C02  }
0x6a: {  	[timem:s3], [sflag:s2] =	dma.local @!p0 [hbm:s0], s1  }
0x6b: {  	s0 =	simm.s32 @!p0 $0x2  }
0x6c: {  	_ =	swait.ge @!p0 [sflag:s0], s1  }
0x6d: {  	s1 =	ssub.s32 @!p0 $0x0, s1;
	[sflag:s0] =	ssyncset.done @!p0 $0x0  }
0x6e: {  	[sflag:s0] =	ssyncadd.s32 @!p0 s1  }
0x6f: {  	[bflag:$0x3] =	sbarrier.arrive $0xFFFF  }
0x70: {  	_ =	shalt  }

// kernel: kernel.20.cloned.1.call-start
scs
__scs_entry_jumppad:
0x0: {  	(pc) =	sbr.rel $0x88, $3  }
0x1: {  	(tag) =	ssettag $0x0;
	lr =	simm.s32 $0x1  }
0x2: {  	[smem:$0x3F91] =	sst lr;
	_ =	strace $0xD0000000  }
0x3: {  	_ = 	snop  }
0x4: {  	_ = 	snop  }
0x5: {  	_ = 	snop  }
0x6: {  	_ = 	snop  }
0x7: {  	_ = 	snop  }
__scs_overlays_trampoline_lowered:
0x8: {  	[smem:$0x3FA0] =	sst s0  }
0x9: {  	[smem:$0x3FA1] =	sst s1  }
0xa: {  	[smem:$0x3FA2] =	sst s2  }
0xb: {  	[smem:$0x3FA3] =	sst s3  }
0xc: {  	[smem:$0x3FA4] =	sst s4  }
0xd: {  	[smem:$0x3FA5] =	sst s5  }
0xe: {  	[smem:$0x3FA6] =	sst s6  }
0xf: {  	[smem:$0x3FA7] =	sst s7  }
0x10: {  	[smem:$0x3FA8] =	sst s8  }
0x11: {  	[smem:$0x3FA9] =	sst s9;
	s0 =	simm.s32 @!p0 $0x0  }
0x12: {  	s1 =	sld [smem:$0x3F8F];
	s0 =	simm.s32 @p0 $0x1  }
0x13: {  	[smem:$0x3FAA] =	sst s0;
	s0 =	simm.s32 @!p1 $0x0  }
0x14: {  	s2 =	sld [smem:$0x3F8E];
	s0 =	simm.s32 @p1 $0x1  }
0x15: {  	[smem:$0x3FAB] =	sst s0;
	s0 =	simm.s32 @!p2 $0x0  }
0x16: {  	s3 =	sld [smem:$0x3FDB];
	s0 =	simm.s32 @p2 $0x1  }
0x17: {  	s4 =	simm.s32 $0x1BF5;
	[smem:$0x3FAD] =	sst s0  }
0x18: {  	s0 =	sld [smem:$0x3F90];
	_ =	swait.ge [sflag:s4], $0x0  }
0x19: {  	s7 =	sld [smem:$0x3F91]  }
0x1a: {  	s8 =	sadd.s32 $0xFFFFE003, lr  }
0x1b: {  	s9 =	sadd.s32 $0xFFFFFEF7, lr;
	s5 =	simm.s32 $0xFFFFFFFF;
	p2 =	slt.u32 s8, $0xFFFFF086  }
0x1c: {  	p1 =	slt.u32 s9, $0xF7A;
	s5 =	simm.s32 @!p2 $0x0  }
0x1d: {  	s5 =	simm.s32 @p1 $0x1;
	p0 =	seq.s32 s7, s2  }
0x1e: {  	s7 =	smul.u32 @!p0 $0xF7A, s2;
	p2 =	seq.s32 @!p0 s5, $0x0  }
0x1f: {  	s9 =	smul.u32 $0xF7A, s1;
	s8 =	simm.s32 @!p0 $0x1BF5;
	p2 =	por !p2, p0  }
0x20: {  	[sflag:s8] =	ssyncset.s32 @!p0 $0xFFFFF086;
	s6 =	sadd.s32 @!p0 s3, s7;
	s7 =	simm.s32 @!p0 $0x108  }
0x21: {  	s3 =	sadd.s32 s3, s9;
	s6 =	sadd.s32 @!p0 $0x88, s6;
	s7 =	simm.s32 @p2 $0x1082  }
0x22: {  	[simem:s7], [sflag:s8] =	dma.local @!p0 [hbm:s6], $0xF7A  }
0x23: {  	s9 =	sor.u32 $0xD0000000, s2;
	s6 =	simm.s32 $0x108;
	_ =	swait.ge @!p0 [sflag:s8], $0x0  }
0x24: {  	s3 =	sadd.s32 $0x88, s3;
	s6 =	simm.s32 @!p1 $0x1082;
	[sflag:s4] =	ssyncset.s32 $0xFFFFF086  }
0x25: {  	[simem:s6], [sflag:s4] =	dma.local [hbm:s3], $0xF7A  }
0x26: {  	[smem:$0x3F91] =	sst s1;
	(tag) =	ssettag s2;
	_ =	strace s9  }
0x27: {  	s1 =	sld [smem:$0x3FA1]  }
0x28: {  	s2 =	sld [smem:$0x3FA2]  }
0x29: {  	s4 =	sld [smem:$0x3FA4]  }
0x2a: {  	p0 =	seq.s32 s5, $0x0;
	s5 =	sld [smem:$0x3FA5]  }
0x2b: {  	s6 =	sld [smem:$0x3FA6]  }
0x2c: {  	s7 =	sld [smem:$0x3FA7]  }
0x2d: {  	s3 =	simm.s32 $0x108;
	s8 =	sld [smem:$0x3FA8]  }
0x2e: {  	s3 =	simm.s32 @!p0 $0x1082;
	s9 =	sld [smem:$0x3FA9]  }
0x2f: {  	lr =	sadd.s32 s0, s3;
	s0 =	sld [smem:$0x3FA0]  }
0x30: {  	s3 =	sld [smem:$0x3FA3]  }
0x31: {  	[smem:$0x3FAC] =	sst s10  }
0x32: {  	s10 =	sld [smem:$0x3FAA];
	_ =	sdelay $0x3  }
0x33: {  	p0 =	seq.s32 s10, $0x1;
	s10 =	sld [smem:$0x3FAC];
	_ =	sdelay $0x3  }
0x34: {  	[smem:$0x3FAC] =	sst s10  }
0x35: {  	s10 =	sld [smem:$0x3FAB];
	_ =	sdelay $0x3  }
0x36: {  	p1 =	seq.s32 s10, $0x1;
	s10 =	sld [smem:$0x3FAC];
	_ =	sdelay $0x3  }
0x37: {  	[smem:$0x3FAC] =	sst s10  }
0x38: {  	s10 =	sld [smem:$0x3FAD]  }
0x39: {  	_ = 	snop;
	(pc) =	sbr.ind lr, $3  }
0x3a: {  	_ = 	snop  }
0x3b: {  	_ = 	snop  }
0x3c: {  	p2 =	seq.s32 s10, $0x1;
	s10 =	sld [smem:$0x3FAC]  }
0x3d: {  	_ =	shalt  }
0x3e: {  	_ =	shalt  }
0x3f: {  	_ =	shalt  }
0x40: {  	_ =	shalt  }
0x41: {  	_ =	shalt  }
0x42: {  	_ =	shalt  }
0x43: {  	_ =	shalt  }
0x44: {  	_ =	shalt  }
0x45: {  	_ =	shalt  }
0x46: {  	_ =	shalt  }
0x47: {  	_ =	shalt  }
0x48: {  	_ =	shalt  }
0x49: {  	_ =	shalt  }
0x4a: {  	_ =	shalt  }
0x4b: {  	_ =	shalt  }
0x4c: {  	_ =	shalt  }
0x4d: {  	_ =	shalt  }
0x4e: {  	_ =	shalt  }
0x4f: {  	_ =	shalt  }
0x50: {  	_ =	shalt  }
0x51: {  	_ =	shalt  }
0x52: {  	_ =	shalt  }
0x53: {  	_ =	shalt  }
0x54: {  	_ =	shalt  }
0x55: {  	_ =	shalt  }
0x56: {  	_ =	shalt  }
0x57: {  	_ =	shalt  }
0x58: {  	_ =	shalt  }
0x59: {  	_ =	shalt  }
0x5a: {  	_ =	shalt  }
0x5b: {  	_ =	shalt  }
0x5c: {  	_ =	shalt  }
0x5d: {  	_ =	shalt  }
0x5e: {  	_ =	shalt  }
0x5f: {  	_ =	shalt  }
0x60: {  	_ =	shalt  }
0x61: {  	_ =	shalt  }
0x62: {  	_ =	shalt  }
0x63: {  	_ =	shalt  }
0x64: {  	_ =	shalt  }
0x65: {  	_ =	shalt  }
0x66: {  	_ =	shalt  }
0x67: {  	_ =	shalt  }
0x68: {  	_ =	shalt  }
0x69: {  	_ =	shalt  }
0x6a: {  	_ =	shalt  }
0x6b: {  	_ =	shalt  }
0x6c: {  	_ =	shalt  }
0x6d: {  	_ =	shalt  }
0x6e: {  	_ =	shalt  }
0x6f: {  	_ =	shalt  }
0x70: {  	_ =	shalt  }
0x71: {  	_ =	shalt  }
0x72: {  	_ =	shalt  }
0x73: {  	_ =	shalt  }
0x74: {  	_ =	shalt  }
0x75: {  	_ =	shalt  }
0x76: {  	_ =	shalt  }
0x77: {  	_ =	shalt  }
0x78: {  	_ =	shalt  }
0x79: {  	_ =	shalt  }
0x7a: {  	_ =	shalt  }
0x7b: {  	_ =	shalt  }
0x7c: {  	_ =	shalt  }
0x7d: {  	_ =	shalt  }
0x7e: {  	_ =	shalt  }
0x7f: {  	_ =	shalt  }
0x80: {  	_ =	shalt  }
0x81: {  	_ =	shalt  }
0x82: {  	_ =	shalt  }
0x83: {  	_ =	shalt  }
0x84: {  	_ =	shalt  }
0x85: {  	_ =	shalt  }
0x86: {  	_ =	shalt  }
0x87: {  	_ =	shalt  }
.Lfunc_end0:
.L_simem_size_0:
called_computation.4_lowered:
.L_overlay_start_0:
0x88: {  	s2 =	sld [smem:$0x3FD9]  }
0x89: {  	s3 =	sld [smem:$0x3FFE];
	_ =	sdelay $0x1  }
0x8a: {  	s1 =	srdreg.scid  }
0x8b: {  	s0 =	sand.u32 $0x1, s1  }
0x8c: {  	s16 =	sshll.u32 s0, $0xA;
	s2 =	sadd.s32 s3, s2  }
0x8d: {  	s2 =	sadd.s32 s2, s16  }
0x8e: {  	[smem:$0x3FB8] =	sst s2  }
0x8f: {  	_ = 	snop  }
0x90: {  	(tm) =	ssettm $0x1  }
0x91: {  	s17 =	sld [smem:$0x3FFB];
	_ =	sdelay $0x3  }
0x92: {  	_ =	strace s17  }
0x93: {  	s2 =	sld [smem:$0x3FFC];
	_ =	sdelay $0x3  }
0x94: {  	_ =	strace s2  }
0x95: {  	s2 =	sld [smem:$0x3FFD];
	_ =	sdelay $0x3  }
0x96: {  	_ =	strace s2  }
0x97: {  	_ =	strace $0x8FFFFFFF  }
0x98: {  	s18 =	sld [smem:$0x3FDB];
	_ =	sdelay $0x1  }
0x99: {  	s19 =	simm.s32 $_scs_section_size  }
0x9a: {  	s4 =	simm.s32 $_size__tile_overlayer_lowered;
	s5 =	simm.s32 $_tile_overlayer_lowered  }
0x9b: {  	s22 =	simm.s32 $0x1BFF;
	s21 =	sshll.u32 s5, $0x1;
	s2 =	sadd.s32 s19, s18  }
0x9c: {  	s6 =	simm.s32 $0x0;
	s20 =	sshll.u32 s4, $0x1;
	s4 =	sadd.s32 s21, s2  }
0x9d: {  	[timem:s6], [sflag:s22] =	dma.local [hbm:s4], s20  }
0x9e: {  	_ =	swait.ge [sflag:s22], s20  }
0x9f: {  	s3 =	ssub.s32 $0x0, s20;
	[sflag:s22] =	ssyncset.done $0x0  }
0xa0: {  	[sflag:s22] =	ssyncadd.s32 s3;
	_ =	sdelay $0x1  }
0xa1: {  	s23 =	simm.s32 $0x1B8B  }
0xa2: {  	_ =	swait.ge [sflag:s23], $0x1  }
0xa3: {  	[sflag:s23] =	ssyncset.done $0x0  }
0xa4: {  	s25 =	simm.s32 $0x1B8E;
	s24 =	sld [smem:$0x3FFE];
	[sflag:s23] =	ssyncadd.s32 $0xFFFFFFFF  }
0xa5: {  	s26 =	simm.s32 $execute0_lowered;
	[smem:$0x3FD2] =	sst s25  }
0xa6: {  	s4 =	sshll.u32 s26, $0x1;
	_ =	strace $0x80000052;
	[dreg:$0x1] =	wrdreg $0xFFFFFFFF  }
0xa7: {  	s28 =	simm.s32 $_size_execute0_lowered;
	s2 =	sadd.s32 s2, s4;
	[dreg:$0x0] =	wrdreg $0x0  }
0xa8: {  	s4 =	sshll.u32 s28, $0x1;
	[dreg:$0x2] =	wrdreg s2  }
0xa9: {  	[dreg:$0x3] =	wrdreg s4  }
0xaa: {  	[dreg:$0x4] =	wrdreg $0xC0  }
0xab: {  	_ =	task [dreg:s6], $0x5FFFF  }
0xac: {  	[dreg:$0x1] =	wrdreg $0xFFFFFFFF  }
0xad: {  	[dreg:$0x0] =	wrdreg $0x60  }
0xae: {  	[dreg:$0x2] =	wrdreg s24  }
0xaf: {  	[dreg:$0x3] =	wrdreg $0x41800  }
0xb0: {  	[dreg:$0x4] =	wrdreg $0x9  }
0xb1: {  	_ =	task.clear_ibuf [dreg:s6], $0x5FFFF;
	_ =	strace $0x90000052  }
0xb2: {  	s29 =	simm.s32 $0x9;
	_ =	strace $0x80000054  }
0xb3: {  	_ =	swait.ge [sflag:s29], $0x1  }
0xb4: {  	[sflag:s29] =	ssyncadd.s32 $0xFFFFFFFF  }
0xb5: {  	_ =	strace $0x90000054  }
0xb6: {  	_ =	sfence  }
0xb7: {  	s30 =	sld [smem:$0x0];
	_ =	sdelay $0x2  }
0xb8: {  	s31 =	sshll.u32 s1, $0xD;
	s1 =	sshrl.u32 s1, $0x2  }
0xb9: {  	s3 =	sand.u32 $0x4000, s31;
	s1 =	sadd.s32 s1, s30  }
0xba: {  	s0 =	sor.u32 s3, s0;
	s1 =	sshll.u32 s1, $0x11  }
0xbb: {  	s0 =	sor.u32 s1, s0  }
0xbc: {  	s0 =	sadd.s32 $0x8F2B, s0  }
0xbd: {  	[sflag:s0] =	ssyncadd.remote.s32 $0x1  }
0xbe: {  	_ =	sfence.sel $0xFFFF  }
0xbf: {  	[dreg:$0x0] =	wrdreg $0xFFFFFFFF;
	(pc) =	sbr.abs _section_cstart, $3  }
0xc0: {  	[dreg:$0x1] =	wrdreg $0xFFFFFFFF  }
0xc1: {  	_ =	task.clear_ibuf [dreg:s6], $0x2FFFF;
	_ =	strace $0x9FFFFFFF  }
0xc2: {  	(tm) =	ssettm $0x7FFFFFFF  }
0xc3: {  	_ =	shalt  }
tec
execute0_lowered:
.L_overlay_start_1:
0x0: {  	(tag) =	ssettag $0x1  }
0x1: {  	s5 =	rddreg [dreg:$0x0]  }
0x2: {  	s2 =	rddreg [dreg:$0x1]  }
0x3: {  	s0 =	rddreg [dreg:$0x2]  }
0x4: {  	s1 =	stileid.u32;
	s4 =	srdreg.scid;
	s3 =	simm.s32 $0x0  }
0x5: {  	s14 =	simm.s32 $0x2;
	s16 =	simm.s32 $0x80;
	s17 =	simm.s32 $0x100  }
0x6: {  	s19 =	simm.s32 $0x1;
	s20 =	simm.s32 $0x0;
	s6 =	smul.u32 $0x4F0, s1  }
0x7: {  	s7 =	sand.u32 $0x1, s4;
	[smem:$0x7FF] =	sst s3;
	s8 =	smul.u32 $0x4E000, s1  }
0x8: {  	s4 =	sadd.s32 $0x10000, s5;
	s10 =	smul.u32 $0x270, s1;
	s11 =	sadd.s32 $0x5E200, s5  }
0x9: {  	s30 =	sshll.u32 s1, $0x6;
	s15 =	sadd.s32 $0x138000, s2;
	p0 =	sne.s32 s1, $0xF  }
0xa: {  	s18 =	smul.u32 $0x2710, s7;
	_ =	strace $0x80000053;
	s9 =	ssub.s32 $0x2, s7  }
0xb: {  	s7 =	smul.u32 $0x138800, s7;
	s15 =	sshrl.u32 @!p0 s15, $0x3;
	s12 =	sadd.s32 s6, s5  }
0xc: {  	s25 =	sshrl.u32 s9, $0x1;
	s26 =	sshrl.u32 s8, $0x2;
	s6 =	sor.u32 $0x1C02, s30  }
0xd: {  	s28 =	sadd.s32 s10, s18;
	s29 =	ssub.s32 s9, s25;
	s13 =	sadd.s32 s26, s2  }
0xe: {  	s7 =	sshrl.u32 s7, $0x3;
	v0 =	vmov s18;
	s18 =	simm.s32 $0x180;
	s8 =	sshll.u32 s28, $0x4  }
0xf: {  	s31 =	sadd.s32 $0x27000, s7;
	s10 =	smax.u32 s29, $0x1;
	s13 =	sshrl.u32 s13, $0x3  }
0x10: {  	s5 =	sadd.s32 s4, s8;
	s7 =	sadd.s32 s4, s31;
	s8 =	sadd.s32 s11, s8  }
0x11: {  	s9 =	sadd.s32 s11, s31;
	s11 =	sadd.s32 $0x6000, s12;
	s12 =	sadd.s32 $0xB000, s12  }
.LBB2_1:
0x12: {  	[spmem:s13], [sflag:s6] =	dma.local [hbm:s5], $0x2700  }
0x13: {  	_ =	swait.ge [sflag:s14], $0x2700  }
0x14: {  	[sflag:s14] =	ssyncset.done $0x0  }
0x15: {  	s21 =	simm.s32 @!p0 $0x2;
	[sflag:s14] =	ssyncadd.s32 $0xFFFFD900  }
0x16: {  	[spmem:s15], [sflag:s6] =	dma.local @!p0 [hbm:s7], $0x100  }
0x17: {  	_ =	swait.ge @!p0 [sflag:s21], $0x100  }
0x18: {  	[sflag:s21] =	ssyncset.done @!p0 $0x0  }
0x19: {  	[sflag:s21] =	ssyncadd.s32 @!p0 $0xFFFFFF00  }
0x1a: {  	s30 =	sadd.s32 $0x0, s12;
	[bflag:$0x0] =	sbarrier.arrive $0xFFFF  }
0x1b: {  	[tilespmem:s3], [sflag:$0x2] =	stream.linear.gather [hbm4b:s30+s3], $0x80, $0x38;
	[tilespmem:$0x17A40] =	vst v63  }
0x1c: {  	_ =	swait.ge [sflag:s14], $0x80  }
0x1d: {  	[sflag:s14] =	ssyncset.done $0x0  }
0x1e: {  	s31 =	sadd.s32 $0x0, s11;
	[sflag:s14] =	ssyncadd.s32 $0xFFFFFF80  }
0x1f: {  	[tilespmem:s16], [sflag:$0x2] =	stream.linear.gather [hbm4b:s31+s3], $0x80, $0x38;
	[tilespmem:$0x17A40] =	vst v63  }
0x20: {  	_ =	swait.ge [sflag:s14], $0x80  }
0x21: {  	[sflag:s14] =	ssyncset.done $0x0  }
0x22: {  	[sflag:s14] =	ssyncadd.s32 $0xFFFFFF80  }
0x23: {  	v1 =	vld [tilespmem:$0x70]  }
0x24: {  	v2 =	vld [tilespmem:$0x30]  }
0x25: {  	v3 =	vld [tilespmem:$0x50]  }
0x26: {  	v5 =	vld [tilespmem:$0x20]  }
0x27: {  	v4 =	vld [tilespmem:$0x60]  }
0x28: {  	v6 =	vld [tilespmem:$0x10];
	v1 =	vadd.s32 v0, v1  }
0x29: {  	v7 =	vld [tilespmem:$0x40];
	v2 =	vadd.s32 v0, v2;
	[tilespmem:$0x170] =	vst v1  }
0x2a: {  	v1 =	vld [tilespmem:$0x0];
	[tilespmem:$0x130] =	vst v2;
	v2 =	vadd.s32 v0, v3  }
0x2b: {  	v3 =	vadd.s32 v0, v5;
	[tilespmem:$0x150] =	vst v2  }
0x2c: {  	v2 =	vadd.s32 v0, v4;
	[tilespmem:$0x120] =	vst v3  }
0x2d: {  	[tilespmem:$0x160] =	vst v2;
	v2 =	vadd.s32 v0, v6  }
0x2e: {  	[tilespmem:$0x110] =	vst v2;
	v2 =	vadd.s32 v0, v7  }
0x2f: {  	[tilespmem:$0x140] =	vst v2;
	v1 =	vadd.s32 v0, v1  }
0x30: {  	s21 =	simm.s32 $0x10;
	[tilespmem:$0x100] =	vst v1  }
.LBB2_2:
0x31: {  	[tilespmem:s18], [sflag:$0x1] =	stream.indirect.gather [hbm4b:s4+s16], $0x80, s17, s16, $0xb8;
	[tilespmem:$0x17A40] =	vst v63  }
0x32: {  	s22 =	smov.u32 s21  }
0x33: {  	p1 =	sne.s32 s21, $0x4E0;
	s21 =	sadd.s32 $0x10, s21;
	_ =	swait.ge [sflag:s19], $0x4000  }
0x34: {  	[sflag:s19] =	ssyncset.done $0x0  }
0x35: {  	[sflag:s19] =	ssyncadd.s32 $0xFFFFC000  }
0x36: {  	[spmem:s2] =	stream.indirect.scatter.add.f32 [tilespmem:s18], [sflag:$0x2], $0x80, s16, s16, $0xb8;
	[tilespmem:$0x17A40] =	vst v63  }
0x37: {  	_ =	swait.ge [sflag:s14], $0x4000  }
0x38: {  	[sflag:s14] =	ssyncset.done $0x0  }
0x39: {  	s23 =	sadd.s32 s22, s12;
	[sflag:s14] =	ssyncadd.s32 $0xFFFFC000  }
0x3a: {  	[tilespmem:s3], [sflag:$0x2] =	stream.linear.gather [hbm4b:s23+s3], $0x80, $0x38;
	[tilespmem:$0x17A40] =	vst v63  }
0x3b: {  	_ =	swait.ge [sflag:s14], $0x80  }
0x3c: {  	[sflag:s14] =	ssyncset.done $0x0  }
0x3d: {  	s22 =	sadd.s32 s22, s11;
	[sflag:s14] =	ssyncadd.s32 $0xFFFFFF80  }
0x3e: {  	[tilespmem:s16], [sflag:$0x2] =	stream.linear.gather [hbm4b:s22+s3], $0x80, $0x38;
	[tilespmem:$0x17A40] =	vst v63  }
0x3f: {  	_ =	swait.ge [sflag:s14], $0x80  }
0x40: {  	[sflag:s14] =	ssyncset.done $0x0  }
0x41: {  	[sflag:s14] =	ssyncadd.s32 $0xFFFFFF80  }
0x42: {  	v1 =	vld [tilespmem:$0x70]  }
0x43: {  	v2 =	vld [tilespmem:$0x30]  }
0x44: {  	v3 =	vld [tilespmem:$0x50]  }
0x45: {  	v4 =	vld [tilespmem:$0x60]  }
0x46: {  	v5 =	vld [tilespmem:$0x20]  }
0x47: {  	v6 =	vld [tilespmem:$0x10];
	v1 =	vadd.s32 v0, v1  }
0x48: {  	v2 =	vadd.s32 v0, v2;
	v7 =	vld [tilespmem:$0x40];
	[tilespmem:$0x170] =	vst v1  }
0x49: {  	v1 =	vld [tilespmem:$0x0];
	[tilespmem:$0x130] =	vst v2;
	v2 =	vadd.s32 v0, v3  }
0x4a: {  	[tilespmem:$0x150] =	vst v2;
	v2 =	vadd.s32 v0, v4  }
.Ltmp0:
0x4b: {  	v3 =	vadd.s32 v0, v5;
	[tilespmem:$0x160] =	vst v2;
	(pc) =	sbr.rel @p1 .LBB2_2-.Ltmp0, $4  }
0x4c: {  	v2 =	vadd.s32 v0, v6;
	[tilespmem:$0x120] =	vst v3  }
0x4d: {  	[tilespmem:$0x110] =	vst v2;
	v2 =	vadd.s32 v0, v7  }
0x4e: {  	v1 =	vadd.s32 v0, v1;
	[tilespmem:$0x140] =	vst v2  }
0x4f: {  	[tilespmem:$0x100] =	vst v1  }
0x50: {  	[tilespmem:s18], [sflag:$0x1] =	stream.indirect.gather [hbm4b:s4+s16], $0x80, s17, s16, $0xb8;
	[tilespmem:$0x17A40] =	vst v63  }
0x51: {  	_ =	swait.ge [sflag:s19], $0x4000  }
0x52: {  	[sflag:s19] =	ssyncset.done $0x0  }
0x53: {  	[sflag:s19] =	ssyncadd.s32 $0xFFFFC000  }
0x54: {  	[spmem:s2] =	stream.indirect.scatter.add.f32 [tilespmem:s18], [sflag:$0x2], $0x80, s16, s16, $0xb8;
	[tilespmem:$0x17A40] =	vst v63  }
0x55: {  	_ =	swait.ge [sflag:s14], $0x4000  }
0x56: {  	[sflag:s14] =	ssyncset.done $0x0  }
0x57: {  	[sflag:s14] =	ssyncadd.s32 $0xFFFFC000  }
0x58: {  	[bflag:$0x0] =	sbarrier.arrive $0xFFFF  }
0x59: {  	[hbm:s8], [sflag:s6] =	dma.local [spmem:s13], $0x2700  }
0x5a: {  	s20 =	sadd.s32 $0x1, s20;
	_ =	swait.ge [sflag:s14], $0x2700  }
0x5b: {  	p1 =	sne.s32 s20, s10;
	[sflag:s14] =	ssyncset.done $0x0  }
.Ltmp1:
0x5c: {  	s21 =	simm.s32 @!p0 $0x2;
	[sflag:s14] =	ssyncadd.s32 $0xFFFFD900;
	(pc) =	sbr.rel @p1 .LBB2_1-.Ltmp1, $4  }
0x5d: {  	[hbm:s9], [sflag:s6] =	dma.local @!p0 [spmem:s15], $0x100  }
0x5e: {  	_ =	swait.ge @!p0 [sflag:s21], $0x100  }
0x5f: {  	[sflag:s21] =	ssyncset.done @!p0 $0x0  }
0x60: {  	[sflag:s21] =	ssyncadd.s32 @!p0 $0xFFFFFF00  }
0x61: {  	_ =	sfence.sel $0x180000  }
0x62: {  	[bflag:$0x0] =	sbarrier.arrive $0xFFFF  }
0x63: {  	p0 =	sne.s32 s1, $0x0;
	_ =	strace $0x90000053  }
0x64: {  	s0 =	sadd.s32 @!p0 $0x100000, s0;
	[bflag:$0x2] =	sbarrier.arrive $0xFFFF  }
0x65: {  	[sflag:s0] =	ssyncadd.tile.s32 @!p0 $0x1;
	_ =	shalt  }
.Lfunc_end2:
_tile_overlayer_lowered:
.L_overlay_start_2:
0x66: {  	(tag) =	ssettag $0x2  }
0x67: {  	s0 =	rddreg [dreg:$0x0];
	s2 =	stileid.u32  }
0x68: {  	s1 =	rddreg [dreg:$0x1];
	p0 =	sne.s32 s2, $0x0  }
0x69: {  	s3 =	rddreg [dreg:$0x2];
	[bflag:$0x3] =	sbarrier.arrive $0xFFFF;
	s2 =	simm.s32 @!p0 $0x1C02  }
0x6a: {  	[timem:s3], [sflag:s2] =	dma.local @!p0 [hbm:s0], s1  }
0x6b: {  	s0 =	simm.s32 @!p0 $0x2  }
0x6c: {  	_ =	swait.ge @!p0 [sflag:s0], s1  }
0x6d: {  	s1 =	ssub.s32 @!p0 $0x0, s1;
	[sflag:s0] =	ssyncset.done @!p0 $0x0  }
0x6e: {  	[sflag:s0] =	ssyncadd.s32 @!p0 s1  }
0x6f: {  	[bflag:$0x3] =	sbarrier.arrive $0xFFFF  }
0x70: {  	_ =	shalt  }

// kernel: kernel.23.cloned.1.call-start
scs
__scs_entry_jumppad:
0x0: {  	(pc) =	sbr.rel $0x88, $3  }
0x1: {  	(tag) =	ssettag $0x0;
	lr =	simm.s32 $0x1  }
0x2: {  	[smem:$0x3F91] =	sst lr;
	_ =	strace $0xD0000000  }
0x3: {  	_ = 	snop  }
0x4: {  	_ = 	snop  }
0x5: {  	_ = 	snop  }
0x6: {  	_ = 	snop  }
0x7: {  	_ = 	snop  }
__scs_overlays_trampoline_lowered:
0x8: {  	[smem:$0x3FA0] =	sst s0  }
0x9: {  	[smem:$0x3FA1] =	sst s1  }
0xa: {  	[smem:$0x3FA2] =	sst s2  }
0xb: {  	[smem:$0x3FA3] =	sst s3  }
0xc: {  	[smem:$0x3FA4] =	sst s4  }
0xd: {  	[smem:$0x3FA5] =	sst s5  }
0xe: {  	[smem:$0x3FA6] =	sst s6  }
0xf: {  	[smem:$0x3FA7] =	sst s7  }
0x10: {  	[smem:$0x3FA8] =	sst s8  }
0x11: {  	[smem:$0x3FA9] =	sst s9;
	s0 =	simm.s32 @!p0 $0x0  }
0x12: {  	s1 =	sld [smem:$0x3F8F];
	s0 =	simm.s32 @p0 $0x1  }
0x13: {  	[smem:$0x3FAA] =	sst s0;
	s0 =	simm.s32 @!p1 $0x0  }
0x14: {  	s2 =	sld [smem:$0x3F8E];
	s0 =	simm.s32 @p1 $0x1  }
0x15: {  	[smem:$0x3FAB] =	sst s0;
	s0 =	simm.s32 @!p2 $0x0  }
0x16: {  	s3 =	sld [smem:$0x3FDB];
	s0 =	simm.s32 @p2 $0x1  }
0x17: {  	s4 =	simm.s32 $0x1BF5;
	[smem:$0x3FAD] =	sst s0  }
0x18: {  	s0 =	sld [smem:$0x3F90];
	_ =	swait.ge [sflag:s4], $0x0  }
0x19: {  	s7 =	sld [smem:$0x3F91]  }
0x1a: {  	s8 =	sadd.s32 $0xFFFFE003, lr  }
0x1b: {  	s9 =	sadd.s32 $0xFFFFFEF7, lr;
	s5 =	simm.s32 $0xFFFFFFFF;
	p2 =	slt.u32 s8, $0xFFFFF086  }
0x1c: {  	p1 =	slt.u32 s9, $0xF7A;
	s5 =	simm.s32 @!p2 $0x0  }
0x1d: {  	s5 =	simm.s32 @p1 $0x1;
	p0 =	seq.s32 s7, s2  }
0x1e: {  	s7 =	smul.u32 @!p0 $0xF7A, s2;
	p2 =	seq.s32 @!p0 s5, $0x0  }
0x1f: {  	s9 =	smul.u32 $0xF7A, s1;
	s8 =	simm.s32 @!p0 $0x1BF5;
	p2 =	por !p2, p0  }
0x20: {  	[sflag:s8] =	ssyncset.s32 @!p0 $0xFFFFF086;
	s6 =	sadd.s32 @!p0 s3, s7;
	s7 =	simm.s32 @!p0 $0x108  }
0x21: {  	s3 =	sadd.s32 s3, s9;
	s6 =	sadd.s32 @!p0 $0x88, s6;
	s7 =	simm.s32 @p2 $0x1082  }
0x22: {  	[simem:s7], [sflag:s8] =	dma.local @!p0 [hbm:s6], $0xF7A  }
0x23: {  	s9 =	sor.u32 $0xD0000000, s2;
	s6 =	simm.s32 $0x108;
	_ =	swait.ge @!p0 [sflag:s8], $0x0  }
0x24: {  	s3 =	sadd.s32 $0x88, s3;
	s6 =	simm.s32 @!p1 $0x1082;
	[sflag:s4] =	ssyncset.s32 $0xFFFFF086  }
0x25: {  	[simem:s6], [sflag:s4] =	dma.local [hbm:s3], $0xF7A  }
0x26: {  	[smem:$0x3F91] =	sst s1;
	(tag) =	ssettag s2;
	_ =	strace s9  }
0x27: {  	s1 =	sld [smem:$0x3FA1]  }
0x28: {  	s2 =	sld [smem:$0x3FA2]  }
0x29: {  	s4 =	sld [smem:$0x3FA4]  }
0x2a: {  	p0 =	seq.s32 s5, $0x0;
	s5 =	sld [smem:$0x3FA5]  }
0x2b: {  	s6 =	sld [smem:$0x3FA6]  }
0x2c: {  	s7 =	sld [smem:$0x3FA7]  }
0x2d: {  	s3 =	simm.s32 $0x108;
	s8 =	sld [smem:$0x3FA8]  }
0x2e: {  	s3 =	simm.s32 @!p0 $0x1082;
	s9 =	sld [smem:$0x3FA9]  }
0x2f: {  	lr =	sadd.s32 s0, s3;
	s0 =	sld [smem:$0x3FA0]  }
0x30: {  	s3 =	sld [smem:$0x3FA3]  }
0x31: {  	[smem:$0x3FAC] =	sst s10  }
0x32: {  	s10 =	sld [smem:$0x3FAA];
	_ =	sdelay $0x3  }
0x33: {  	p0 =	seq.s32 s10, $0x1;
	s10 =	sld [smem:$0x3FAC];
	_ =	sdelay $0x3  }
0x34: {  	[smem:$0x3FAC] =	sst s10  }
0x35: {  	s10 =	sld [smem:$0x3FAB];
	_ =	sdelay $0x3  }
0x36: {  	p1 =	seq.s32 s10, $0x1;
	s10 =	sld [smem:$0x3FAC];
	_ =	sdelay $0x3  }
0x37: {  	[smem:$0x3FAC] =	sst s10  }
0x38: {  	s10 =	sld [smem:$0x3FAD]  }
0x39: {  	_ = 	snop;
	(pc) =	sbr.ind lr, $3  }
0x3a: {  	_ = 	snop  }
0x3b: {  	_ = 	snop  }
0x3c: {  	p2 =	seq.s32 s10, $0x1;
	s10 =	sld [smem:$0x3FAC]  }
0x3d: {  	_ =	shalt  }
0x3e: {  	_ =	shalt  }
0x3f: {  	_ =	shalt  }
0x40: {  	_ =	shalt  }
0x41: {  	_ =	shalt  }
0x42: {  	_ =	shalt  }
0x43: {  	_ =	shalt  }
0x44: {  	_ =	shalt  }
0x45: {  	_ =	shalt  }
0x46: {  	_ =	shalt  }
0x47: {  	_ =	shalt  }
0x48: {  	_ =	shalt  }
0x49: {  	_ =	shalt  }
0x4a: {  	_ =	shalt  }
0x4b: {  	_ =	shalt  }
0x4c: {  	_ =	shalt  }
0x4d: {  	_ =	shalt  }
0x4e: {  	_ =	shalt  }
0x4f: {  	_ =	shalt  }
0x50: {  	_ =	shalt  }
0x51: {  	_ =	shalt  }
0x52: {  	_ =	shalt  }
0x53: {  	_ =	shalt  }
0x54: {  	_ =	shalt  }
0x55: {  	_ =	shalt  }
0x56: {  	_ =	shalt  }
0x57: {  	_ =	shalt  }
0x58: {  	_ =	shalt  }
0x59: {  	_ =	shalt  }
0x5a: {  	_ =	shalt  }
0x5b: {  	_ =	shalt  }
0x5c: {  	_ =	shalt  }
0x5d: {  	_ =	shalt  }
0x5e: {  	_ =	shalt  }
0x5f: {  	_ =	shalt  }
0x60: {  	_ =	shalt  }
0x61: {  	_ =	shalt  }
0x62: {  	_ =	shalt  }
0x63: {  	_ =	shalt  }
0x64: {  	_ =	shalt  }
0x65: {  	_ =	shalt  }
0x66: {  	_ =	shalt  }
0x67: {  	_ =	shalt  }
0x68: {  	_ =	shalt  }
0x69: {  	_ =	shalt  }
0x6a: {  	_ =	shalt  }
0x6b: {  	_ =	shalt  }
0x6c: {  	_ =	shalt  }
0x6d: {  	_ =	shalt  }
0x6e: {  	_ =	shalt  }
0x6f: {  	_ =	shalt  }
0x70: {  	_ =	shalt  }
0x71: {  	_ =	shalt  }
0x72: {  	_ =	shalt  }
0x73: {  	_ =	shalt  }
0x74: {  	_ =	shalt  }
0x75: {  	_ =	shalt  }
0x76: {  	_ =	shalt  }
0x77: {  	_ =	shalt  }
0x78: {  	_ =	shalt  }
0x79: {  	_ =	shalt  }
0x7a: {  	_ =	shalt  }
0x7b: {  	_ =	shalt  }
0x7c: {  	_ =	shalt  }
0x7d: {  	_ =	shalt  }
0x7e: {  	_ =	shalt  }
0x7f: {  	_ =	shalt  }
0x80: {  	_ =	shalt  }
0x81: {  	_ =	shalt  }
0x82: {  	_ =	shalt  }
0x83: {  	_ =	shalt  }
0x84: {  	_ =	shalt  }
0x85: {  	_ =	shalt  }
0x86: {  	_ =	shalt  }
0x87: {  	_ =	shalt  }
.Lfunc_end0:
.L_simem_size_0:
called_computation.5_lowered:
.L_overlay_start_0:
0x88: {  	s2 =	sld [smem:$0x3FD9]  }
0x89: {  	s3 =	sld [smem:$0x3FFE];
	_ =	sdelay $0x1  }
0x8a: {  	s1 =	srdreg.scid  }
0x8b: {  	s0 =	sand.u32 $0x1, s1  }
0x8c: {  	s16 =	sshll.u32 s0, $0xA;
	s2 =	sadd.s32 s3, s2  }
0x8d: {  	s2 =	sadd.s32 s2, s16  }
0x8e: {  	[smem:$0x3FB8] =	sst s2  }
0x8f: {  	_ = 	snop  }
0x90: {  	(tm) =	ssettm $0x1  }
0x91: {  	s17 =	sld [smem:$0x3FFB];
	_ =	sdelay $0x3  }
0x92: {  	_ =	strace s17  }
0x93: {  	s2 =	sld [smem:$0x3FFC];
	_ =	sdelay $0x3  }
0x94: {  	_ =	strace s2  }
0x95: {  	s2 =	sld [smem:$0x3FFD];
	_ =	sdelay $0x3  }
0x96: {  	_ =	strace s2  }
0x97: {  	_ =	strace $0x8FFFFFFF  }
0x98: {  	s18 =	sld [smem:$0x3FDB];
	_ =	sdelay $0x1  }
0x99: {  	s19 =	simm.s32 $_scs_section_size  }
0x9a: {  	s4 =	simm.s32 $_size__tile_overlayer_lowered;
	s5 =	simm.s32 $_tile_overlayer_lowered  }
0x9b: {  	s22 =	simm.s32 $0x1BFF;
	s21 =	sshll.u32 s5, $0x1;
	s2 =	sadd.s32 s19, s18  }
0x9c: {  	s6 =	simm.s32 $0x0;
	s20 =	sshll.u32 s4, $0x1;
	s4 =	sadd.s32 s21, s2  }
0x9d: {  	[timem:s6], [sflag:s22] =	dma.local [hbm:s4], s20  }
0x9e: {  	_ =	swait.ge [sflag:s22], s20  }
0x9f: {  	s3 =	ssub.s32 $0x0, s20;
	[sflag:s22] =	ssyncset.done $0x0  }
0xa0: {  	[sflag:s22] =	ssyncadd.s32 s3;
	_ =	sdelay $0x1  }
0xa1: {  	s23 =	simm.s32 $0x1B8B  }
0xa2: {  	_ =	swait.ge [sflag:s23], $0x1  }
0xa3: {  	[sflag:s23] =	ssyncset.done $0x0  }
0xa4: {  	s25 =	simm.s32 $0x1B8E;
	s24 =	sld [smem:$0x3FFE];
	[sflag:s23] =	ssyncadd.s32 $0xFFFFFFFF  }
0xa5: {  	s26 =	simm.s32 $execute0_lowered;
	[smem:$0x3FD2] =	sst s25  }
0xa6: {  	s4 =	sshll.u32 s26, $0x1;
	_ =	strace $0x80000055;
	[dreg:$0x1] =	wrdreg $0xFFFFFFFF  }
0xa7: {  	s28 =	simm.s32 $_size_execute0_lowered;
	s2 =	sadd.s32 s2, s4;
	[dreg:$0x0] =	wrdreg $0x0  }
0xa8: {  	s4 =	sshll.u32 s28, $0x1;
	[dreg:$0x2] =	wrdreg s2  }
0xa9: {  	[dreg:$0x3] =	wrdreg s4  }
0xaa: {  	[dreg:$0x4] =	wrdreg $0xC0  }
0xab: {  	_ =	task [dreg:s6], $0x5FFFF  }
0xac: {  	[dreg:$0x1] =	wrdreg $0xFFFFFFFF  }
0xad: {  	[dreg:$0x0] =	wrdreg $0x60  }
0xae: {  	[dreg:$0x2] =	wrdreg s24  }
0xaf: {  	[dreg:$0x3] =	wrdreg $0x41800  }
0xb0: {  	[dreg:$0x4] =	wrdreg $0x9  }
0xb1: {  	_ =	task.clear_ibuf [dreg:s6], $0x5FFFF;
	_ =	strace $0x90000055  }
0xb2: {  	s29 =	simm.s32 $0x9;
	_ =	strace $0x80000057  }
0xb3: {  	_ =	swait.ge [sflag:s29], $0x1  }
0xb4: {  	[sflag:s29] =	ssyncadd.s32 $0xFFFFFFFF  }
0xb5: {  	_ =	strace $0x90000057  }
0xb6: {  	_ =	sfence  }
0xb7: {  	s30 =	sld [smem:$0x0];
	_ =	sdelay $0x2  }
0xb8: {  	s31 =	sshll.u32 s1, $0xD;
	s1 =	sshrl.u32 s1, $0x2  }
0xb9: {  	s3 =	sand.u32 $0x4000, s31;
	s1 =	sadd.s32 s1, s30  }
0xba: {  	s0 =	sor.u32 s3, s0;
	s1 =	sshll.u32 s1, $0x11  }
0xbb: {  	s0 =	sor.u32 s1, s0  }
0xbc: {  	s0 =	sadd.s32 $0x8F2B, s0  }
0xbd: {  	[sflag:s0] =	ssyncadd.remote.s32 $0x1  }
0xbe: {  	_ =	sfence.sel $0xFFFF  }
0xbf: {  	[dreg:$0x0] =	wrdreg $0xFFFFFFFF;
	(pc) =	sbr.abs _section_cstart, $3  }
0xc0: {  	[dreg:$0x1] =	wrdreg $0xFFFFFFFF  }
0xc1: {  	_ =	task.clear_ibuf [dreg:s6], $0x2FFFF;
	_ =	strace $0x9FFFFFFF  }
0xc2: {  	(tm) =	ssettm $0x7FFFFFFF  }
0xc3: {  	_ =	shalt  }
tec
execute0_lowered:
.L_overlay_start_1:
0x0: {  	(tag) =	ssettag $0x1  }
0x1: {  	s5 =	rddreg [dreg:$0x0]  }
0x2: {  	s2 =	rddreg [dreg:$0x1]  }
0x3: {  	s0 =	rddreg [dreg:$0x2]  }
0x4: {  	s1 =	stileid.u32;
	s4 =	srdreg.scid;
	s3 =	simm.s32 $0x0  }
0x5: {  	s14 =	simm.s32 $0x2;
	s16 =	simm.s32 $0x80;
	s17 =	simm.s32 $0x100  }
0x6: {  	s19 =	simm.s32 $0x1;
	s20 =	simm.s32 $0x0;
	s6 =	smul.u32 $0x4F0, s1  }
0x7: {  	s7 =	sand.u32 $0x1, s4;
	[smem:$0x7FF] =	sst s3;
	s8 =	smul.u32 $0x4E000, s1  }
0x8: {  	s4 =	sadd.s32 $0x5E200, s5;
	s10 =	smul.u32 $0x270, s1;
	s11 =	sadd.s32 $0xAC400, s5  }
0x9: {  	s30 =	sshll.u32 s1, $0x6;
	s15 =	sadd.s32 $0x138000, s2;
	p0 =	sne.s32 s1, $0xF  }
0xa: {  	s18 =	smul.u32 $0x2710, s7;
	_ =	strace $0x80000056;
	s9 =	ssub.s32 $0x2, s7  }
0xb: {  	s7 =	smul.u32 $0x138800, s7;
	s15 =	sshrl.u32 @!p0 s15, $0x3;
	s12 =	sadd.s32 s6, s5  }
0xc: {  	s25 =	sshrl.u32 s9, $0x1;
	s26 =	sshrl.u32 s8, $0x2;
	s6 =	sor.u32 $0x1C02, s30  }
0xd: {  	s28 =	sadd.s32 s10, s18;
	s29 =	ssub.s32 s9, s25;
	s13 =	sadd.s32 s26, s2  }
0xe: {  	s7 =	sshrl.u32 s7, $0x3;
	v0 =	vmov s18;
	s18 =	simm.s32 $0x180;
	s8 =	sshll.u32 s28, $0x4  }
0xf: {  	s31 =	sadd.s32 $0x27000, s7;
	s10 =	smax.u32 s29, $0x1;
	s13 =	sshrl.u32 s13, $0x3  }
0x10: {  	s5 =	sadd.s32 s4, s8;
	s7 =	sadd.s32 s4, s31;
	s8 =	sadd.s32 s11, s8  }
0x11: {  	s9 =	sadd.s32 s11, s31;
	s11 =	sadd.s32 $0x6000, s12;
	s12 =	sadd.s32 $0xB000, s12  }
.LBB2_1:
0x12: {  	[spmem:s13], [sflag:s6] =	dma.local [hbm:s5], $0x2700  }
0x13: {  	_ =	swait.ge [sflag:s14], $0x2700  }
0x14: {  	[sflag:s14] =	ssyncset.done $0x0  }
0x15: {  	s21 =	simm.s32 @!p0 $0x2;
	[sflag:s14] =	ssyncadd.s32 $0xFFFFD900  }
0x16: {  	[spmem:s15], [sflag:s6] =	dma.local @!p0 [hbm:s7], $0x100  }
0x17: {  	_ =	swait.ge @!p0 [sflag:s21], $0x100  }
0x18: {  	[sflag:s21] =	ssyncset.done @!p0 $0x0  }
0x19: {  	[sflag:s21] =	ssyncadd.s32 @!p0 $0xFFFFFF00  }
0x1a: {  	s30 =	sadd.s32 $0x0, s12;
	[bflag:$0x0] =	sbarrier.arrive $0xFFFF  }
0x1b: {  	[tilespmem:s3], [sflag:$0x2] =	stream.linear.gather [hbm4b:s30+s3], $0x80, $0x38;
	[tilespmem:$0x17A40] =	vst v63  }
0x1c: {  	_ =	swait.ge [sflag:s14], $0x80  }
0x1d: {  	[sflag:s14] =	ssyncset.done $0x0  }
0x1e: {  	s31 =	sadd.s32 $0x0, s11;
	[sflag:s14] =	ssyncadd.s32 $0xFFFFFF80  }
0x1f: {  	[tilespmem:s16], [sflag:$0x2] =	stream.linear.gather [hbm4b:s31+s3], $0x80, $0x38;
	[tilespmem:$0x17A40] =	vst v63  }
0x20: {  	_ =	swait.ge [sflag:s14], $0x80  }
0x21: {  	[sflag:s14] =	ssyncset.done $0x0  }
0x22: {  	[sflag:s14] =	ssyncadd.s32 $0xFFFFFF80  }
0x23: {  	v1 =	vld [tilespmem:$0x70]  }
0x24: {  	v2 =	vld [tilespmem:$0x30]  }
0x25: {  	v3 =	vld [tilespmem:$0x50]  }
0x26: {  	v5 =	vld [tilespmem:$0x20]  }
0x27: {  	v4 =	vld [tilespmem:$0x60]  }
0x28: {  	v6 =	vld [tilespmem:$0x10];
	v1 =	vadd.s32 v0, v1  }
0x29: {  	v7 =	vld [tilespmem:$0x40];
	v2 =	vadd.s32 v0, v2;
	[tilespmem:$0x170] =	vst v1  }
0x2a: {  	v1 =	vld [tilespmem:$0x0];
	[tilespmem:$0x130] =	vst v2;
	v2 =	vadd.s32 v0, v3  }
0x2b: {  	v3 =	vadd.s32 v0, v5;
	[tilespmem:$0x150] =	vst v2  }
0x2c: {  	v2 =	vadd.s32 v0, v4;
	[tilespmem:$0x120] =	vst v3  }
0x2d: {  	[tilespmem:$0x160] =	vst v2;
	v2 =	vadd.s32 v0, v6  }
0x2e: {  	[tilespmem:$0x110] =	vst v2;
	v2 =	vadd.s32 v0, v7  }
0x2f: {  	[tilespmem:$0x140] =	vst v2;
	v1 =	vadd.s32 v0, v1  }
0x30: {  	s21 =	simm.s32 $0x10;
	[tilespmem:$0x100] =	vst v1  }
.LBB2_2:
0x31: {  	[tilespmem:s18], [sflag:$0x1] =	stream.indirect.gather [hbm4b:s4+s16], $0x80, s17, s16, $0xb8;
	[tilespmem:$0x17A40] =	vst v63  }
0x32: {  	s22 =	smov.u32 s21  }
0x33: {  	p1 =	sne.s32 s21, $0x4E0;
	s21 =	sadd.s32 $0x10, s21;
	_ =	swait.ge [sflag:s19], $0x4000  }
0x34: {  	[sflag:s19] =	ssyncset.done $0x0  }
0x35: {  	[sflag:s19] =	ssyncadd.s32 $0xFFFFC000  }
0x36: {  	[spmem:s2] =	stream.indirect.scatter.add.f32 [tilespmem:s18], [sflag:$0x2], $0x80, s16, s16, $0xb8;
	[tilespmem:$0x17A40] =	vst v63  }
0x37: {  	_ =	swait.ge [sflag:s14], $0x4000  }
0x38: {  	[sflag:s14] =	ssyncset.done $0x0  }
0x39: {  	s23 =	sadd.s32 s22, s12;
	[sflag:s14] =	ssyncadd.s32 $0xFFFFC000  }
0x3a: {  	[tilespmem:s3], [sflag:$0x2] =	stream.linear.gather [hbm4b:s23+s3], $0x80, $0x38;
	[tilespmem:$0x17A40] =	vst v63  }
0x3b: {  	_ =	swait.ge [sflag:s14], $0x80  }
0x3c: {  	[sflag:s14] =	ssyncset.done $0x0  }
0x3d: {  	s22 =	sadd.s32 s22, s11;
	[sflag:s14] =	ssyncadd.s32 $0xFFFFFF80  }
0x3e: {  	[tilespmem:s16], [sflag:$0x2] =	stream.linear.gather [hbm4b:s22+s3], $0x80, $0x38;
	[tilespmem:$0x17A40] =	vst v63  }
0x3f: {  	_ =	swait.ge [sflag:s14], $0x80  }
0x40: {  	[sflag:s14] =	ssyncset.done $0x0  }
0x41: {  	[sflag:s14] =	ssyncadd.s32 $0xFFFFFF80  }
0x42: {  	v1 =	vld [tilespmem:$0x70]  }
0x43: {  	v2 =	vld [tilespmem:$0x30]  }
0x44: {  	v3 =	vld [tilespmem:$0x50]  }
0x45: {  	v4 =	vld [tilespmem:$0x60]  }
0x46: {  	v5 =	vld [tilespmem:$0x20]  }
0x47: {  	v6 =	vld [tilespmem:$0x10];
	v1 =	vadd.s32 v0, v1  }
0x48: {  	v2 =	vadd.s32 v0, v2;
	v7 =	vld [tilespmem:$0x40];
	[tilespmem:$0x170] =	vst v1  }
0x49: {  	v1 =	vld [tilespmem:$0x0];
	[tilespmem:$0x130] =	vst v2;
	v2 =	vadd.s32 v0, v3  }
0x4a: {  	[tilespmem:$0x150] =	vst v2;
	v2 =	vadd.s32 v0, v4  }
.Ltmp0:
0x4b: {  	v3 =	vadd.s32 v0, v5;
	[tilespmem:$0x160] =	vst v2;
	(pc) =	sbr.rel @p1 .LBB2_2-.Ltmp0, $4  }
0x4c: {  	v2 =	vadd.s32 v0, v6;
	[tilespmem:$0x120] =	vst v3  }
0x4d: {  	[tilespmem:$0x110] =	vst v2;
	v2 =	vadd.s32 v0, v7  }
0x4e: {  	v1 =	vadd.s32 v0, v1;
	[tilespmem:$0x140] =	vst v2  }
0x4f: {  	[tilespmem:$0x100] =	vst v1  }
0x50: {  	[tilespmem:s18], [sflag:$0x1] =	stream.indirect.gather [hbm4b:s4+s16], $0x80, s17, s16, $0xb8;
	[tilespmem:$0x17A40] =	vst v63  }
0x51: {  	_ =	swait.ge [sflag:s19], $0x4000  }
0x52: {  	[sflag:s19] =	ssyncset.done $0x0  }
0x53: {  	[sflag:s19] =	ssyncadd.s32 $0xFFFFC000  }
0x54: {  	[spmem:s2] =	stream.indirect.scatter.add.f32 [tilespmem:s18], [sflag:$0x2], $0x80, s16, s16, $0xb8;
	[tilespmem:$0x17A40] =	vst v63  }
0x55: {  	_ =	swait.ge [sflag:s14], $0x4000  }
0x56: {  	[sflag:s14] =	ssyncset.done $0x0  }
0x57: {  	[sflag:s14] =	ssyncadd.s32 $0xFFFFC000  }
0x58: {  	[bflag:$0x0] =	sbarrier.arrive $0xFFFF  }
0x59: {  	[hbm:s8], [sflag:s6] =	dma.local [spmem:s13], $0x2700  }
0x5a: {  	s20 =	sadd.s32 $0x1, s20;
	_ =	swait.ge [sflag:s14], $0x2700  }
0x5b: {  	p1 =	sne.s32 s20, s10;
	[sflag:s14] =	ssyncset.done $0x0  }
.Ltmp1:
0x5c: {  	s21 =	simm.s32 @!p0 $0x2;
	[sflag:s14] =	ssyncadd.s32 $0xFFFFD900;
	(pc) =	sbr.rel @p1 .LBB2_1-.Ltmp1, $4  }
0x5d: {  	[hbm:s9], [sflag:s6] =	dma.local @!p0 [spmem:s15], $0x100  }
0x5e: {  	_ =	swait.ge @!p0 [sflag:s21], $0x100  }
0x5f: {  	[sflag:s21] =	ssyncset.done @!p0 $0x0  }
0x60: {  	[sflag:s21] =	ssyncadd.s32 @!p0 $0xFFFFFF00  }
0x61: {  	_ =	sfence.sel $0x180000  }
0x62: {  	[bflag:$0x0] =	sbarrier.arrive $0xFFFF  }
0x63: {  	p0 =	sne.s32 s1, $0x0;
	_ =	strace $0x90000056  }
0x64: {  	s0 =	sadd.s32 @!p0 $0x100000, s0;
	[bflag:$0x2] =	sbarrier.arrive $0xFFFF  }
0x65: {  	[sflag:s0] =	ssyncadd.tile.s32 @!p0 $0x1;
	_ =	shalt  }
.Lfunc_end2:
_tile_overlayer_lowered:
.L_overlay_start_2:
0x66: {  	(tag) =	ssettag $0x2  }
0x67: {  	s0 =	rddreg [dreg:$0x0];
	s2 =	stileid.u32  }
0x68: {  	s1 =	rddreg [dreg:$0x1];
	p0 =	sne.s32 s2, $0x0  }
0x69: {  	s3 =	rddreg [dreg:$0x2];
	[bflag:$0x3] =	sbarrier.arrive $0xFFFF;
	s2 =	simm.s32 @!p0 $0x1C02  }
0x6a: {  	[timem:s3], [sflag:s2] =	dma.local @!p0 [hbm:s0], s1  }
0x6b: {  	s0 =	simm.s32 @!p0 $0x2  }
0x6c: {  	_ =	swait.ge @!p0 [sflag:s0], s1  }
0x6d: {  	s1 =	ssub.s32 @!p0 $0x0, s1;
	[sflag:s0] =	ssyncset.done @!p0 $0x0  }
0x6e: {  	[sflag:s0] =	ssyncadd.s32 @!p0 s1  }
0x6f: {  	[bflag:$0x3] =	sbarrier.arrive $0xFFFF  }
0x70: {  	_ =	shalt  }

// kernel: kernel.8.cloned.1.call-start
scs
__scs_entry_jumppad:
0x0: {  	(pc) =	sbr.rel $0x88, $3  }
0x1: {  	(tag) =	ssettag $0x0;
	lr =	simm.s32 $0x1  }
0x2: {  	[smem:$0x3F91] =	sst lr;
	_ =	strace $0xD0000000  }
0x3: {  	_ = 	snop  }
0x4: {  	_ = 	snop  }
0x5: {  	_ = 	snop  }
0x6: {  	_ = 	snop  }
0x7: {  	_ = 	snop  }
__scs_overlays_trampoline_lowered:
0x8: {  	[smem:$0x3FA0] =	sst s0  }
0x9: {  	[smem:$0x3FA1] =	sst s1  }
0xa: {  	[smem:$0x3FA2] =	sst s2  }
0xb: {  	[smem:$0x3FA3] =	sst s3  }
0xc: {  	[smem:$0x3FA4] =	sst s4  }
0xd: {  	[smem:$0x3FA5] =	sst s5  }
0xe: {  	[smem:$0x3FA6] =	sst s6  }
0xf: {  	[smem:$0x3FA7] =	sst s7  }
0x10: {  	[smem:$0x3FA8] =	sst s8  }
0x11: {  	[smem:$0x3FA9] =	sst s9;
	s0 =	simm.s32 @!p0 $0x0  }
0x12: {  	s1 =	sld [smem:$0x3F8F];
	s0 =	simm.s32 @p0 $0x1  }
0x13: {  	[smem:$0x3FAA] =	sst s0;
	s0 =	simm.s32 @!p1 $0x0  }
0x14: {  	s2 =	sld [smem:$0x3F8E];
	s0 =	simm.s32 @p1 $0x1  }
0x15: {  	[smem:$0x3FAB] =	sst s0;
	s0 =	simm.s32 @!p2 $0x0  }
0x16: {  	s3 =	sld [smem:$0x3FDB];
	s0 =	simm.s32 @p2 $0x1  }
0x17: {  	s4 =	simm.s32 $0x1BF5;
	[smem:$0x3FAD] =	sst s0  }
0x18: {  	s0 =	sld [smem:$0x3F90];
	_ =	swait.ge [sflag:s4], $0x0  }
0x19: {  	s7 =	sld [smem:$0x3F91]  }
0x1a: {  	s8 =	sadd.s32 $0xFFFFE003, lr  }
0x1b: {  	s9 =	sadd.s32 $0xFFFFFEF7, lr;
	s5 =	simm.s32 $0xFFFFFFFF;
	p2 =	slt.u32 s8, $0xFFFFF086  }
0x1c: {  	p1 =	slt.u32 s9, $0xF7A;
	s5 =	simm.s32 @!p2 $0x0  }
0x1d: {  	s5 =	simm.s32 @p1 $0x1;
	p0 =	seq.s32 s7, s2  }
0x1e: {  	s7 =	smul.u32 @!p0 $0xF7A, s2;
	p2 =	seq.s32 @!p0 s5, $0x0  }
0x1f: {  	s9 =	smul.u32 $0xF7A, s1;
	s8 =	simm.s32 @!p0 $0x1BF5;
	p2 =	por !p2, p0  }
0x20: {  	[sflag:s8] =	ssyncset.s32 @!p0 $0xFFFFF086;
	s6 =	sadd.s32 @!p0 s3, s7;
	s7 =	simm.s32 @!p0 $0x108  }
0x21: {  	s3 =	sadd.s32 s3, s9;
	s6 =	sadd.s32 @!p0 $0x88, s6;
	s7 =	simm.s32 @p2 $0x1082  }
0x22: {  	[simem:s7], [sflag:s8] =	dma.local @!p0 [hbm:s6], $0xF7A  }
0x23: {  	s9 =	sor.u32 $0xD0000000, s2;
	s6 =	simm.s32 $0x108;
	_ =	swait.ge @!p0 [sflag:s8], $0x0  }
0x24: {  	s3 =	sadd.s32 $0x88, s3;
	s6 =	simm.s32 @!p1 $0x1082;
	[sflag:s4] =	ssyncset.s32 $0xFFFFF086  }
0x25: {  	[simem:s6], [sflag:s4] =	dma.local [hbm:s3], $0xF7A  }
0x26: {  	[smem:$0x3F91] =	sst s1;
	(tag) =	ssettag s2;
	_ =	strace s9  }
0x27: {  	s1 =	sld [smem:$0x3FA1]  }
0x28: {  	s2 =	sld [smem:$0x3FA2]  }
0x29: {  	s4 =	sld [smem:$0x3FA4]  }
0x2a: {  	p0 =	seq.s32 s5, $0x0;
	s5 =	sld [smem:$0x3FA5]  }
0x2b: {  	s6 =	sld [smem:$0x3FA6]  }
0x2c: {  	s7 =	sld [smem:$0x3FA7]  }
0x2d: {  	s3 =	simm.s32 $0x108;
	s8 =	sld [smem:$0x3FA8]  }
0x2e: {  	s3 =	simm.s32 @!p0 $0x1082;
	s9 =	sld [smem:$0x3FA9]  }
0x2f: {  	lr =	sadd.s32 s0, s3;
	s0 =	sld [smem:$0x3FA0]  }
0x30: {  	s3 =	sld [smem:$0x3FA3]  }
0x31: {  	[smem:$0x3FAC] =	sst s10  }
0x32: {  	s10 =	sld [smem:$0x3FAA];
	_ =	sdelay $0x3  }
0x33: {  	p0 =	seq.s32 s10, $0x1;
	s10 =	sld [smem:$0x3FAC];
	_ =	sdelay $0x3  }
0x34: {  	[smem:$0x3FAC] =	sst s10  }
0x35: {  	s10 =	sld [smem:$0x3FAB];
	_ =	sdelay $0x3  }
0x36: {  	p1 =	seq.s32 s10, $0x1;
	s10 =	sld [smem:$0x3FAC];
	_ =	sdelay $0x3  }
0x37: {  	[smem:$0x3FAC] =	sst s10  }
0x38: {  	s10 =	sld [smem:$0x3FAD]  }
0x39: {  	_ = 	snop;
	(pc) =	sbr.ind lr, $3  }
0x3a: {  	_ = 	snop  }
0x3b: {  	_ = 	snop  }
0x3c: {  	p2 =	seq.s32 s10, $0x1;
	s10 =	sld [smem:$0x3FAC]  }
0x3d: {  	_ =	shalt  }
0x3e: {  	_ =	shalt  }
0x3f: {  	_ =	shalt  }
0x40: {  	_ =	shalt  }
0x41: {  	_ =	shalt  }
0x42: {  	_ =	shalt  }
0x43: {  	_ =	shalt  }
0x44: {  	_ =	shalt  }
0x45: {  	_ =	shalt  }
0x46: {  	_ =	shalt  }
0x47: {  	_ =	shalt  }
0x48: {  	_ =	shalt  }
0x49: {  	_ =	shalt  }
0x4a: {  	_ =	shalt  }
0x4b: {  	_ =	shalt  }
0x4c: {  	_ =	shalt  }
0x4d: {  	_ =	shalt  }
0x4e: {  	_ =	shalt  }
0x4f: {  	_ =	shalt  }
0x50: {  	_ =	shalt  }
0x51: {  	_ =	shalt  }
0x52: {  	_ =	shalt  }
0x53: {  	_ =	shalt  }
0x54: {  	_ =	shalt  }
0x55: {  	_ =	shalt  }
0x56: {  	_ =	shalt  }
0x57: {  	_ =	shalt  }
0x58: {  	_ =	shalt  }
0x59: {  	_ =	shalt  }
0x5a: {  	_ =	shalt  }
0x5b: {  	_ =	shalt  }
0x5c: {  	_ =	shalt  }
0x5d: {  	_ =	shalt  }
0x5e: {  	_ =	shalt  }
0x5f: {  	_ =	shalt  }
0x60: {  	_ =	shalt  }
0x61: {  	_ =	shalt  }
0x62: {  	_ =	shalt  }
0x63: {  	_ =	shalt  }
0x64: {  	_ =	shalt  }
0x65: {  	_ =	shalt  }
0x66: {  	_ =	shalt  }
0x67: {  	_ =	shalt  }
0x68: {  	_ =	shalt  }
0x69: {  	_ =	shalt  }
0x6a: {  	_ =	shalt  }
0x6b: {  	_ =	shalt  }
0x6c: {  	_ =	shalt  }
0x6d: {  	_ =	shalt  }
0x6e: {  	_ =	shalt  }
0x6f: {  	_ =	shalt  }
0x70: {  	_ =	shalt  }
0x71: {  	_ =	shalt  }
0x72: {  	_ =	shalt  }
0x73: {  	_ =	shalt  }
0x74: {  	_ =	shalt  }
0x75: {  	_ =	shalt  }
0x76: {  	_ =	shalt  }
0x77: {  	_ =	shalt  }
0x78: {  	_ =	shalt  }
0x79: {  	_ =	shalt  }
0x7a: {  	_ =	shalt  }
0x7b: {  	_ =	shalt  }
0x7c: {  	_ =	shalt  }
0x7d: {  	_ =	shalt  }
0x7e: {  	_ =	shalt  }
0x7f: {  	_ =	shalt  }
0x80: {  	_ =	shalt  }
0x81: {  	_ =	shalt  }
0x82: {  	_ =	shalt  }
0x83: {  	_ =	shalt  }
0x84: {  	_ =	shalt  }
0x85: {  	_ =	shalt  }
0x86: {  	_ =	shalt  }
0x87: {  	_ =	shalt  }
.Lfunc_end0:
.L_simem_size_0:
called_computation_lowered:
.L_overlay_start_0:
0x88: {  	s2 =	sld [smem:$0x3FD9]  }
0x89: {  	s3 =	sld [smem:$0x3FFE];
	_ =	sdelay $0x1  }
0x8a: {  	s1 =	srdreg.scid  }
0x8b: {  	s0 =	sand.u32 $0x1, s1  }
0x8c: {  	s16 =	sshll.u32 s0, $0xA;
	s2 =	sadd.s32 s3, s2  }
0x8d: {  	s2 =	sadd.s32 s2, s16  }
0x8e: {  	[smem:$0x3FB8] =	sst s2  }
0x8f: {  	_ = 	snop  }
0x90: {  	(tm) =	ssettm $0x1  }
0x91: {  	s17 =	sld [smem:$0x3FFB];
	_ =	sdelay $0x3  }
0x92: {  	_ =	strace s17  }
0x93: {  	s2 =	sld [smem:$0x3FFC];
	_ =	sdelay $0x3  }
0x94: {  	_ =	strace s2  }
0x95: {  	s2 =	sld [smem:$0x3FFD];
	_ =	sdelay $0x3  }
0x96: {  	_ =	strace s2  }
0x97: {  	_ =	strace $0x8FFFFFFF  }
0x98: {  	s18 =	sld [smem:$0x3FDB];
	_ =	sdelay $0x1  }
0x99: {  	s19 =	simm.s32 $_scs_section_size  }
0x9a: {  	s4 =	simm.s32 $_size__tile_overlayer_lowered;
	s5 =	simm.s32 $_tile_overlayer_lowered  }
0x9b: {  	s22 =	simm.s32 $0x1BFF;
	s21 =	sshll.u32 s5, $0x1;
	s2 =	sadd.s32 s19, s18  }
0x9c: {  	s6 =	simm.s32 $0x0;
	s20 =	sshll.u32 s4, $0x1;
	s4 =	sadd.s32 s21, s2  }
0x9d: {  	[timem:s6], [sflag:s22] =	dma.local [hbm:s4], s20  }
0x9e: {  	_ =	swait.ge [sflag:s22], s20  }
0x9f: {  	s3 =	ssub.s32 $0x0, s20;
	[sflag:s22] =	ssyncset.done $0x0  }
0xa0: {  	[sflag:s22] =	ssyncadd.s32 s3;
	_ =	sdelay $0x1  }
0xa1: {  	s23 =	simm.s32 $0x1B8B  }
0xa2: {  	_ =	swait.ge [sflag:s23], $0x1  }
0xa3: {  	[sflag:s23] =	ssyncset.done $0x0  }
0xa4: {  	s25 =	simm.s32 $0x1B8E;
	s24 =	sld [smem:$0x3FFE];
	[sflag:s23] =	ssyncadd.s32 $0xFFFFFFFF  }
0xa5: {  	s26 =	simm.s32 $execute0_lowered;
	[smem:$0x3FD2] =	sst s25  }
0xa6: {  	s4 =	sshll.u32 s26, $0x1;
	_ =	strace $0x80000046;
	[dreg:$0x1] =	wrdreg $0xFFFFFFFF  }
0xa7: {  	s28 =	simm.s32 $_size_execute0_lowered;
	s2 =	sadd.s32 s2, s4;
	[dreg:$0x0] =	wrdreg $0x0  }
0xa8: {  	s4 =	sshll.u32 s28, $0x1;
	[dreg:$0x2] =	wrdreg s2  }
0xa9: {  	[dreg:$0x3] =	wrdreg s4  }
0xaa: {  	[dreg:$0x4] =	wrdreg $0xC0  }
0xab: {  	_ =	task [dreg:s6], $0x5FFFF  }
0xac: {  	[dreg:$0x1] =	wrdreg $0xFFFFFFFF  }
0xad: {  	[dreg:$0x0] =	wrdreg $0x60  }
0xae: {  	[dreg:$0x2] =	wrdreg s24  }
0xaf: {  	[dreg:$0x3] =	wrdreg $0x41800  }
0xb0: {  	[dreg:$0x4] =	wrdreg $0x9  }
0xb1: {  	_ =	task.clear_ibuf [dreg:s6], $0x5FFFF;
	_ =	strace $0x90000046  }
0xb2: {  	s29 =	simm.s32 $0x9;
	_ =	strace $0x80000048  }
0xb3: {  	_ =	swait.ge [sflag:s29], $0x1  }
0xb4: {  	[sflag:s29] =	ssyncadd.s32 $0xFFFFFFFF  }
0xb5: {  	_ =	strace $0x90000048  }
0xb6: {  	_ =	sfence  }
0xb7: {  	s30 =	sld [smem:$0x0];
	_ =	sdelay $0x2  }
0xb8: {  	s31 =	sshll.u32 s1, $0xD;
	s1 =	sshrl.u32 s1, $0x2  }
0xb9: {  	s3 =	sand.u32 $0x4000, s31;
	s1 =	sadd.s32 s1, s30  }
0xba: {  	s0 =	sor.u32 s3, s0;
	s1 =	sshll.u32 s1, $0x11  }
0xbb: {  	s0 =	sor.u32 s1, s0  }
0xbc: {  	s0 =	sadd.s32 $0x8F2B, s0  }
0xbd: {  	[sflag:s0] =	ssyncadd.remote.s32 $0x1  }
0xbe: {  	_ =	sfence.sel $0xFFFF  }
0xbf: {  	[dreg:$0x0] =	wrdreg $0xFFFFFFFF;
	(pc) =	sbr.abs _section_cstart, $3  }
0xc0: {  	[dreg:$0x1] =	wrdreg $0xFFFFFFFF  }
0xc1: {  	_ =	task.clear_ibuf [dreg:s6], $0x2FFFF;
	_ =	strace $0x9FFFFFFF  }
0xc2: {  	(tm) =	ssettm $0x7FFFFFFF  }
0xc3: {  	_ =	shalt  }
tec
execute0_lowered:
.L_overlay_start_1:
0x0: {  	(tag) =	ssettag $0x1  }
0x1: {  	s5 =	rddreg [dreg:$0x0]  }
0x2: {  	s2 =	rddreg [dreg:$0x1]  }
0x3: {  	s0 =	rddreg [dreg:$0x2]  }
0x4: {  	s1 =	stileid.u32;
	s4 =	srdreg.scid;
	s3 =	simm.s32 $0x0  }
0x5: {  	s14 =	simm.s32 $0x2;
	s16 =	simm.s32 $0x80;
	s17 =	simm.s32 $0x100  }
0x6: {  	s19 =	simm.s32 $0x1;
	s20 =	simm.s32 $0x0;
	s6 =	smul.u32 $0x4F0, s1  }
0x7: {  	s7 =	sand.u32 $0x1, s4;
	[smem:$0x7FF] =	sst s3;
	s8 =	smul.u32 $0x4E000, s1  }
0x8: {  	s4 =	sadd.s32 $0x10000, s5;
	s10 =	smul.u32 $0x270, s1;
	s11 =	sadd.s32 $0x5E200, s5  }
0x9: {  	s30 =	sshll.u32 s1, $0x6;
	s15 =	sadd.s32 $0x138000, s2;
	p0 =	sne.s32 s1, $0xF  }
0xa: {  	s18 =	smul.u32 $0x2710, s7;
	_ =	strace $0x80000047;
	s9 =	ssub.s32 $0x2, s7  }
0xb: {  	s7 =	smul.u32 $0x138800, s7;
	s15 =	sshrl.u32 @!p0 s15, $0x3;
	s12 =	sadd.s32 s6, s5  }
0xc: {  	s25 =	sshrl.u32 s9, $0x1;
	s26 =	sshrl.u32 s8, $0x2;
	s6 =	sor.u32 $0x1C02, s30  }
0xd: {  	s28 =	sadd.s32 s10, s18;
	s29 =	ssub.s32 s9, s25;
	s13 =	sadd.s32 s26, s2  }
0xe: {  	s7 =	sshrl.u32 s7, $0x3;
	v0 =	vmov s18;
	s18 =	simm.s32 $0x180;
	s8 =	sshll.u32 s28, $0x4  }
0xf: {  	s31 =	sadd.s32 $0x27000, s7;
	s10 =	smax.u32 s29, $0x1;
	s13 =	sshrl.u32 s13, $0x3  }
0x10: {  	s5 =	sadd.s32 s4, s8;
	s7 =	sadd.s32 s4, s31;
	s8 =	sadd.s32 s11, s8  }
0x11: {  	s9 =	sadd.s32 s11, s31;
	s11 =	sadd.s32 $0x6000, s12;
	s12 =	sadd.s32 $0xB000, s12  }
.LBB2_1:
0x12: {  	[spmem:s13], [sflag:s6] =	dma.local [hbm:s5], $0x2700  }
0x13: {  	_ =	swait.ge [sflag:s14], $0x2700  }
0x14: {  	[sflag:s14] =	ssyncset.done $0x0  }
0x15: {  	s21 =	simm.s32 @!p0 $0x2;
	[sflag:s14] =	ssyncadd.s32 $0xFFFFD900  }
0x16: {  	[spmem:s15], [sflag:s6] =	dma.local @!p0 [hbm:s7], $0x100  }
0x17: {  	_ =	swait.ge @!p0 [sflag:s21], $0x100  }
0x18: {  	[sflag:s21] =	ssyncset.done @!p0 $0x0  }
0x19: {  	[sflag:s21] =	ssyncadd.s32 @!p0 $0xFFFFFF00  }
0x1a: {  	s30 =	sadd.s32 $0x0, s12;
	[bflag:$0x0] =	sbarrier.arrive $0xFFFF  }
0x1b: {  	[tilespmem:s3], [sflag:$0x2] =	stream.linear.gather [hbm4b:s30+s3], $0x80, $0x38;
	[tilespmem:$0x17A40] =	vst v63  }
0x1c: {  	_ =	swait.ge [sflag:s14], $0x80  }
0x1d: {  	[sflag:s14] =	ssyncset.done $0x0  }
0x1e: {  	s31 =	sadd.s32 $0x0, s11;
	[sflag:s14] =	ssyncadd.s32 $0xFFFFFF80  }
0x1f: {  	[tilespmem:s16], [sflag:$0x2] =	stream.linear.gather [hbm4b:s31+s3], $0x80, $0x38;
	[tilespmem:$0x17A40] =	vst v63  }
0x20: {  	_ =	swait.ge [sflag:s14], $0x80  }
0x21: {  	[sflag:s14] =	ssyncset.done $0x0  }
0x22: {  	[sflag:s14] =	ssyncadd.s32 $0xFFFFFF80  }
0x23: {  	v1 =	vld [tilespmem:$0x70]  }
0x24: {  	v2 =	vld [tilespmem:$0x30]  }
0x25: {  	v3 =	vld [tilespmem:$0x50]  }
0x26: {  	v5 =	vld [tilespmem:$0x20]  }
0x27: {  	v4 =	vld [tilespmem:$0x60]  }
0x28: {  	v6 =	vld [tilespmem:$0x10];
	v1 =	vadd.s32 v0, v1  }
0x29: {  	v7 =	vld [tilespmem:$0x40];
	v2 =	vadd.s32 v0, v2;
	[tilespmem:$0x170] =	vst v1  }
0x2a: {  	v1 =	vld [tilespmem:$0x0];
	[tilespmem:$0x130] =	vst v2;
	v2 =	vadd.s32 v0, v3  }
0x2b: {  	v3 =	vadd.s32 v0, v5;
	[tilespmem:$0x150] =	vst v2  }
0x2c: {  	v2 =	vadd.s32 v0, v4;
	[tilespmem:$0x120] =	vst v3  }
0x2d: {  	[tilespmem:$0x160] =	vst v2;
	v2 =	vadd.s32 v0, v6  }
0x2e: {  	[tilespmem:$0x110] =	vst v2;
	v2 =	vadd.s32 v0, v7  }
0x2f: {  	[tilespmem:$0x140] =	vst v2;
	v1 =	vadd.s32 v0, v1  }
0x30: {  	s21 =	simm.s32 $0x10;
	[tilespmem:$0x100] =	vst v1  }
.LBB2_2:
0x31: {  	[tilespmem:s18], [sflag:$0x1] =	stream.indirect.gather [hbm4b:s4+s16], $0x80, s17, s16, $0xb8;
	[tilespmem:$0x17A40] =	vst v63  }
0x32: {  	s22 =	smov.u32 s21  }
0x33: {  	p1 =	sne.s32 s21, $0x4E0;
	s21 =	sadd.s32 $0x10, s21;
	_ =	swait.ge [sflag:s19], $0x4000  }
0x34: {  	[sflag:s19] =	ssyncset.done $0x0  }
0x35: {  	[sflag:s19] =	ssyncadd.s32 $0xFFFFC000  }
0x36: {  	[spmem:s2] =	stream.indirect.scatter.add.f32 [tilespmem:s18], [sflag:$0x2], $0x80, s16, s16, $0xb8;
	[tilespmem:$0x17A40] =	vst v63  }
0x37: {  	_ =	swait.ge [sflag:s14], $0x4000  }
0x38: {  	[sflag:s14] =	ssyncset.done $0x0  }
0x39: {  	s23 =	sadd.s32 s22, s12;
	[sflag:s14] =	ssyncadd.s32 $0xFFFFC000  }
0x3a: {  	[tilespmem:s3], [sflag:$0x2] =	stream.linear.gather [hbm4b:s23+s3], $0x80, $0x38;
	[tilespmem:$0x17A40] =	vst v63  }
0x3b: {  	_ =	swait.ge [sflag:s14], $0x80  }
0x3c: {  	[sflag:s14] =	ssyncset.done $0x0  }
0x3d: {  	s22 =	sadd.s32 s22, s11;
	[sflag:s14] =	ssyncadd.s32 $0xFFFFFF80  }
0x3e: {  	[tilespmem:s16], [sflag:$0x2] =	stream.linear.gather [hbm4b:s22+s3], $0x80, $0x38;
	[tilespmem:$0x17A40] =	vst v63  }
0x3f: {  	_ =	swait.ge [sflag:s14], $0x80  }
0x40: {  	[sflag:s14] =	ssyncset.done $0x0  }
0x41: {  	[sflag:s14] =	ssyncadd.s32 $0xFFFFFF80  }
0x42: {  	v1 =	vld [tilespmem:$0x70]  }
0x43: {  	v2 =	vld [tilespmem:$0x30]  }
0x44: {  	v3 =	vld [tilespmem:$0x50]  }
0x45: {  	v4 =	vld [tilespmem:$0x60]  }
0x46: {  	v5 =	vld [tilespmem:$0x20]  }
0x47: {  	v6 =	vld [tilespmem:$0x10];
	v1 =	vadd.s32 v0, v1  }
0x48: {  	v2 =	vadd.s32 v0, v2;
	v7 =	vld [tilespmem:$0x40];
	[tilespmem:$0x170] =	vst v1  }
0x49: {  	v1 =	vld [tilespmem:$0x0];
	[tilespmem:$0x130] =	vst v2;
	v2 =	vadd.s32 v0, v3  }
0x4a: {  	[tilespmem:$0x150] =	vst v2;
	v2 =	vadd.s32 v0, v4  }
.Ltmp0:
0x4b: {  	v3 =	vadd.s32 v0, v5;
	[tilespmem:$0x160] =	vst v2;
	(pc) =	sbr.rel @p1 .LBB2_2-.Ltmp0, $4  }
0x4c: {  	v2 =	vadd.s32 v0, v6;
	[tilespmem:$0x120] =	vst v3  }
0x4d: {  	[tilespmem:$0x110] =	vst v2;
	v2 =	vadd.s32 v0, v7  }
0x4e: {  	v1 =	vadd.s32 v0, v1;
	[tilespmem:$0x140] =	vst v2  }
0x4f: {  	[tilespmem:$0x100] =	vst v1  }
0x50: {  	[tilespmem:s18], [sflag:$0x1] =	stream.indirect.gather [hbm4b:s4+s16], $0x80, s17, s16, $0xb8;
	[tilespmem:$0x17A40] =	vst v63  }
0x51: {  	_ =	swait.ge [sflag:s19], $0x4000  }
0x52: {  	[sflag:s19] =	ssyncset.done $0x0  }
0x53: {  	[sflag:s19] =	ssyncadd.s32 $0xFFFFC000  }
0x54: {  	[spmem:s2] =	stream.indirect.scatter.add.f32 [tilespmem:s18], [sflag:$0x2], $0x80, s16, s16, $0xb8;
	[tilespmem:$0x17A40] =	vst v63  }
0x55: {  	_ =	swait.ge [sflag:s14], $0x4000  }
0x56: {  	[sflag:s14] =	ssyncset.done $0x0  }
0x57: {  	[sflag:s14] =	ssyncadd.s32 $0xFFFFC000  }
0x58: {  	[bflag:$0x0] =	sbarrier.arrive $0xFFFF  }
0x59: {  	[hbm:s8], [sflag:s6] =	dma.local [spmem:s13], $0x2700  }
0x5a: {  	s20 =	sadd.s32 $0x1, s20;
	_ =	swait.ge [sflag:s14], $0x2700  }
0x5b: {  	p1 =	sne.s32 s20, s10;
	[sflag:s14] =	ssyncset.done $0x0  }
.Ltmp1:
0x5c: {  	s21 =	simm.s32 @!p0 $0x2;
	[sflag:s14] =	ssyncadd.s32 $0xFFFFD900;
	(pc) =	sbr.rel @p1 .LBB2_1-.Ltmp1, $4  }
0x5d: {  	[hbm:s9], [sflag:s6] =	dma.local @!p0 [spmem:s15], $0x100  }
0x5e: {  	_ =	swait.ge @!p0 [sflag:s21], $0x100  }
0x5f: {  	[sflag:s21] =	ssyncset.done @!p0 $0x0  }
0x60: {  	[sflag:s21] =	ssyncadd.s32 @!p0 $0xFFFFFF00  }
0x61: {  	_ =	sfence.sel $0x180000  }
0x62: {  	[bflag:$0x0] =	sbarrier.arrive $0xFFFF  }
0x63: {  	p0 =	sne.s32 s1, $0x0;
	_ =	strace $0x90000047  }
0x64: {  	s0 =	sadd.s32 @!p0 $0x100000, s0;
	[bflag:$0x2] =	sbarrier.arrive $0xFFFF  }
0x65: {  	[sflag:s0] =	ssyncadd.tile.s32 @!p0 $0x1;
	_ =	shalt  }
.Lfunc_end2:
_tile_overlayer_lowered:
.L_overlay_start_2:
0x66: {  	(tag) =	ssettag $0x2  }
0x67: {  	s0 =	rddreg [dreg:$0x0];
	s2 =	stileid.u32  }
0x68: {  	s1 =	rddreg [dreg:$0x1];
	p0 =	sne.s32 s2, $0x0  }
0x69: {  	s3 =	rddreg [dreg:$0x2];
	[bflag:$0x3] =	sbarrier.arrive $0xFFFF;
	s2 =	simm.s32 @!p0 $0x1C02  }
0x6a: {  	[timem:s3], [sflag:s2] =	dma.local @!p0 [hbm:s0], s1  }
0x6b: {  	s0 =	simm.s32 @!p0 $0x2  }
0x6c: {  	_ =	swait.ge @!p0 [sflag:s0], s1  }
0x6d: {  	s1 =	ssub.s32 @!p0 $0x0, s1;
	[sflag:s0] =	ssyncset.done @!p0 $0x0  }
0x6e: {  	[sflag:s0] =	ssyncadd.s32 @!p0 s1  }
0x6f: {  	[bflag:$0x3] =	sbarrier.arrive $0xFFFF  }
0x70: {  	_ =	shalt  }

</sc_bundles>
